<compile_context>
chip_gen: v7x
topology: tpu7x:2x2x1
jax: 0.10.2.dev20260603
libtpu: 0.0.44.dev20260713+nightly
codegen_flags: <defaults>
</compile_context>

<pallas_src>
import functools

import jax
import jax.numpy as jnp
from jax import lax
from jax.experimental import pallas as pl
from jax.experimental.pallas import tpu as pltpu
from jax.experimental.pallas import tpu_sc as plsc

DIM = 64
BATCH = 4096
SEQ = 200
NUM_CORES = 2
NUM_SUBCORES = 16
NUM_WORKERS = NUM_CORES * NUM_SUBCORES
BBLK = BATCH // NUM_WORKERS
NBUF = 5
NGROUP = SEQ // NBUF
LANES = 16


def _build():
    mesh = plsc.VectorSubcoreMesh(core_axis_name="c", subcore_axis_name="s")

    @functools.partial(
        pl.kernel,
        mesh=mesh,
        out_type=jax.ShapeDtypeStruct(
            (SEQ, DIM // 8, NUM_WORKERS, 8 * BBLK), jnp.float32),
        scratch_types=[
            pltpu.VMEM((SEQ // 8, 8, BBLK), jnp.int32),
            pltpu.VMEM((NBUF, BBLK, DIM), jnp.float32),
            pltpu.VMEM((NBUF, DIM // 8, 8 * BBLK), jnp.float32),
            pltpu.SemaphoreType.DMA((NBUF,)),
            pltpu.SemaphoreType.DMA((NBUF,)),
        ],
        compiler_params=pltpu.CompilerParams(
            use_tc_tiling_on_sc=False, needs_layout_passes=False),
    )
    def emb(idxt_hbm, w_hbm, out_hbm, idx_v, rows_v, obuf_v, gsem, osem):
        wid = lax.axis_index("s") * NUM_CORES + lax.axis_index("c")
        pltpu.sync_copy(idxt_hbm.at[:, wid], idx_v)

        lane = lax.iota(jnp.int32, LANES)
        jrow = [k * LANES + lane for k in range(BBLK // LANES)]

        def idx_row(s):
            return idx_v.at[lax.shift_right_logical(s, 3),
                            lax.bitwise_and(s, 7)]

        def fire_gather(s, b):
            pltpu.async_copy(w_hbm.at[idx_row(s)], rows_v.at[b], gsem.at[b])

        def drain_gather(s, b):
            pltpu.make_async_copy(
                w_hbm.at[idx_row(s)], rows_v.at[b], gsem.at[b]).wait()

        def transpose(b):
            @plsc.parallel_loop(0, DIM, 1, unroll=2)
            def _(d):
                dp = lax.bitwise_and(d + lane, DIM - 1)
                drow = lax.shift_right_logical(dp, 3)
                dcol = lax.shift_left(lax.bitwise_and(dp, 7), 7)
                for k in range(BBLK // LANES):
                    v = plsc.load_gather(rows_v.at[b], [jrow[k], dp])
                    plsc.store_scatter(
                        obuf_v.at[b], [drow, dcol + jrow[k]], v)

        def out_slice(s):
            return out_hbm.at[s, :, wid]

        def fire_out(s, b):
            pltpu.async_copy(obuf_v.at[b], out_slice(s), osem.at[b])

        def drain_out(s, b):
            pltpu.make_async_copy(obuf_v.at[b], out_slice(s), osem.at[b]).wait()

        for b in range(2):
            fire_gather(b, b)

        def body(g, carry):
            s0 = g * NBUF
            for b in range(NBUF):
                s = s0 + b
                b2 = (b + 2) % NBUF

                @pl.when(s + 2 < SEQ)
                def _():
                    @pl.when(s + 2 - NBUF >= 0)
                    def _():
                        drain_out(s + 2 - NBUF, b2)
                    fire_gather(s + 2, b2)

                drain_gather(s, b)
                transpose(b)
                fire_out(s, b)
            return carry

        lax.fori_loop(0, NGROUP, body, 0)

        for s in range(SEQ - NBUF, SEQ):
            drain_out(s, s % NBUF)

    return emb


_emb = _build()


def kernel(token_ids, weight):
    idxt = token_ids.T.reshape(SEQ // 8, 8, NUM_WORKERS, BBLK).transpose(
        0, 2, 1, 3)
    out4 = _emb(idxt, weight)
    out5 = out4.reshape(SEQ, DIM // 8, NUM_WORKERS, 8, BBLK)
    return out5.transpose(2, 4, 0, 1, 3).reshape(BATCH, SEQ, DIM)

# --- scband reference (transcript-rebuilt; emitter-appended) ---
"""Pipeline reference for scband-embedding-35639638622395 (READ-ONLY COPY).

The authoritative reference and input builder live on the scoring server;
editing this copy changes nothing except your own understanding.
"""

import jax, jax.numpy as jnp
import numpy as np

NUM_EMBEDDING = 1000000
EMBEDDING_DIM = 64


def setup_inputs(seed: int = 0) -> dict:
    key = jax.random.key(seed)
    k_idx, k_w = jax.random.split(key)
    token_ids = jax.random.randint(k_idx, (4096, 200), 0, NUM_EMBEDDING, dtype=jnp.int64 if jax.config.jax_enable_x64 else jnp.int32)
    # trunc_normal_(mean=0, std=1, a=-3, b=3)
    weight = jax.random.truncated_normal(k_w, -3.0, 3.0, (NUM_EMBEDDING, EMBEDDING_DIM), dtype=jnp.float32)
    return {"token_ids": token_ids, "weight": weight}


def reference(token_ids, weight):
    # weight[token_ids] -> gather rows: (B, S, D)
    return jnp.take(weight, token_ids, axis=0)

if __name__ == "__main__":
    import jax
    _d = setup_inputs()
    print(jax.jit(kernel)(*tuple(_d.values())))

</pallas_src>

<mosaic_0001>
#map = affine_map<(d0, d1) -> (0, 0, 0, 0)>
#map1 = affine_map<(d0, d1) -> (0, 0)>
module attributes {stable_mosaic.version = 14 : i64} {
  func.func @emb(%arg0: i32, %arg1: i32, %arg2: memref<25x32x8x128xi32, #tpu.memory_space<hbm>>, %arg3: memref<1000000x64xf32, #tpu.memory_space<hbm>>, %arg4: memref<200x8x32x1024xf32, #tpu.memory_space<hbm>>, %arg5: memref<25x8x128xi32, #tpu.memory_space<vmem>>, %arg6: memref<5x128x64xf32, #tpu.memory_space<vmem>>, %arg7: memref<5x8x1024xf32, #tpu.memory_space<vmem>>, %arg8: memref<5x!tpu.dma_semaphore, #tpu.memory_space<semaphore_mem>>, %arg9: memref<5x!tpu.dma_semaphore, #tpu.memory_space<semaphore_mem>>) attributes {dimension_semantics = [#tpu.dimension_semantics<core_parallel>, #tpu.dimension_semantics<subcore_parallel>], iteration_bounds = array<i64: 2, 16>, scalar_prefetch = 0 : i64, scratch_operands = 5 : i64, tpu.core_type = #tpu.core_type<sc_vector_subcore>, window_params = [{transform_indices = #map}, {transform_indices = #map1}, {transform_indices = #map}]} {
    %mul3A = arith.constant 2 : i32
    %mul3A_0 = arith.muli %arg1, %mul3A : i32
    %add3A = arith.addi %mul3A_0, %arg0 : i32
    "tpu.region"() ({
      %run_scoped3A = tpu.sem_alloc : memref<!tpu.dma_semaphore, #tpu.memory_space<semaphore_mem>>
      %dma_start3A_171 = arith.constant 0 : i32
      %dma_start3A_172 = arith.constant 0 : i32
      %dma_start3A_173 = arith.constant 0 : i32
      %dma_start3A_174 = tpu.memref_slice %arg2[%dma_start3A_171, %add3A, %dma_start3A_172, %dma_start3A_173] : memref<25x32x8x128xi32, #tpu.memory_space<hbm>> -> memref<25x1x8x128xi32, #tpu.memory_space<hbm>>
      %dma_start3A_175 = tpu.memref_squeeze %dma_start3A_174 : memref<25x1x8x128xi32, #tpu.memory_space<hbm>> -> memref<25x8x128xi32, #tpu.memory_space<hbm>>
      %dma_start3A_176 = arith.constant 0 : i32
      %dma_start3A_177 = arith.constant 0 : i32
      %dma_start3A_178 = arith.constant 0 : i32
      %dma_start3A_179 = tpu.memref_slice %arg2[%dma_start3A_176, %add3A, %dma_start3A_177, %dma_start3A_178] : memref<25x32x8x128xi32, #tpu.memory_space<hbm>> -> memref<25x1x8x128xi32, #tpu.memory_space<hbm>>
      %dma_start3A_180 = tpu.memref_squeeze %dma_start3A_179 : memref<25x1x8x128xi32, #tpu.memory_space<hbm>> -> memref<25x8x128xi32, #tpu.memory_space<hbm>>
      tpu.enqueue_dma source(%dma_start3A_180 : memref<25x8x128xi32, #tpu.memory_space<hbm>>) target(%arg5 : memref<25x8x128xi32, #tpu.memory_space<vmem>>) target_semaphore(%run_scoped3A : memref<!tpu.dma_semaphore, #tpu.memory_space<semaphore_mem>>)
      %dma_wait3A_181 = arith.constant 0 : i32
      %dma_wait3A_182 = arith.constant 0 : i32
      %dma_wait3A_183 = arith.constant 0 : i32
      %dma_wait3A_184 = tpu.memref_slice %arg2[%dma_wait3A_181, %add3A, %dma_wait3A_182, %dma_wait3A_183] : memref<25x32x8x128xi32, #tpu.memory_space<hbm>> -> memref<25x1x8x128xi32, #tpu.memory_space<hbm>>
      %dma_wait3A_185 = tpu.memref_squeeze %dma_wait3A_184 : memref<25x1x8x128xi32, #tpu.memory_space<hbm>> -> memref<25x8x128xi32, #tpu.memory_space<hbm>>
      %dma_wait3A_186 = arith.constant 0 : i32
      %dma_wait3A_187 = arith.constant 0 : i32
      %dma_wait3A_188 = arith.constant 0 : i32
      %dma_wait3A_189 = tpu.memref_slice %arg2[%dma_wait3A_186, %add3A, %dma_wait3A_187, %dma_wait3A_188] : memref<25x32x8x128xi32, #tpu.memory_space<hbm>> -> memref<25x1x8x128xi32, #tpu.memory_space<hbm>>
      %dma_wait3A_190 = tpu.memref_squeeze %dma_wait3A_189 : memref<25x1x8x128xi32, #tpu.memory_space<hbm>> -> memref<25x8x128xi32, #tpu.memory_space<hbm>>
      tpu.wait_dma2 semaphore(%run_scoped3A : memref<!tpu.dma_semaphore, #tpu.memory_space<semaphore_mem>>) src(%dma_wait3A_190 : memref<25x8x128xi32, #tpu.memory_space<hbm>>) dst(%arg5 : memref<25x8x128xi32, #tpu.memory_space<vmem>>)
      tpu.yield
    }) : () -> ()
    %iota3A = tpu.iota {dimensions = array<i32: 0>} : vector<16xi32>
    %add3A_1 = arith.constant 0 : i32
    %add3A_2 = vector.broadcast %add3A_1 : i32 to vector<16xi32>
    %add3A_3 = arith.addi %add3A_2, %iota3A : vector<16xi32>
    %add3A_4 = arith.constant 16 : i32
    %add3A_5 = vector.broadcast %add3A_4 : i32 to vector<16xi32>
    %add3A_6 = arith.addi %add3A_5, %iota3A : vector<16xi32>
    %add3A_7 = arith.constant 32 : i32
    %add3A_8 = vector.broadcast %add3A_7 : i32 to vector<16xi32>
    %add3A_9 = arith.addi %add3A_8, %iota3A : vector<16xi32>
    %add3A_10 = arith.constant 48 : i32
    %add3A_11 = vector.broadcast %add3A_10 : i32 to vector<16xi32>
    %add3A_12 = arith.addi %add3A_11, %iota3A : vector<16xi32>
    %add3A_13 = arith.constant 64 : i32
    %add3A_14 = vector.broadcast %add3A_13 : i32 to vector<16xi32>
    %add3A_15 = arith.addi %add3A_14, %iota3A : vector<16xi32>
    %add3A_16 = arith.constant 80 : i32
    %add3A_17 = vector.broadcast %add3A_16 : i32 to vector<16xi32>
    %add3A_18 = arith.addi %add3A_17, %iota3A : vector<16xi32>
    %add3A_19 = arith.constant 96 : i32
    %add3A_20 = vector.broadcast %add3A_19 : i32 to vector<16xi32>
    %add3A_21 = arith.addi %add3A_20, %iota3A : vector<16xi32>
    %add3A_22 = arith.constant 112 : i32
    %add3A_23 = vector.broadcast %add3A_22 : i32 to vector<16xi32>
    %add3A_24 = arith.addi %add3A_23, %iota3A : vector<16xi32>
    %shift_right_logical3A = arith.constant 0 : i32
    %shift_right_logical3A_25 = arith.constant 3 : i32
    %shift_right_logical3A_26 = arith.shrui %shift_right_logical3A, %shift_right_logical3A_25 : i32
    %and3A = arith.constant 0 : i32
    %and3A_27 = arith.constant 7 : i32
    %and3A_28 = arith.andi %and3A, %and3A_27 : i32
    %dma_start3A = arith.constant 0 : i32
    %dma_start3A_29 = arith.constant 0 : i32
    %dma_start3A_30 = arith.constant 0 : i32
    %dma_start3A_31 = arith.constant 0 : i32
    %dma_start3A_32 = tpu.memref_slice %arg6[%dma_start3A, %dma_start3A_30, %dma_start3A_31] : memref<5x128x64xf32, #tpu.memory_space<vmem>> -> memref<1x128x64xf32, #tpu.memory_space<vmem>>
    %dma_start3A_33 = tpu.memref_squeeze %dma_start3A_32 : memref<1x128x64xf32, #tpu.memory_space<vmem>> -> memref<128x64xf32, #tpu.memory_space<vmem>>
    %dma_start3A_34 = arith.constant 0 : i32
    %dma_start3A_35 = tpu.memref_slice %arg5[%shift_right_logical3A_26, %and3A_28, %dma_start3A_34] : memref<25x8x128xi32, #tpu.memory_space<vmem>> -> memref<1x1x128xi32, #tpu.memory_space<vmem>>
    %dma_start3A_36 = tpu.memref_squeeze %dma_start3A_35 : memref<1x1x128xi32, #tpu.memory_space<vmem>> -> memref<128xi32, #tpu.memory_space<vmem>>
    %dma_start3A_37 = arith.constant 0 : i32
    %dma_start3A_38 = arith.constant 0 : i32
    %dma_start3A_39 = tpu.memref_slice %arg3[%dma_start3A_37, %dma_start3A_38] : memref<1000000x64xf32, #tpu.memory_space<hbm>> -> memref<1000000x64xf32, #tpu.memory_space<hbm>>
    %dma_start3A_40 = tpu.memref_slice %arg8[%dma_start3A_29] : memref<5x!tpu.dma_semaphore, #tpu.memory_space<semaphore_mem>> -> memref<1x!tpu.dma_semaphore, #tpu.memory_space<semaphore_mem>>
    %dma_start3A_41 = tpu.memref_squeeze %dma_start3A_40 : memref<1x!tpu.dma_semaphore, #tpu.memory_space<semaphore_mem>> -> memref<!tpu.dma_semaphore, #tpu.memory_space<semaphore_mem>>
    tpu.enqueue_indirect_dma source(%dma_start3A_39 : memref<1000000x64xf32, #tpu.memory_space<hbm>>) target(%dma_start3A_33 : memref<128x64xf32, #tpu.memory_space<vmem>>) offsets(%dma_start3A_36 : memref<128xi32, #tpu.memory_space<vmem>>) semaphore(%dma_start3A_41 : memref<!tpu.dma_semaphore, #tpu.memory_space<semaphore_mem>>)
    %shift_right_logical3A_42 = arith.constant 1 : i32
    %shift_right_logical3A_43 = arith.constant 3 : i32
    %shift_right_logical3A_44 = arith.shrui %shift_right_logical3A_42, %shift_right_logical3A_43 : i32
    %and3A_45 = arith.constant 1 : i32
    %and3A_46 = arith.constant 7 : i32
    %and3A_47 = arith.andi %and3A_45, %and3A_46 : i32
    %dma_start3A_48 = arith.constant 1 : i32
    %dma_start3A_49 = arith.constant 1 : i32
    %dma_start3A_50 = arith.constant 0 : i32
    %dma_start3A_51 = arith.constant 0 : i32
    %dma_start3A_52 = tpu.memref_slice %arg6[%dma_start3A_48, %dma_start3A_50, %dma_start3A_51] : memref<5x128x64xf32, #tpu.memory_space<vmem>> -> memref<1x128x64xf32, #tpu.memory_space<vmem>>
    %dma_start3A_53 = tpu.memref_squeeze %dma_start3A_52 : memref<1x128x64xf32, #tpu.memory_space<vmem>> -> memref<128x64xf32, #tpu.memory_space<vmem>>
    %dma_start3A_54 = arith.constant 0 : i32
    %dma_start3A_55 = tpu.memref_slice %arg5[%shift_right_logical3A_44, %and3A_47, %dma_start3A_54] : memref<25x8x128xi32, #tpu.memory_space<vmem>> -> memref<1x1x128xi32, #tpu.memory_space<vmem>>
    %dma_start3A_56 = tpu.memref_squeeze %dma_start3A_55 : memref<1x1x128xi32, #tpu.memory_space<vmem>> -> memref<128xi32, #tpu.memory_space<vmem>>
    %dma_start3A_57 = arith.constant 0 : i32
    %dma_start3A_58 = arith.constant 0 : i32
    %dma_start3A_59 = tpu.memref_slice %arg3[%dma_start3A_57, %dma_start3A_58] : memref<1000000x64xf32, #tpu.memory_space<hbm>> -> memref<1000000x64xf32, #tpu.memory_space<hbm>>
    %dma_start3A_60 = tpu.memref_slice %arg8[%dma_start3A_49] : memref<5x!tpu.dma_semaphore, #tpu.memory_space<semaphore_mem>> -> memref<1x!tpu.dma_semaphore, #tpu.memory_space<semaphore_mem>>
    %dma_start3A_61 = tpu.memref_squeeze %dma_start3A_60 : memref<1x!tpu.dma_semaphore, #tpu.memory_space<semaphore_mem>> -> memref<!tpu.dma_semaphore, #tpu.memory_space<semaphore_mem>>
    tpu.enqueue_indirect_dma source(%dma_start3A_59 : memref<1000000x64xf32, #tpu.memory_space<hbm>>) target(%dma_start3A_53 : memref<128x64xf32, #tpu.memory_space<vmem>>) offsets(%dma_start3A_56 : memref<128xi32, #tpu.memory_space<vmem>>) semaphore(%dma_start3A_61 : memref<!tpu.dma_semaphore, #tpu.memory_space<semaphore_mem>>)
    %scan3A = arith.constant 0 : i32
    %scan3A_62 = arith.constant 0 : i32
    %scan3A_63 = arith.constant 40 : i32
    %scan3A_64 = arith.addi %scan3A_62, %scan3A_63 : i32
    %scan3A_65 = arith.constant 1 : i32
    scf.for %scan3A_171 = %scan3A_62 to %scan3A_64 step %scan3A_65  : i32 {
      %mul3A_172 = arith.constant 5 : i32
      %mul3A_173 = arith.muli %scan3A_171, %mul3A_172 : i32
      %add3A_174 = arith.constant 0 : i32
      %add3A_175 = arith.addi %mul3A_173, %add3A_174 : i32
      %add3A_176 = arith.constant 2 : i32
      %add3A_177 = arith.addi %add3A_175, %add3A_176 : i32
      %lt3A = arith.constant 200 : i32
      %lt3A_178 = arith.cmpi slt, %add3A_177, %lt3A : i32
      %convert_element_type3A = arith.extui %lt3A_178 : i1 to i32
      %cond3A = arith.constant 0 : i32
      %cond3A_179 = arith.cmpi ne, %convert_element_type3A, %cond3A : i32
      scf.if %cond3A_179 {
        %add3A_420 = arith.constant 2 : i32
        %add3A_421 = arith.addi %add3A_175, %add3A_420 : i32
        %sub3A = arith.constant 5 : i32
        %sub3A_422 = arith.subi %add3A_421, %sub3A : i32
        %ge3A = arith.constant 0 : i32
        %ge3A_423 = arith.cmpi sge, %sub3A_422, %ge3A : i32
        %convert_element_type3A_424 = arith.extui %ge3A_423 : i1 to i32
        %cond3A_425 = arith.constant 0 : i32
        %cond3A_426 = arith.cmpi ne, %convert_element_type3A_424, %cond3A_425 : i32
        scf.if %cond3A_426 {
          %add3A_447 = arith.constant 2 : i32
          %add3A_448 = arith.addi %add3A_175, %add3A_447 : i32
          %sub3A_449 = arith.constant 5 : i32
          %sub3A_450 = arith.subi %add3A_448, %sub3A_449 : i32
          %dma_wait3A_451 = arith.constant 2 : i32
          %dma_wait3A_452 = arith.constant 2 : i32
          %dma_wait3A_453 = arith.constant 0 : i32
          %dma_wait3A_454 = arith.constant 0 : i32
          %dma_wait3A_455 = tpu.memref_slice %arg7[%dma_wait3A_451, %dma_wait3A_453, %dma_wait3A_454] : memref<5x8x1024xf32, #tpu.memory_space<vmem>> -> memref<1x8x1024xf32, #tpu.memory_space<vmem>>
          %dma_wait3A_456 = tpu.memref_squeeze %dma_wait3A_455 : memref<1x8x1024xf32, #tpu.memory_space<vmem>> -> memref<8x1024xf32, #tpu.memory_space<vmem>>
          %dma_wait3A_457 = arith.constant 0 : i32
          %dma_wait3A_458 = arith.constant 0 : i32
          %dma_wait3A_459 = tpu.memref_slice %arg4[%sub3A_450, %dma_wait3A_457, %add3A, %dma_wait3A_458] : memref<200x8x32x1024xf32, #tpu.memory_space<hbm>> -> memref<1x8x1x1024xf32, #tpu.memory_space<hbm>>
          %dma_wait3A_460 = tpu.memref_squeeze %dma_wait3A_459 : memref<1x8x1x1024xf32, #tpu.memory_space<hbm>> -> memref<8x1024xf32, #tpu.memory_space<hbm>>
          %dma_wait3A_461 = tpu.memref_slice %arg9[%dma_wait3A_452] : memref<5x!tpu.dma_semaphore, #tpu.memory_space<semaphore_mem>> -> memref<1x!tpu.dma_semaphore, #tpu.memory_space<semaphore_mem>>
          %dma_wait3A_462 = tpu.memref_squeeze %dma_wait3A_461 : memref<1x!tpu.dma_semaphore, #tpu.memory_space<semaphore_mem>> -> memref<!tpu.dma_semaphore, #tpu.memory_space<semaphore_mem>>
          %dma_wait3A_463 = arith.constant 0 : i32
          %dma_wait3A_464 = arith.constant 0 : i32
          %dma_wait3A_465 = tpu.memref_slice %arg4[%sub3A_450, %dma_wait3A_463, %add3A, %dma_wait3A_464] : memref<200x8x32x1024xf32, #tpu.memory_space<hbm>> -> memref<1x8x1x1024xf32, #tpu.memory_space<hbm>>
          %dma_wait3A_466 = tpu.memref_squeeze %dma_wait3A_465 : memref<1x8x1x1024xf32, #tpu.memory_space<hbm>> -> memref<8x1024xf32, #tpu.memory_space<hbm>>
          %dma_wait3A_467 = arith.constant 0 : i32
          %dma_wait3A_468 = arith.constant 0 : i32
          %dma_wait3A_469 = tpu.memref_slice %arg7[%dma_wait3A_451, %dma_wait3A_467, %dma_wait3A_468] : memref<5x8x1024xf32, #tpu.memory_space<vmem>> -> memref<1x8x1024xf32, #tpu.memory_space<vmem>>
          %dma_wait3A_470 = tpu.memref_squeeze %dma_wait3A_469 : memref<1x8x1024xf32, #tpu.memory_space<vmem>> -> memref<8x1024xf32, #tpu.memory_space<vmem>>
          tpu.wait_dma2 semaphore(%dma_wait3A_462 : memref<!tpu.dma_semaphore, #tpu.memory_space<semaphore_mem>>) src(%dma_wait3A_470 : memref<8x1024xf32, #tpu.memory_space<vmem>>) dst(%dma_wait3A_466 : memref<8x1024xf32, #tpu.memory_space<hbm>>)
        } else {
        }
        %add3A_427 = arith.constant 2 : i32
        %add3A_428 = arith.addi %add3A_175, %add3A_427 : i32
        %shift_right_logical3A_429 = arith.constant 3 : i32
        %shift_right_logical3A_430 = arith.shrui %add3A_428, %shift_right_logical3A_429 : i32
        %and3A_431 = arith.constant 7 : i32
        %and3A_432 = arith.andi %add3A_428, %and3A_431 : i32
        %dma_start3A_433 = arith.constant 2 : i32
        %dma_start3A_434 = arith.constant 2 : i32
        %dma_start3A_435 = arith.constant 0 : i32
        %dma_start3A_436 = arith.constant 0 : i32
        %dma_start3A_437 = tpu.memref_slice %arg6[%dma_start3A_433, %dma_start3A_435, %dma_start3A_436] : memref<5x128x64xf32, #tpu.memory_space<vmem>> -> memref<1x128x64xf32, #tpu.memory_space<vmem>>
        %dma_start3A_438 = tpu.memref_squeeze %dma_start3A_437 : memref<1x128x64xf32, #tpu.memory_space<vmem>> -> memref<128x64xf32, #tpu.memory_space<vmem>>
        %dma_start3A_439 = arith.constant 0 : i32
        %dma_start3A_440 = tpu.memref_slice %arg5[%shift_right_logical3A_430, %and3A_432, %dma_start3A_439] : memref<25x8x128xi32, #tpu.memory_space<vmem>> -> memref<1x1x128xi32, #tpu.memory_space<vmem>>
        %dma_start3A_441 = tpu.memref_squeeze %dma_start3A_440 : memref<1x1x128xi32, #tpu.memory_space<vmem>> -> memref<128xi32, #tpu.memory_space<vmem>>
        %dma_start3A_442 = arith.constant 0 : i32
        %dma_start3A_443 = arith.constant 0 : i32
        %dma_start3A_444 = tpu.memref_slice %arg3[%dma_start3A_442, %dma_start3A_443] : memref<1000000x64xf32, #tpu.memory_space<hbm>> -> memref<1000000x64xf32, #tpu.memory_space<hbm>>
        %dma_start3A_445 = tpu.memref_slice %arg8[%dma_start3A_434] : memref<5x!tpu.dma_semaphore, #tpu.memory_space<semaphore_mem>> -> memref<1x!tpu.dma_semaphore, #tpu.memory_space<semaphore_mem>>
        %dma_start3A_446 = tpu.memref_squeeze %dma_start3A_445 : memref<1x!tpu.dma_semaphore, #tpu.memory_space<semaphore_mem>> -> memref<!tpu.dma_semaphore, #tpu.memory_space<semaphore_mem>>
        tpu.enqueue_indirect_dma source(%dma_start3A_444 : memref<1000000x64xf32, #tpu.memory_space<hbm>>) target(%dma_start3A_438 : memref<128x64xf32, #tpu.memory_space<vmem>>) offsets(%dma_start3A_441 : memref<128xi32, #tpu.memory_space<vmem>>) semaphore(%dma_start3A_446 : memref<!tpu.dma_semaphore, #tpu.memory_space<semaphore_mem>>)
      } else {
      }
      %shift_right_logical3A_180 = arith.constant 3 : i32
      %shift_right_logical3A_181 = arith.shrui %add3A_175, %shift_right_logical3A_180 : i32
      %and3A_182 = arith.constant 7 : i32
      %and3A_183 = arith.andi %add3A_175, %and3A_182 : i32
      %dma_wait3A_184 = arith.constant 0 : i32
      %dma_wait3A_185 = arith.constant 0 : i32
      %dma_wait3A_186 = arith.constant 0 : i32
      %dma_wait3A_187 = arith.constant 0 : i32
      %dma_wait3A_188 = tpu.memref_slice %arg6[%dma_wait3A_184, %dma_wait3A_186, %dma_wait3A_187] : memref<5x128x64xf32, #tpu.memory_space<vmem>> -> memref<1x128x64xf32, #tpu.memory_space<vmem>>
      %dma_wait3A_189 = tpu.memref_squeeze %dma_wait3A_188 : memref<1x128x64xf32, #tpu.memory_space<vmem>> -> memref<128x64xf32, #tpu.memory_space<vmem>>
      %dma_wait3A_190 = arith.constant 0 : i32
      %dma_wait3A_191 = tpu.memref_slice %arg5[%shift_right_logical3A_181, %and3A_183, %dma_wait3A_190] : memref<25x8x128xi32, #tpu.memory_space<vmem>> -> memref<1x1x128xi32, #tpu.memory_space<vmem>>
      %dma_wait3A_192 = tpu.memref_squeeze %dma_wait3A_191 : memref<1x1x128xi32, #tpu.memory_space<vmem>> -> memref<128xi32, #tpu.memory_space<vmem>>
      %dma_wait3A_193 = arith.constant 0 : i32
      %dma_wait3A_194 = arith.constant 0 : i32
      %dma_wait3A_195 = tpu.memref_slice %arg3[%dma_wait3A_193, %dma_wait3A_194] : memref<1000000x64xf32, #tpu.memory_space<hbm>> -> memref<1000000x64xf32, #tpu.memory_space<hbm>>
      %dma_wait3A_196 = tpu.memref_slice %arg8[%dma_wait3A_185] : memref<5x!tpu.dma_semaphore, #tpu.memory_space<semaphore_mem>> -> memref<1x!tpu.dma_semaphore, #tpu.memory_space<semaphore_mem>>
      %dma_wait3A_197 = tpu.memref_squeeze %dma_wait3A_196 : memref<1x!tpu.dma_semaphore, #tpu.memory_space<semaphore_mem>> -> memref<!tpu.dma_semaphore, #tpu.memory_space<semaphore_mem>>
      tpu.wait_indirect_dma semaphore(%dma_wait3A_197 : memref<!tpu.dma_semaphore, #tpu.memory_space<semaphore_mem>>) src(%dma_wait3A_195 : memref<1000000x64xf32, #tpu.memory_space<hbm>>) dst(%dma_wait3A_189 : memref<128x64xf32, #tpu.memory_space<vmem>>)
      %parallel_loop3A = arith.constant 0 : i32
      %parallel_loop3A_198 = arith.constant 64 : i32
      %parallel_loop3A_199 = arith.constant 1 : i32
      scf.for %parallel_loop3A_420 = %parallel_loop3A to %parallel_loop3A_198 step %parallel_loop3A_199  : i32 {
        %parallel_loop3A_421 = vector.broadcast %parallel_loop3A_420 : i32 to vector<16xi32>
        %parallel_loop3A_422 = arith.addi %parallel_loop3A_421, %iota3A : vector<16xi32>
        %parallel_loop3A_423 = arith.constant 63 : i32
        %parallel_loop3A_424 = vector.broadcast %parallel_loop3A_423 : i32 to vector<16xi32>
        %parallel_loop3A_425 = arith.andi %parallel_loop3A_422, %parallel_loop3A_424 : vector<16xi32>
        %parallel_loop3A_426 = arith.constant 3 : i32
        %parallel_loop3A_427 = vector.broadcast %parallel_loop3A_426 : i32 to vector<16xi32>
        %parallel_loop3A_428 = arith.shrui %parallel_loop3A_425, %parallel_loop3A_427 : vector<16xi32>
        %parallel_loop3A_429 = arith.constant 7 : i32
        %parallel_loop3A_430 = vector.broadcast %parallel_loop3A_429 : i32 to vector<16xi32>
        %parallel_loop3A_431 = arith.andi %parallel_loop3A_425, %parallel_loop3A_430 : vector<16xi32>
        %parallel_loop3A_432 = arith.constant 7 : i32
        %parallel_loop3A_433 = vector.broadcast %parallel_loop3A_432 : i32 to vector<16xi32>
        %parallel_loop3A_434 = arith.shli %parallel_loop3A_431, %parallel_loop3A_433 : vector<16xi32>
        %parallel_loop3A_435 = arith.constant 0 : i32
        %parallel_loop3A_436 = arith.constant 0 : i32
        %parallel_loop3A_437 = arith.constant 0 : i32
        %parallel_loop3A_438 = tpu.memref_slice %arg6[%parallel_loop3A_435, %parallel_loop3A_436, %parallel_loop3A_437] : memref<5x128x64xf32, #tpu.memory_space<vmem>> -> memref<1x128x64xf32, #tpu.memory_space<vmem>>
        %parallel_loop3A_439 = tpu.memref_squeeze %parallel_loop3A_438 : memref<1x128x64xf32, #tpu.memory_space<vmem>> -> memref<128x64xf32, #tpu.memory_space<vmem>>
        %parallel_loop3A_440 = tpu.vector_load_idx %parallel_loop3A_439[%add3A_3, %parallel_loop3A_425] : memref<128x64xf32, #tpu.memory_space<vmem>>[vector<16xi32>, vector<16xi32>], vector<16xf32>,
        %parallel_loop3A_441 = arith.addi %parallel_loop3A_434, %add3A_3 : vector<16xi32>
        %parallel_loop3A_442 = arith.constant 0 : i32
        %parallel_loop3A_443 = arith.constant 0 : i32
        %parallel_loop3A_444 = arith.constant 0 : i32
        %parallel_loop3A_445 = tpu.memref_slice %arg7[%parallel_loop3A_442, %parallel_loop3A_443, %parallel_loop3A_444] : memref<5x8x1024xf32, #tpu.memory_space<vmem>> -> memref<1x8x1024xf32, #tpu.memory_space<vmem>>
        %parallel_loop3A_446 = tpu.memref_squeeze %parallel_loop3A_445 : memref<1x8x1024xf32, #tpu.memory_space<vmem>> -> memref<8x1024xf32, #tpu.memory_space<vmem>>
        tpu.vector_store_idx %parallel_loop3A_446[%parallel_loop3A_428, %parallel_loop3A_441], %parallel_loop3A_440 : memref<8x1024xf32, #tpu.memory_space<vmem>>[vector<16xi32>, vector<16xi32>], vector<16xf32>,
        %parallel_loop3A_447 = arith.constant 0 : i32
        %parallel_loop3A_448 = arith.constant 0 : i32
        %parallel_loop3A_449 = arith.constant 0 : i32
        %parallel_loop3A_450 = tpu.memref_slice %arg6[%parallel_loop3A_447, %parallel_loop3A_448, %parallel_loop3A_449] : memref<5x128x64xf32, #tpu.memory_space<vmem>> -> memref<1x128x64xf32, #tpu.memory_space<vmem>>
        %parallel_loop3A_451 = tpu.memref_squeeze %parallel_loop3A_450 : memref<1x128x64xf32, #tpu.memory_space<vmem>> -> memref<128x64xf32, #tpu.memory_space<vmem>>
        %parallel_loop3A_452 = tpu.vector_load_idx %parallel_loop3A_451[%add3A_6, %parallel_loop3A_425] : memref<128x64xf32, #tpu.memory_space<vmem>>[vector<16xi32>, vector<16xi32>], vector<16xf32>,
        %parallel_loop3A_453 = arith.addi %parallel_loop3A_434, %add3A_6 : vector<16xi32>
        %parallel_loop3A_454 = arith.constant 0 : i32
        %parallel_loop3A_455 = arith.constant 0 : i32
        %parallel_loop3A_456 = arith.constant 0 : i32
        %parallel_loop3A_457 = tpu.memref_slice %arg7[%parallel_loop3A_454, %parallel_loop3A_455, %parallel_loop3A_456] : memref<5x8x1024xf32, #tpu.memory_space<vmem>> -> memref<1x8x1024xf32, #tpu.memory_space<vmem>>
        %parallel_loop3A_458 = tpu.memref_squeeze %parallel_loop3A_457 : memref<1x8x1024xf32, #tpu.memory_space<vmem>> -> memref<8x1024xf32, #tpu.memory_space<vmem>>
        tpu.vector_store_idx %parallel_loop3A_458[%parallel_loop3A_428, %parallel_loop3A_453], %parallel_loop3A_452 : memref<8x1024xf32, #tpu.memory_space<vmem>>[vector<16xi32>, vector<16xi32>], vector<16xf32>,
        %parallel_loop3A_459 = arith.constant 0 : i32
        %parallel_loop3A_460 = arith.constant 0 : i32
        %parallel_loop3A_461 = arith.constant 0 : i32
        %parallel_loop3A_462 = tpu.memref_slice %arg6[%parallel_loop3A_459, %parallel_loop3A_460, %parallel_loop3A_461] : memref<5x128x64xf32, #tpu.memory_space<vmem>> -> memref<1x128x64xf32, #tpu.memory_space<vmem>>
        %parallel_loop3A_463 = tpu.memref_squeeze %parallel_loop3A_462 : memref<1x128x64xf32, #tpu.memory_space<vmem>> -> memref<128x64xf32, #tpu.memory_space<vmem>>
        %parallel_loop3A_464 = tpu.vector_load_idx %parallel_loop3A_463[%add3A_9, %parallel_loop3A_425] : memref<128x64xf32, #tpu.memory_space<vmem>>[vector<16xi32>, vector<16xi32>], vector<16xf32>,
        %parallel_loop3A_465 = arith.addi %parallel_loop3A_434, %add3A_9 : vector<16xi32>
        %parallel_loop3A_466 = arith.constant 0 : i32
        %parallel_loop3A_467 = arith.constant 0 : i32
        %parallel_loop3A_468 = arith.constant 0 : i32
        %parallel_loop3A_469 = tpu.memref_slice %arg7[%parallel_loop3A_466, %parallel_loop3A_467, %parallel_loop3A_468] : memref<5x8x1024xf32, #tpu.memory_space<vmem>> -> memref<1x8x1024xf32, #tpu.memory_space<vmem>>
        %parallel_loop3A_470 = tpu.memref_squeeze %parallel_loop3A_469 : memref<1x8x1024xf32, #tpu.memory_space<vmem>> -> memref<8x1024xf32, #tpu.memory_space<vmem>>
        tpu.vector_store_idx %parallel_loop3A_470[%parallel_loop3A_428, %parallel_loop3A_465], %parallel_loop3A_464 : memref<8x1024xf32, #tpu.memory_space<vmem>>[vector<16xi32>, vector<16xi32>], vector<16xf32>,
        %parallel_loop3A_471 = arith.constant 0 : i32
        %parallel_loop3A_472 = arith.constant 0 : i32
        %parallel_loop3A_473 = arith.constant 0 : i32
        %parallel_loop3A_474 = tpu.memref_slice %arg6[%parallel_loop3A_471, %parallel_loop3A_472, %parallel_loop3A_473] : memref<5x128x64xf32, #tpu.memory_space<vmem>> -> memref<1x128x64xf32, #tpu.memory_space<vmem>>
        %parallel_loop3A_475 = tpu.memref_squeeze %parallel_loop3A_474 : memref<1x128x64xf32, #tpu.memory_space<vmem>> -> memref<128x64xf32, #tpu.memory_space<vmem>>
        %parallel_loop3A_476 = tpu.vector_load_idx %parallel_loop3A_475[%add3A_12, %parallel_loop3A_425] : memref<128x64xf32, #tpu.memory_space<vmem>>[vector<16xi32>, vector<16xi32>], vector<16xf32>,
        %parallel_loop3A_477 = arith.addi %parallel_loop3A_434, %add3A_12 : vector<16xi32>
        %parallel_loop3A_478 = arith.constant 0 : i32
        %parallel_loop3A_479 = arith.constant 0 : i32
        %parallel_loop3A_480 = arith.constant 0 : i32
        %parallel_loop3A_481 = tpu.memref_slice %arg7[%parallel_loop3A_478, %parallel_loop3A_479, %parallel_loop3A_480] : memref<5x8x1024xf32, #tpu.memory_space<vmem>> -> memref<1x8x1024xf32, #tpu.memory_space<vmem>>
        %parallel_loop3A_482 = tpu.memref_squeeze %parallel_loop3A_481 : memref<1x8x1024xf32, #tpu.memory_space<vmem>> -> memref<8x1024xf32, #tpu.memory_space<vmem>>
        tpu.vector_store_idx %parallel_loop3A_482[%parallel_loop3A_428, %parallel_loop3A_477], %parallel_loop3A_476 : memref<8x1024xf32, #tpu.memory_space<vmem>>[vector<16xi32>, vector<16xi32>], vector<16xf32>,
        %parallel_loop3A_483 = arith.constant 0 : i32
        %parallel_loop3A_484 = arith.constant 0 : i32
        %parallel_loop3A_485 = arith.constant 0 : i32
        %parallel_loop3A_486 = tpu.memref_slice %arg6[%parallel_loop3A_483, %parallel_loop3A_484, %parallel_loop3A_485] : memref<5x128x64xf32, #tpu.memory_space<vmem>> -> memref<1x128x64xf32, #tpu.memory_space<vmem>>
        %parallel_loop3A_487 = tpu.memref_squeeze %parallel_loop3A_486 : memref<1x128x64xf32, #tpu.memory_space<vmem>> -> memref<128x64xf32, #tpu.memory_space<vmem>>
        %parallel_loop3A_488 = tpu.vector_load_idx %parallel_loop3A_487[%add3A_15, %parallel_loop3A_425] : memref<128x64xf32, #tpu.memory_space<vmem>>[vector<16xi32>, vector<16xi32>], vector<16xf32>,
        %parallel_loop3A_489 = arith.addi %parallel_loop3A_434, %add3A_15 : vector<16xi32>
        %parallel_loop3A_490 = arith.constant 0 : i32
        %parallel_loop3A_491 = arith.constant 0 : i32
        %parallel_loop3A_492 = arith.constant 0 : i32
        %parallel_loop3A_493 = tpu.memref_slice %arg7[%parallel_loop3A_490, %parallel_loop3A_491, %parallel_loop3A_492] : memref<5x8x1024xf32, #tpu.memory_space<vmem>> -> memref<1x8x1024xf32, #tpu.memory_space<vmem>>
        %parallel_loop3A_494 = tpu.memref_squeeze %parallel_loop3A_493 : memref<1x8x1024xf32, #tpu.memory_space<vmem>> -> memref<8x1024xf32, #tpu.memory_space<vmem>>
        tpu.vector_store_idx %parallel_loop3A_494[%parallel_loop3A_428, %parallel_loop3A_489], %parallel_loop3A_488 : memref<8x1024xf32, #tpu.memory_space<vmem>>[vector<16xi32>, vector<16xi32>], vector<16xf32>,
        %parallel_loop3A_495 = arith.constant 0 : i32
        %parallel_loop3A_496 = arith.constant 0 : i32
        %parallel_loop3A_497 = arith.constant 0 : i32
        %parallel_loop3A_498 = tpu.memref_slice %arg6[%parallel_loop3A_495, %parallel_loop3A_496, %parallel_loop3A_497] : memref<5x128x64xf32, #tpu.memory_space<vmem>> -> memref<1x128x64xf32, #tpu.memory_space<vmem>>
        %parallel_loop3A_499 = tpu.memref_squeeze %parallel_loop3A_498 : memref<1x128x64xf32, #tpu.memory_space<vmem>> -> memref<128x64xf32, #tpu.memory_space<vmem>>
        %parallel_loop3A_500 = tpu.vector_load_idx %parallel_loop3A_499[%add3A_18, %parallel_loop3A_425] : memref<128x64xf32, #tpu.memory_space<vmem>>[vector<16xi32>, vector<16xi32>], vector<16xf32>,
        %parallel_loop3A_501 = arith.addi %parallel_loop3A_434, %add3A_18 : vector<16xi32>
        %parallel_loop3A_502 = arith.constant 0 : i32
        %parallel_loop3A_503 = arith.constant 0 : i32
        %parallel_loop3A_504 = arith.constant 0 : i32
        %parallel_loop3A_505 = tpu.memref_slice %arg7[%parallel_loop3A_502, %parallel_loop3A_503, %parallel_loop3A_504] : memref<5x8x1024xf32, #tpu.memory_space<vmem>> -> memref<1x8x1024xf32, #tpu.memory_space<vmem>>
        %parallel_loop3A_506 = tpu.memref_squeeze %parallel_loop3A_505 : memref<1x8x1024xf32, #tpu.memory_space<vmem>> -> memref<8x1024xf32, #tpu.memory_space<vmem>>
        tpu.vector_store_idx %parallel_loop3A_506[%parallel_loop3A_428, %parallel_loop3A_501], %parallel_loop3A_500 : memref<8x1024xf32, #tpu.memory_space<vmem>>[vector<16xi32>, vector<16xi32>], vector<16xf32>,
        %parallel_loop3A_507 = arith.constant 0 : i32
        %parallel_loop3A_508 = arith.constant 0 : i32
        %parallel_loop3A_509 = arith.constant 0 : i32
        %parallel_loop3A_510 = tpu.memref_slice %arg6[%parallel_loop3A_507, %parallel_loop3A_508, %parallel_loop3A_509] : memref<5x128x64xf32, #tpu.memory_space<vmem>> -> memref<1x128x64xf32, #tpu.memory_space<vmem>>
        %parallel_loop3A_511 = tpu.memref_squeeze %parallel_loop3A_510 : memref<1x128x64xf32, #tpu.memory_space<vmem>> -> memref<128x64xf32, #tpu.memory_space<vmem>>
        %parallel_loop3A_512 = tpu.vector_load_idx %parallel_loop3A_511[%add3A_21, %parallel_loop3A_425] : memref<128x64xf32, #tpu.memory_space<vmem>>[vector<16xi32>, vector<16xi32>], vector<16xf32>,
        %parallel_loop3A_513 = arith.addi %parallel_loop3A_434, %add3A_21 : vector<16xi32>
        %parallel_loop3A_514 = arith.constant 0 : i32
        %parallel_loop3A_515 = arith.constant 0 : i32
        %parallel_loop3A_516 = arith.constant 0 : i32
        %parallel_loop3A_517 = tpu.memref_slice %arg7[%parallel_loop3A_514, %parallel_loop3A_515, %parallel_loop3A_516] : memref<5x8x1024xf32, #tpu.memory_space<vmem>> -> memref<1x8x1024xf32, #tpu.memory_space<vmem>>
        %parallel_loop3A_518 = tpu.memref_squeeze %parallel_loop3A_517 : memref<1x8x1024xf32, #tpu.memory_space<vmem>> -> memref<8x1024xf32, #tpu.memory_space<vmem>>
        tpu.vector_store_idx %parallel_loop3A_518[%parallel_loop3A_428, %parallel_loop3A_513], %parallel_loop3A_512 : memref<8x1024xf32, #tpu.memory_space<vmem>>[vector<16xi32>, vector<16xi32>], vector<16xf32>,
        %parallel_loop3A_519 = arith.constant 0 : i32
        %parallel_loop3A_520 = arith.constant 0 : i32
        %parallel_loop3A_521 = arith.constant 0 : i32
        %parallel_loop3A_522 = tpu.memref_slice %arg6[%parallel_loop3A_519, %parallel_loop3A_520, %parallel_loop3A_521] : memref<5x128x64xf32, #tpu.memory_space<vmem>> -> memref<1x128x64xf32, #tpu.memory_space<vmem>>
        %parallel_loop3A_523 = tpu.memref_squeeze %parallel_loop3A_522 : memref<1x128x64xf32, #tpu.memory_space<vmem>> -> memref<128x64xf32, #tpu.memory_space<vmem>>
        %parallel_loop3A_524 = tpu.vector_load_idx %parallel_loop3A_523[%add3A_24, %parallel_loop3A_425] : memref<128x64xf32, #tpu.memory_space<vmem>>[vector<16xi32>, vector<16xi32>], vector<16xf32>,
        %parallel_loop3A_525 = arith.addi %parallel_loop3A_434, %add3A_24 : vector<16xi32>
        %parallel_loop3A_526 = arith.constant 0 : i32
        %parallel_loop3A_527 = arith.constant 0 : i32
        %parallel_loop3A_528 = arith.constant 0 : i32
        %parallel_loop3A_529 = tpu.memref_slice %arg7[%parallel_loop3A_526, %parallel_loop3A_527, %parallel_loop3A_528] : memref<5x8x1024xf32, #tpu.memory_space<vmem>> -> memref<1x8x1024xf32, #tpu.memory_space<vmem>>
        %parallel_loop3A_530 = tpu.memref_squeeze %parallel_loop3A_529 : memref<1x8x1024xf32, #tpu.memory_space<vmem>> -> memref<8x1024xf32, #tpu.memory_space<vmem>>
        tpu.vector_store_idx %parallel_loop3A_530[%parallel_loop3A_428, %parallel_loop3A_525], %parallel_loop3A_524 : memref<8x1024xf32, #tpu.memory_space<vmem>>[vector<16xi32>, vector<16xi32>], vector<16xf32>,
      } {sc.loop_unroll_factor = 2 : i64, sc.parallel_access}
      %dma_start3A_200 = arith.constant 0 : i32
      %dma_start3A_201 = arith.constant 0 : i32
      %dma_start3A_202 = arith.constant 0 : i32
      %dma_start3A_203 = arith.constant 0 : i32
      %dma_start3A_204 = tpu.memref_slice %arg7[%dma_start3A_200, %dma_start3A_202, %dma_start3A_203] : memref<5x8x1024xf32, #tpu.memory_space<vmem>> -> memref<1x8x1024xf32, #tpu.memory_space<vmem>>
      %dma_start3A_205 = tpu.memref_squeeze %dma_start3A_204 : memref<1x8x1024xf32, #tpu.memory_space<vmem>> -> memref<8x1024xf32, #tpu.memory_space<vmem>>
      %dma_start3A_206 = arith.constant 0 : i32
      %dma_start3A_207 = arith.constant 0 : i32
      %dma_start3A_208 = tpu.memref_slice %arg4[%add3A_175, %dma_start3A_206, %add3A, %dma_start3A_207] : memref<200x8x32x1024xf32, #tpu.memory_space<hbm>> -> memref<1x8x1x1024xf32, #tpu.memory_space<hbm>>
      %dma_start3A_209 = tpu.memref_squeeze %dma_start3A_208 : memref<1x8x1x1024xf32, #tpu.memory_space<hbm>> -> memref<8x1024xf32, #tpu.memory_space<hbm>>
      %dma_start3A_210 = tpu.memref_slice %arg9[%dma_start3A_201] : memref<5x!tpu.dma_semaphore, #tpu.memory_space<semaphore_mem>> -> memref<1x!tpu.dma_semaphore, #tpu.memory_space<semaphore_mem>>
      %dma_start3A_211 = tpu.memref_squeeze %dma_start3A_210 : memref<1x!tpu.dma_semaphore, #tpu.memory_space<semaphore_mem>> -> memref<!tpu.dma_semaphore, #tpu.memory_space<semaphore_mem>>
      %dma_start3A_212 = arith.constant 0 : i32
      %dma_start3A_213 = arith.constant 0 : i32
      %dma_start3A_214 = tpu.memref_slice %arg4[%add3A_175, %dma_start3A_212, %add3A, %dma_start3A_213] : memref<200x8x32x1024xf32, #tpu.memory_space<hbm>> -> memref<1x8x1x1024xf32, #tpu.memory_space<hbm>>
      %dma_start3A_215 = tpu.memref_squeeze %dma_start3A_214 : memref<1x8x1x1024xf32, #tpu.memory_space<hbm>> -> memref<8x1024xf32, #tpu.memory_space<hbm>>
      %dma_start3A_216 = arith.constant 0 : i32
      %dma_start3A_217 = arith.constant 0 : i32
      %dma_start3A_218 = tpu.memref_slice %arg7[%dma_start3A_200, %dma_start3A_216, %dma_start3A_217] : memref<5x8x1024xf32, #tpu.memory_space<vmem>> -> memref<1x8x1024xf32, #tpu.memory_space<vmem>>
      %dma_start3A_219 = tpu.memref_squeeze %dma_start3A_218 : memref<1x8x1024xf32, #tpu.memory_space<vmem>> -> memref<8x1024xf32, #tpu.memory_space<vmem>>
      tpu.enqueue_dma source(%dma_start3A_219 : memref<8x1024xf32, #tpu.memory_space<vmem>>) target(%dma_start3A_215 : memref<8x1024xf32, #tpu.memory_space<hbm>>) target_semaphore(%dma_start3A_211 : memref<!tpu.dma_semaphore, #tpu.memory_space<semaphore_mem>>)
      %add3A_220 = arith.constant 1 : i32
      %add3A_221 = arith.addi %mul3A_173, %add3A_220 : i32
      %add3A_222 = arith.constant 2 : i32
      %add3A_223 = arith.addi %add3A_221, %add3A_222 : i32
      %lt3A_224 = arith.constant 200 : i32
      %lt3A_225 = arith.cmpi slt, %add3A_223, %lt3A_224 : i32
      %convert_element_type3A_226 = arith.extui %lt3A_225 : i1 to i32
      %cond3A_227 = arith.constant 0 : i32
      %cond3A_228 = arith.cmpi ne, %convert_element_type3A_226, %cond3A_227 : i32
      scf.if %cond3A_228 {
        %add3A_420 = arith.constant 2 : i32
        %add3A_421 = arith.addi %add3A_221, %add3A_420 : i32
        %sub3A = arith.constant 5 : i32
        %sub3A_422 = arith.subi %add3A_421, %sub3A : i32
        %ge3A = arith.constant 0 : i32
        %ge3A_423 = arith.cmpi sge, %sub3A_422, %ge3A : i32
        %convert_element_type3A_424 = arith.extui %ge3A_423 : i1 to i32
        %cond3A_425 = arith.constant 0 : i32
        %cond3A_426 = arith.cmpi ne, %convert_element_type3A_424, %cond3A_425 : i32
        scf.if %cond3A_426 {
          %add3A_447 = arith.constant 2 : i32
          %add3A_448 = arith.addi %add3A_221, %add3A_447 : i32
          %sub3A_449 = arith.constant 5 : i32
          %sub3A_450 = arith.subi %add3A_448, %sub3A_449 : i32
          %dma_wait3A_451 = arith.constant 3 : i32
          %dma_wait3A_452 = arith.constant 3 : i32
          %dma_wait3A_453 = arith.constant 0 : i32
          %dma_wait3A_454 = arith.constant 0 : i32
          %dma_wait3A_455 = tpu.memref_slice %arg7[%dma_wait3A_451, %dma_wait3A_453, %dma_wait3A_454] : memref<5x8x1024xf32, #tpu.memory_space<vmem>> -> memref<1x8x1024xf32, #tpu.memory_space<vmem>>
          %dma_wait3A_456 = tpu.memref_squeeze %dma_wait3A_455 : memref<1x8x1024xf32, #tpu.memory_space<vmem>> -> memref<8x1024xf32, #tpu.memory_space<vmem>>
          %dma_wait3A_457 = arith.constant 0 : i32
          %dma_wait3A_458 = arith.constant 0 : i32
          %dma_wait3A_459 = tpu.memref_slice %arg4[%sub3A_450, %dma_wait3A_457, %add3A, %dma_wait3A_458] : memref<200x8x32x1024xf32, #tpu.memory_space<hbm>> -> memref<1x8x1x1024xf32, #tpu.memory_space<hbm>>
          %dma_wait3A_460 = tpu.memref_squeeze %dma_wait3A_459 : memref<1x8x1x1024xf32, #tpu.memory_space<hbm>> -> memref<8x1024xf32, #tpu.memory_space<hbm>>
          %dma_wait3A_461 = tpu.memref_slice %arg9[%dma_wait3A_452] : memref<5x!tpu.dma_semaphore, #tpu.memory_space<semaphore_mem>> -> memref<1x!tpu.dma_semaphore, #tpu.memory_space<semaphore_mem>>
          %dma_wait3A_462 = tpu.memref_squeeze %dma_wait3A_461 : memref<1x!tpu.dma_semaphore, #tpu.memory_space<semaphore_mem>> -> memref<!tpu.dma_semaphore, #tpu.memory_space<semaphore_mem>>
          %dma_wait3A_463 = arith.constant 0 : i32
          %dma_wait3A_464 = arith.constant 0 : i32
          %dma_wait3A_465 = tpu.memref_slice %arg4[%sub3A_450, %dma_wait3A_463, %add3A, %dma_wait3A_464] : memref<200x8x32x1024xf32, #tpu.memory_space<hbm>> -> memref<1x8x1x1024xf32, #tpu.memory_space<hbm>>
          %dma_wait3A_466 = tpu.memref_squeeze %dma_wait3A_465 : memref<1x8x1x1024xf32, #tpu.memory_space<hbm>> -> memref<8x1024xf32, #tpu.memory_space<hbm>>
          %dma_wait3A_467 = arith.constant 0 : i32
          %dma_wait3A_468 = arith.constant 0 : i32
          %dma_wait3A_469 = tpu.memref_slice %arg7[%dma_wait3A_451, %dma_wait3A_467, %dma_wait3A_468] : memref<5x8x1024xf32, #tpu.memory_space<vmem>> -> memref<1x8x1024xf32, #tpu.memory_space<vmem>>
          %dma_wait3A_470 = tpu.memref_squeeze %dma_wait3A_469 : memref<1x8x1024xf32, #tpu.memory_space<vmem>> -> memref<8x1024xf32, #tpu.memory_space<vmem>>
          tpu.wait_dma2 semaphore(%dma_wait3A_462 : memref<!tpu.dma_semaphore, #tpu.memory_space<semaphore_mem>>) src(%dma_wait3A_470 : memref<8x1024xf32, #tpu.memory_space<vmem>>) dst(%dma_wait3A_466 : memref<8x1024xf32, #tpu.memory_space<hbm>>)
        } else {
        }
        %add3A_427 = arith.constant 2 : i32
        %add3A_428 = arith.addi %add3A_221, %add3A_427 : i32
        %shift_right_logical3A_429 = arith.constant 3 : i32
        %shift_right_logical3A_430 = arith.shrui %add3A_428, %shift_right_logical3A_429 : i32
        %and3A_431 = arith.constant 7 : i32
        %and3A_432 = arith.andi %add3A_428, %and3A_431 : i32
        %dma_start3A_433 = arith.constant 3 : i32
        %dma_start3A_434 = arith.constant 3 : i32
        %dma_start3A_435 = arith.constant 0 : i32
        %dma_start3A_436 = arith.constant 0 : i32
        %dma_start3A_437 = tpu.memref_slice %arg6[%dma_start3A_433, %dma_start3A_435, %dma_start3A_436] : memref<5x128x64xf32, #tpu.memory_space<vmem>> -> memref<1x128x64xf32, #tpu.memory_space<vmem>>
        %dma_start3A_438 = tpu.memref_squeeze %dma_start3A_437 : memref<1x128x64xf32, #tpu.memory_space<vmem>> -> memref<128x64xf32, #tpu.memory_space<vmem>>
        %dma_start3A_439 = arith.constant 0 : i32
        %dma_start3A_440 = tpu.memref_slice %arg5[%shift_right_logical3A_430, %and3A_432, %dma_start3A_439] : memref<25x8x128xi32, #tpu.memory_space<vmem>> -> memref<1x1x128xi32, #tpu.memory_space<vmem>>
        %dma_start3A_441 = tpu.memref_squeeze %dma_start3A_440 : memref<1x1x128xi32, #tpu.memory_space<vmem>> -> memref<128xi32, #tpu.memory_space<vmem>>
        %dma_start3A_442 = arith.constant 0 : i32
        %dma_start3A_443 = arith.constant 0 : i32
        %dma_start3A_444 = tpu.memref_slice %arg3[%dma_start3A_442, %dma_start3A_443] : memref<1000000x64xf32, #tpu.memory_space<hbm>> -> memref<1000000x64xf32, #tpu.memory_space<hbm>>
        %dma_start3A_445 = tpu.memref_slice %arg8[%dma_start3A_434] : memref<5x!tpu.dma_semaphore, #tpu.memory_space<semaphore_mem>> -> memref<1x!tpu.dma_semaphore, #tpu.memory_space<semaphore_mem>>
        %dma_start3A_446 = tpu.memref_squeeze %dma_start3A_445 : memref<1x!tpu.dma_semaphore, #tpu.memory_space<semaphore_mem>> -> memref<!tpu.dma_semaphore, #tpu.memory_space<semaphore_mem>>
        tpu.enqueue_indirect_dma source(%dma_start3A_444 : memref<1000000x64xf32, #tpu.memory_space<hbm>>) target(%dma_start3A_438 : memref<128x64xf32, #tpu.memory_space<vmem>>) offsets(%dma_start3A_441 : memref<128xi32, #tpu.memory_space<vmem>>) semaphore(%dma_start3A_446 : memref<!tpu.dma_semaphore, #tpu.memory_space<semaphore_mem>>)
      } else {
      }
      %shift_right_logical3A_229 = arith.constant 3 : i32
      %shift_right_logical3A_230 = arith.shrui %add3A_221, %shift_right_logical3A_229 : i32
      %and3A_231 = arith.constant 7 : i32
      %and3A_232 = arith.andi %add3A_221, %and3A_231 : i32
      %dma_wait3A_233 = arith.constant 1 : i32
      %dma_wait3A_234 = arith.constant 1 : i32
      %dma_wait3A_235 = arith.constant 0 : i32
      %dma_wait3A_236 = arith.constant 0 : i32
      %dma_wait3A_237 = tpu.memref_slice %arg6[%dma_wait3A_233, %dma_wait3A_235, %dma_wait3A_236] : memref<5x128x64xf32, #tpu.memory_space<vmem>> -> memref<1x128x64xf32, #tpu.memory_space<vmem>>
      %dma_wait3A_238 = tpu.memref_squeeze %dma_wait3A_237 : memref<1x128x64xf32, #tpu.memory_space<vmem>> -> memref<128x64xf32, #tpu.memory_space<vmem>>
      %dma_wait3A_239 = arith.constant 0 : i32
      %dma_wait3A_240 = tpu.memref_slice %arg5[%shift_right_logical3A_230, %and3A_232, %dma_wait3A_239] : memref<25x8x128xi32, #tpu.memory_space<vmem>> -> memref<1x1x128xi32, #tpu.memory_space<vmem>>
      %dma_wait3A_241 = tpu.memref_squeeze %dma_wait3A_240 : memref<1x1x128xi32, #tpu.memory_space<vmem>> -> memref<128xi32, #tpu.memory_space<vmem>>
      %dma_wait3A_242 = arith.constant 0 : i32
      %dma_wait3A_243 = arith.constant 0 : i32
      %dma_wait3A_244 = tpu.memref_slice %arg3[%dma_wait3A_242, %dma_wait3A_243] : memref<1000000x64xf32, #tpu.memory_space<hbm>> -> memref<1000000x64xf32, #tpu.memory_space<hbm>>
      %dma_wait3A_245 = tpu.memref_slice %arg8[%dma_wait3A_234] : memref<5x!tpu.dma_semaphore, #tpu.memory_space<semaphore_mem>> -> memref<1x!tpu.dma_semaphore, #tpu.memory_space<semaphore_mem>>
      %dma_wait3A_246 = tpu.memref_squeeze %dma_wait3A_245 : memref<1x!tpu.dma_semaphore, #tpu.memory_space<semaphore_mem>> -> memref<!tpu.dma_semaphore, #tpu.memory_space<semaphore_mem>>
      tpu.wait_indirect_dma semaphore(%dma_wait3A_246 : memref<!tpu.dma_semaphore, #tpu.memory_space<semaphore_mem>>) src(%dma_wait3A_244 : memref<1000000x64xf32, #tpu.memory_space<hbm>>) dst(%dma_wait3A_238 : memref<128x64xf32, #tpu.memory_space<vmem>>)
      %parallel_loop3A_247 = arith.constant 0 : i32
      %parallel_loop3A_248 = arith.constant 64 : i32
      %parallel_loop3A_249 = arith.constant 1 : i32
      scf.for %parallel_loop3A_420 = %parallel_loop3A_247 to %parallel_loop3A_248 step %parallel_loop3A_249  : i32 {
        %parallel_loop3A_421 = vector.broadcast %parallel_loop3A_420 : i32 to vector<16xi32>
        %parallel_loop3A_422 = arith.addi %parallel_loop3A_421, %iota3A : vector<16xi32>
        %parallel_loop3A_423 = arith.constant 63 : i32
        %parallel_loop3A_424 = vector.broadcast %parallel_loop3A_423 : i32 to vector<16xi32>
        %parallel_loop3A_425 = arith.andi %parallel_loop3A_422, %parallel_loop3A_424 : vector<16xi32>
        %parallel_loop3A_426 = arith.constant 3 : i32
        %parallel_loop3A_427 = vector.broadcast %parallel_loop3A_426 : i32 to vector<16xi32>
        %parallel_loop3A_428 = arith.shrui %parallel_loop3A_425, %parallel_loop3A_427 : vector<16xi32>
        %parallel_loop3A_429 = arith.constant 7 : i32
        %parallel_loop3A_430 = vector.broadcast %parallel_loop3A_429 : i32 to vector<16xi32>
        %parallel_loop3A_431 = arith.andi %parallel_loop3A_425, %parallel_loop3A_430 : vector<16xi32>
        %parallel_loop3A_432 = arith.constant 7 : i32
        %parallel_loop3A_433 = vector.broadcast %parallel_loop3A_432 : i32 to vector<16xi32>
        %parallel_loop3A_434 = arith.shli %parallel_loop3A_431, %parallel_loop3A_433 : vector<16xi32>
        %parallel_loop3A_435 = arith.constant 1 : i32
        %parallel_loop3A_436 = arith.constant 0 : i32
        %parallel_loop3A_437 = arith.constant 0 : i32
        %parallel_loop3A_438 = tpu.memref_slice %arg6[%parallel_loop3A_435, %parallel_loop3A_436, %parallel_loop3A_437] : memref<5x128x64xf32, #tpu.memory_space<vmem>> -> memref<1x128x64xf32, #tpu.memory_space<vmem>>
        %parallel_loop3A_439 = tpu.memref_squeeze %parallel_loop3A_438 : memref<1x128x64xf32, #tpu.memory_space<vmem>> -> memref<128x64xf32, #tpu.memory_space<vmem>>
        %parallel_loop3A_440 = tpu.vector_load_idx %parallel_loop3A_439[%add3A_3, %parallel_loop3A_425] : memref<128x64xf32, #tpu.memory_space<vmem>>[vector<16xi32>, vector<16xi32>], vector<16xf32>,
        %parallel_loop3A_441 = arith.addi %parallel_loop3A_434, %add3A_3 : vector<16xi32>
        %parallel_loop3A_442 = arith.constant 1 : i32
        %parallel_loop3A_443 = arith.constant 0 : i32
        %parallel_loop3A_444 = arith.constant 0 : i32
        %parallel_loop3A_445 = tpu.memref_slice %arg7[%parallel_loop3A_442, %parallel_loop3A_443, %parallel_loop3A_444] : memref<5x8x1024xf32, #tpu.memory_space<vmem>> -> memref<1x8x1024xf32, #tpu.memory_space<vmem>>
        %parallel_loop3A_446 = tpu.memref_squeeze %parallel_loop3A_445 : memref<1x8x1024xf32, #tpu.memory_space<vmem>> -> memref<8x1024xf32, #tpu.memory_space<vmem>>
        tpu.vector_store_idx %parallel_loop3A_446[%parallel_loop3A_428, %parallel_loop3A_441], %parallel_loop3A_440 : memref<8x1024xf32, #tpu.memory_space<vmem>>[vector<16xi32>, vector<16xi32>], vector<16xf32>,
        %parallel_loop3A_447 = arith.constant 1 : i32
        %parallel_loop3A_448 = arith.constant 0 : i32
        %parallel_loop3A_449 = arith.constant 0 : i32
        %parallel_loop3A_450 = tpu.memref_slice %arg6[%parallel_loop3A_447, %parallel_loop3A_448, %parallel_loop3A_449] : memref<5x128x64xf32, #tpu.memory_space<vmem>> -> memref<1x128x64xf32, #tpu.memory_space<vmem>>
        %parallel_loop3A_451 = tpu.memref_squeeze %parallel_loop3A_450 : memref<1x128x64xf32, #tpu.memory_space<vmem>> -> memref<128x64xf32, #tpu.memory_space<vmem>>
        %parallel_loop3A_452 = tpu.vector_load_idx %parallel_loop3A_451[%add3A_6, %parallel_loop3A_425] : memref<128x64xf32, #tpu.memory_space<vmem>>[vector<16xi32>, vector<16xi32>], vector<16xf32>,
        %parallel_loop3A_453 = arith.addi %parallel_loop3A_434, %add3A_6 : vector<16xi32>
        %parallel_loop3A_454 = arith.constant 1 : i32
        %parallel_loop3A_455 = arith.constant 0 : i32
        %parallel_loop3A_456 = arith.constant 0 : i32
        %parallel_loop3A_457 = tpu.memref_slice %arg7[%parallel_loop3A_454, %parallel_loop3A_455, %parallel_loop3A_456] : memref<5x8x1024xf32, #tpu.memory_space<vmem>> -> memref<1x8x1024xf32, #tpu.memory_space<vmem>>
        %parallel_loop3A_458 = tpu.memref_squeeze %parallel_loop3A_457 : memref<1x8x1024xf32, #tpu.memory_space<vmem>> -> memref<8x1024xf32, #tpu.memory_space<vmem>>
        tpu.vector_store_idx %parallel_loop3A_458[%parallel_loop3A_428, %parallel_loop3A_453], %parallel_loop3A_452 : memref<8x1024xf32, #tpu.memory_space<vmem>>[vector<16xi32>, vector<16xi32>], vector<16xf32>,
        %parallel_loop3A_459 = arith.constant 1 : i32
        %parallel_loop3A_460 = arith.constant 0 : i32
        %parallel_loop3A_461 = arith.constant 0 : i32
        %parallel_loop3A_462 = tpu.memref_slice %arg6[%parallel_loop3A_459, %parallel_loop3A_460, %parallel_loop3A_461] : memref<5x128x64xf32, #tpu.memory_space<vmem>> -> memref<1x128x64xf32, #tpu.memory_space<vmem>>
        %parallel_loop3A_463 = tpu.memref_squeeze %parallel_loop3A_462 : memref<1x128x64xf32, #tpu.memory_space<vmem>> -> memref<128x64xf32, #tpu.memory_space<vmem>>
        %parallel_loop3A_464 = tpu.vector_load_idx %parallel_loop3A_463[%add3A_9, %parallel_loop3A_425] : memref<128x64xf32, #tpu.memory_space<vmem>>[vector<16xi32>, vector<16xi32>], vector<16xf32>,
        %parallel_loop3A_465 = arith.addi %parallel_loop3A_434, %add3A_9 : vector<16xi32>
        %parallel_loop3A_466 = arith.constant 1 : i32
        %parallel_loop3A_467 = arith.constant 0 : i32
        %parallel_loop3A_468 = arith.constant 0 : i32
        %parallel_loop3A_469 = tpu.memref_slice %arg7[%parallel_loop3A_466, %parallel_loop3A_467, %parallel_loop3A_468] : memref<5x8x1024xf32, #tpu.memory_space<vmem>> -> memref<1x8x1024xf32, #tpu.memory_space<vmem>>
        %parallel_loop3A_470 = tpu.memref_squeeze %parallel_loop3A_469 : memref<1x8x1024xf32, #tpu.memory_space<vmem>> -> memref<8x1024xf32, #tpu.memory_space<vmem>>
        tpu.vector_store_idx %parallel_loop3A_470[%parallel_loop3A_428, %parallel_loop3A_465], %parallel_loop3A_464 : memref<8x1024xf32, #tpu.memory_space<vmem>>[vector<16xi32>, vector<16xi32>], vector<16xf32>,
        %parallel_loop3A_471 = arith.constant 1 : i32
        %parallel_loop3A_472 = arith.constant 0 : i32
        %parallel_loop3A_473 = arith.constant 0 : i32
        %parallel_loop3A_474 = tpu.memref_slice %arg6[%parallel_loop3A_471, %parallel_loop3A_472, %parallel_loop3A_473] : memref<5x128x64xf32, #tpu.memory_space<vmem>> -> memref<1x128x64xf32, #tpu.memory_space<vmem>>
        %parallel_loop3A_475 = tpu.memref_squeeze %parallel_loop3A_474 : memref<1x128x64xf32, #tpu.memory_space<vmem>> -> memref<128x64xf32, #tpu.memory_space<vmem>>
        %parallel_loop3A_476 = tpu.vector_load_idx %parallel_loop3A_475[%add3A_12, %parallel_loop3A_425] : memref<128x64xf32, #tpu.memory_space<vmem>>[vector<16xi32>, vector<16xi32>], vector<16xf32>,
        %parallel_loop3A_477 = arith.addi %parallel_loop3A_434, %add3A_12 : vector<16xi32>
        %parallel_loop3A_478 = arith.constant 1 : i32
        %parallel_loop3A_479 = arith.constant 0 : i32
        %parallel_loop3A_480 = arith.constant 0 : i32
        %parallel_loop3A_481 = tpu.memref_slice %arg7[%parallel_loop3A_478, %parallel_loop3A_479, %parallel_loop3A_480] : memref<5x8x1024xf32, #tpu.memory_space<vmem>> -> memref<1x8x1024xf32, #tpu.memory_space<vmem>>
        %parallel_loop3A_482 = tpu.memref_squeeze %parallel_loop3A_481 : memref<1x8x1024xf32, #tpu.memory_space<vmem>> -> memref<8x1024xf32, #tpu.memory_space<vmem>>
        tpu.vector_store_idx %parallel_loop3A_482[%parallel_loop3A_428, %parallel_loop3A_477], %parallel_loop3A_476 : memref<8x1024xf32, #tpu.memory_space<vmem>>[vector<16xi32>, vector<16xi32>], vector<16xf32>,
        %parallel_loop3A_483 = arith.constant 1 : i32
        %parallel_loop3A_484 = arith.constant 0 : i32
        %parallel_loop3A_485 = arith.constant 0 : i32
        %parallel_loop3A_486 = tpu.memref_slice %arg6[%parallel_loop3A_483, %parallel_loop3A_484, %parallel_loop3A_485] : memref<5x128x64xf32, #tpu.memory_space<vmem>> -> memref<1x128x64xf32, #tpu.memory_space<vmem>>
        %parallel_loop3A_487 = tpu.memref_squeeze %parallel_loop3A_486 : memref<1x128x64xf32, #tpu.memory_space<vmem>> -> memref<128x64xf32, #tpu.memory_space<vmem>>
        %parallel_loop3A_488 = tpu.vector_load_idx %parallel_loop3A_487[%add3A_15, %parallel_loop3A_425] : memref<128x64xf32, #tpu.memory_space<vmem>>[vector<16xi32>, vector<16xi32>], vector<16xf32>,
        %parallel_loop3A_489 = arith.addi %parallel_loop3A_434, %add3A_15 : vector<16xi32>
        %parallel_loop3A_490 = arith.constant 1 : i32
        %parallel_loop3A_491 = arith.constant 0 : i32
        %parallel_loop3A_492 = arith.constant 0 : i32
        %parallel_loop3A_493 = tpu.memref_slice %arg7[%parallel_loop3A_490, %parallel_loop3A_491, %parallel_loop3A_492] : memref<5x8x1024xf32, #tpu.memory_space<vmem>> -> memref<1x8x1024xf32, #tpu.memory_space<vmem>>
        %parallel_loop3A_494 = tpu.memref_squeeze %parallel_loop3A_493 : memref<1x8x1024xf32, #tpu.memory_space<vmem>> -> memref<8x1024xf32, #tpu.memory_space<vmem>>
        tpu.vector_store_idx %parallel_loop3A_494[%parallel_loop3A_428, %parallel_loop3A_489], %parallel_loop3A_488 : memref<8x1024xf32, #tpu.memory_space<vmem>>[vector<16xi32>, vector<16xi32>], vector<16xf32>,
        %parallel_loop3A_495 = arith.constant 1 : i32
        %parallel_loop3A_496 = arith.constant 0 : i32
        %parallel_loop3A_497 = arith.constant 0 : i32
        %parallel_loop3A_498 = tpu.memref_slice %arg6[%parallel_loop3A_495, %parallel_loop3A_496, %parallel_loop3A_497] : memref<5x128x64xf32, #tpu.memory_space<vmem>> -> memref<1x128x64xf32, #tpu.memory_space<vmem>>
        %parallel_loop3A_499 = tpu.memref_squeeze %parallel_loop3A_498 : memref<1x128x64xf32, #tpu.memory_space<vmem>> -> memref<128x64xf32, #tpu.memory_space<vmem>>
        %parallel_loop3A_500 = tpu.vector_load_idx %parallel_loop3A_499[%add3A_18, %parallel_loop3A_425] : memref<128x64xf32, #tpu.memory_space<vmem>>[vector<16xi32>, vector<16xi32>], vector<16xf32>,
        %parallel_loop3A_501 = arith.addi %parallel_loop3A_434, %add3A_18 : vector<16xi32>
        %parallel_loop3A_502 = arith.constant 1 : i32
        %parallel_loop3A_503 = arith.constant 0 : i32
        %parallel_loop3A_504 = arith.constant 0 : i32
        %parallel_loop3A_505 = tpu.memref_slice %arg7[%parallel_loop3A_502, %parallel_loop3A_503, %parallel_loop3A_504] : memref<5x8x1024xf32, #tpu.memory_space<vmem>> -> memref<1x8x1024xf32, #tpu.memory_space<vmem>>
        %parallel_loop3A_506 = tpu.memref_squeeze %parallel_loop3A_505 : memref<1x8x1024xf32, #tpu.memory_space<vmem>> -> memref<8x1024xf32, #tpu.memory_space<vmem>>
        tpu.vector_store_idx %parallel_loop3A_506[%parallel_loop3A_428, %parallel_loop3A_501], %parallel_loop3A_500 : memref<8x1024xf32, #tpu.memory_space<vmem>>[vector<16xi32>, vector<16xi32>], vector<16xf32>,
        %parallel_loop3A_507 = arith.constant 1 : i32
        %parallel_loop3A_508 = arith.constant 0 : i32
        %parallel_loop3A_509 = arith.constant 0 : i32
        %parallel_loop3A_510 = tpu.memref_slice %arg6[%parallel_loop3A_507, %parallel_loop3A_508, %parallel_loop3A_509] : memref<5x128x64xf32, #tpu.memory_space<vmem>> -> memref<1x128x64xf32, #tpu.memory_space<vmem>>
        %parallel_loop3A_511 = tpu.memref_squeeze %parallel_loop3A_510 : memref<1x128x64xf32, #tpu.memory_space<vmem>> -> memref<128x64xf32, #tpu.memory_space<vmem>>
        %parallel_loop3A_512 = tpu.vector_load_idx %parallel_loop3A_511[%add3A_21, %parallel_loop3A_425] : memref<128x64xf32, #tpu.memory_space<vmem>>[vector<16xi32>, vector<16xi32>], vector<16xf32>,
        %parallel_loop3A_513 = arith.addi %parallel_loop3A_434, %add3A_21 : vector<16xi32>
        %parallel_loop3A_514 = arith.constant 1 : i32
        %parallel_loop3A_515 = arith.constant 0 : i32
        %parallel_loop3A_516 = arith.constant 0 : i32
        %parallel_loop3A_517 = tpu.memref_slice %arg7[%parallel_loop3A_514, %parallel_loop3A_515, %parallel_loop3A_516] : memref<5x8x1024xf32, #tpu.memory_space<vmem>> -> memref<1x8x1024xf32, #tpu.memory_space<vmem>>
        %parallel_loop3A_518 = tpu.memref_squeeze %parallel_loop3A_517 : memref<1x8x1024xf32, #tpu.memory_space<vmem>> -> memref<8x1024xf32, #tpu.memory_space<vmem>>
        tpu.vector_store_idx %parallel_loop3A_518[%parallel_loop3A_428, %parallel_loop3A_513], %parallel_loop3A_512 : memref<8x1024xf32, #tpu.memory_space<vmem>>[vector<16xi32>, vector<16xi32>], vector<16xf32>,
        %parallel_loop3A_519 = arith.constant 1 : i32
        %parallel_loop3A_520 = arith.constant 0 : i32
        %parallel_loop3A_521 = arith.constant 0 : i32
        %parallel_loop3A_522 = tpu.memref_slice %arg6[%parallel_loop3A_519, %parallel_loop3A_520, %parallel_loop3A_521] : memref<5x128x64xf32, #tpu.memory_space<vmem>> -> memref<1x128x64xf32, #tpu.memory_space<vmem>>
        %parallel_loop3A_523 = tpu.memref_squeeze %parallel_loop3A_522 : memref<1x128x64xf32, #tpu.memory_space<vmem>> -> memref<128x64xf32, #tpu.memory_space<vmem>>
        %parallel_loop3A_524 = tpu.vector_load_idx %parallel_loop3A_523[%add3A_24, %parallel_loop3A_425] : memref<128x64xf32, #tpu.memory_space<vmem>>[vector<16xi32>, vector<16xi32>], vector<16xf32>,
        %parallel_loop3A_525 = arith.addi %parallel_loop3A_434, %add3A_24 : vector<16xi32>
        %parallel_loop3A_526 = arith.constant 1 : i32
        %parallel_loop3A_527 = arith.constant 0 : i32
        %parallel_loop3A_528 = arith.constant 0 : i32
        %parallel_loop3A_529 = tpu.memref_slice %arg7[%parallel_loop3A_526, %parallel_loop3A_527, %parallel_loop3A_528] : memref<5x8x1024xf32, #tpu.memory_space<vmem>> -> memref<1x8x1024xf32, #tpu.memory_space<vmem>>
        %parallel_loop3A_530 = tpu.memref_squeeze %parallel_loop3A_529 : memref<1x8x1024xf32, #tpu.memory_space<vmem>> -> memref<8x1024xf32, #tpu.memory_space<vmem>>
        tpu.vector_store_idx %parallel_loop3A_530[%parallel_loop3A_428, %parallel_loop3A_525], %parallel_loop3A_524 : memref<8x1024xf32, #tpu.memory_space<vmem>>[vector<16xi32>, vector<16xi32>], vector<16xf32>,
      } {sc.loop_unroll_factor = 2 : i64, sc.parallel_access}
      %dma_start3A_250 = arith.constant 1 : i32
      %dma_start3A_251 = arith.constant 1 : i32
      %dma_start3A_252 = arith.constant 0 : i32
      %dma_start3A_253 = arith.constant 0 : i32
      %dma_start3A_254 = tpu.memref_slice %arg7[%dma_start3A_250, %dma_start3A_252, %dma_start3A_253] : memref<5x8x1024xf32, #tpu.memory_space<vmem>> -> memref<1x8x1024xf32, #tpu.memory_space<vmem>>
      %dma_start3A_255 = tpu.memref_squeeze %dma_start3A_254 : memref<1x8x1024xf32, #tpu.memory_space<vmem>> -> memref<8x1024xf32, #tpu.memory_space<vmem>>
      %dma_start3A_256 = arith.constant 0 : i32
      %dma_start3A_257 = arith.constant 0 : i32
      %dma_start3A_258 = tpu.memref_slice %arg4[%add3A_221, %dma_start3A_256, %add3A, %dma_start3A_257] : memref<200x8x32x1024xf32, #tpu.memory_space<hbm>> -> memref<1x8x1x1024xf32, #tpu.memory_space<hbm>>
      %dma_start3A_259 = tpu.memref_squeeze %dma_start3A_258 : memref<1x8x1x1024xf32, #tpu.memory_space<hbm>> -> memref<8x1024xf32, #tpu.memory_space<hbm>>
      %dma_start3A_260 = tpu.memref_slice %arg9[%dma_start3A_251] : memref<5x!tpu.dma_semaphore, #tpu.memory_space<semaphore_mem>> -> memref<1x!tpu.dma_semaphore, #tpu.memory_space<semaphore_mem>>
      %dma_start3A_261 = tpu.memref_squeeze %dma_start3A_260 : memref<1x!tpu.dma_semaphore, #tpu.memory_space<semaphore_mem>> -> memref<!tpu.dma_semaphore, #tpu.memory_space<semaphore_mem>>
      %dma_start3A_262 = arith.constant 0 : i32
      %dma_start3A_263 = arith.constant 0 : i32
      %dma_start3A_264 = tpu.memref_slice %arg4[%add3A_221, %dma_start3A_262, %add3A, %dma_start3A_263] : memref<200x8x32x1024xf32, #tpu.memory_space<hbm>> -> memref<1x8x1x1024xf32, #tpu.memory_space<hbm>>
      %dma_start3A_265 = tpu.memref_squeeze %dma_start3A_264 : memref<1x8x1x1024xf32, #tpu.memory_space<hbm>> -> memref<8x1024xf32, #tpu.memory_space<hbm>>
      %dma_start3A_266 = arith.constant 0 : i32
      %dma_start3A_267 = arith.constant 0 : i32
      %dma_start3A_268 = tpu.memref_slice %arg7[%dma_start3A_250, %dma_start3A_266, %dma_start3A_267] : memref<5x8x1024xf32, #tpu.memory_space<vmem>> -> memref<1x8x1024xf32, #tpu.memory_space<vmem>>
      %dma_start3A_269 = tpu.memref_squeeze %dma_start3A_268 : memref<1x8x1024xf32, #tpu.memory_space<vmem>> -> memref<8x1024xf32, #tpu.memory_space<vmem>>
      tpu.enqueue_dma source(%dma_start3A_269 : memref<8x1024xf32, #tpu.memory_space<vmem>>) target(%dma_start3A_265 : memref<8x1024xf32, #tpu.memory_space<hbm>>) target_semaphore(%dma_start3A_261 : memref<!tpu.dma_semaphore, #tpu.memory_space<semaphore_mem>>)
      %add3A_270 = arith.constant 2 : i32
      %add3A_271 = arith.addi %mul3A_173, %add3A_270 : i32
      %add3A_272 = arith.constant 2 : i32
      %add3A_273 = arith.addi %add3A_271, %add3A_272 : i32
      %lt3A_274 = arith.constant 200 : i32
      %lt3A_275 = arith.cmpi slt, %add3A_273, %lt3A_274 : i32
      %convert_element_type3A_276 = arith.extui %lt3A_275 : i1 to i32
      %cond3A_277 = arith.constant 0 : i32
      %cond3A_278 = arith.cmpi ne, %convert_element_type3A_276, %cond3A_277 : i32
      scf.if %cond3A_278 {
        %add3A_420 = arith.constant 2 : i32
        %add3A_421 = arith.addi %add3A_271, %add3A_420 : i32
        %sub3A = arith.constant 5 : i32
        %sub3A_422 = arith.subi %add3A_421, %sub3A : i32
        %ge3A = arith.constant 0 : i32
        %ge3A_423 = arith.cmpi sge, %sub3A_422, %ge3A : i32
        %convert_element_type3A_424 = arith.extui %ge3A_423 : i1 to i32
        %cond3A_425 = arith.constant 0 : i32
        %cond3A_426 = arith.cmpi ne, %convert_element_type3A_424, %cond3A_425 : i32
        scf.if %cond3A_426 {
          %add3A_447 = arith.constant 2 : i32
          %add3A_448 = arith.addi %add3A_271, %add3A_447 : i32
          %sub3A_449 = arith.constant 5 : i32
          %sub3A_450 = arith.subi %add3A_448, %sub3A_449 : i32
          %dma_wait3A_451 = arith.constant 4 : i32
          %dma_wait3A_452 = arith.constant 4 : i32
          %dma_wait3A_453 = arith.constant 0 : i32
          %dma_wait3A_454 = arith.constant 0 : i32
          %dma_wait3A_455 = tpu.memref_slice %arg7[%dma_wait3A_451, %dma_wait3A_453, %dma_wait3A_454] : memref<5x8x1024xf32, #tpu.memory_space<vmem>> -> memref<1x8x1024xf32, #tpu.memory_space<vmem>>
          %dma_wait3A_456 = tpu.memref_squeeze %dma_wait3A_455 : memref<1x8x1024xf32, #tpu.memory_space<vmem>> -> memref<8x1024xf32, #tpu.memory_space<vmem>>
          %dma_wait3A_457 = arith.constant 0 : i32
          %dma_wait3A_458 = arith.constant 0 : i32
          %dma_wait3A_459 = tpu.memref_slice %arg4[%sub3A_450, %dma_wait3A_457, %add3A, %dma_wait3A_458] : memref<200x8x32x1024xf32, #tpu.memory_space<hbm>> -> memref<1x8x1x1024xf32, #tpu.memory_space<hbm>>
          %dma_wait3A_460 = tpu.memref_squeeze %dma_wait3A_459 : memref<1x8x1x1024xf32, #tpu.memory_space<hbm>> -> memref<8x1024xf32, #tpu.memory_space<hbm>>
          %dma_wait3A_461 = tpu.memref_slice %arg9[%dma_wait3A_452] : memref<5x!tpu.dma_semaphore, #tpu.memory_space<semaphore_mem>> -> memref<1x!tpu.dma_semaphore, #tpu.memory_space<semaphore_mem>>
          %dma_wait3A_462 = tpu.memref_squeeze %dma_wait3A_461 : memref<1x!tpu.dma_semaphore, #tpu.memory_space<semaphore_mem>> -> memref<!tpu.dma_semaphore, #tpu.memory_space<semaphore_mem>>
          %dma_wait3A_463 = arith.constant 0 : i32
          %dma_wait3A_464 = arith.constant 0 : i32
          %dma_wait3A_465 = tpu.memref_slice %arg4[%sub3A_450, %dma_wait3A_463, %add3A, %dma_wait3A_464] : memref<200x8x32x1024xf32, #tpu.memory_space<hbm>> -> memref<1x8x1x1024xf32, #tpu.memory_space<hbm>>
          %dma_wait3A_466 = tpu.memref_squeeze %dma_wait3A_465 : memref<1x8x1x1024xf32, #tpu.memory_space<hbm>> -> memref<8x1024xf32, #tpu.memory_space<hbm>>
          %dma_wait3A_467 = arith.constant 0 : i32
          %dma_wait3A_468 = arith.constant 0 : i32
          %dma_wait3A_469 = tpu.memref_slice %arg7[%dma_wait3A_451, %dma_wait3A_467, %dma_wait3A_468] : memref<5x8x1024xf32, #tpu.memory_space<vmem>> -> memref<1x8x1024xf32, #tpu.memory_space<vmem>>
          %dma_wait3A_470 = tpu.memref_squeeze %dma_wait3A_469 : memref<1x8x1024xf32, #tpu.memory_space<vmem>> -> memref<8x1024xf32, #tpu.memory_space<vmem>>
          tpu.wait_dma2 semaphore(%dma_wait3A_462 : memref<!tpu.dma_semaphore, #tpu.memory_space<semaphore_mem>>) src(%dma_wait3A_470 : memref<8x1024xf32, #tpu.memory_space<vmem>>) dst(%dma_wait3A_466 : memref<8x1024xf32, #tpu.memory_space<hbm>>)
        } else {
        }
        %add3A_427 = arith.constant 2 : i32
        %add3A_428 = arith.addi %add3A_271, %add3A_427 : i32
        %shift_right_logical3A_429 = arith.constant 3 : i32
        %shift_right_logical3A_430 = arith.shrui %add3A_428, %shift_right_logical3A_429 : i32
        %and3A_431 = arith.constant 7 : i32
        %and3A_432 = arith.andi %add3A_428, %and3A_431 : i32
        %dma_start3A_433 = arith.constant 4 : i32
        %dma_start3A_434 = arith.constant 4 : i32
        %dma_start3A_435 = arith.constant 0 : i32
        %dma_start3A_436 = arith.constant 0 : i32
        %dma_start3A_437 = tpu.memref_slice %arg6[%dma_start3A_433, %dma_start3A_435, %dma_start3A_436] : memref<5x128x64xf32, #tpu.memory_space<vmem>> -> memref<1x128x64xf32, #tpu.memory_space<vmem>>
        %dma_start3A_438 = tpu.memref_squeeze %dma_start3A_437 : memref<1x128x64xf32, #tpu.memory_space<vmem>> -> memref<128x64xf32, #tpu.memory_space<vmem>>
        %dma_start3A_439 = arith.constant 0 : i32
        %dma_start3A_440 = tpu.memref_slice %arg5[%shift_right_logical3A_430, %and3A_432, %dma_start3A_439] : memref<25x8x128xi32, #tpu.memory_space<vmem>> -> memref<1x1x128xi32, #tpu.memory_space<vmem>>
        %dma_start3A_441 = tpu.memref_squeeze %dma_start3A_440 : memref<1x1x128xi32, #tpu.memory_space<vmem>> -> memref<128xi32, #tpu.memory_space<vmem>>
        %dma_start3A_442 = arith.constant 0 : i32
        %dma_start3A_443 = arith.constant 0 : i32
        %dma_start3A_444 = tpu.memref_slice %arg3[%dma_start3A_442, %dma_start3A_443] : memref<1000000x64xf32, #tpu.memory_space<hbm>> -> memref<1000000x64xf32, #tpu.memory_space<hbm>>
        %dma_start3A_445 = tpu.memref_slice %arg8[%dma_start3A_434] : memref<5x!tpu.dma_semaphore, #tpu.memory_space<semaphore_mem>> -> memref<1x!tpu.dma_semaphore, #tpu.memory_space<semaphore_mem>>
        %dma_start3A_446 = tpu.memref_squeeze %dma_start3A_445 : memref<1x!tpu.dma_semaphore, #tpu.memory_space<semaphore_mem>> -> memref<!tpu.dma_semaphore, #tpu.memory_space<semaphore_mem>>
        tpu.enqueue_indirect_dma source(%dma_start3A_444 : memref<1000000x64xf32, #tpu.memory_space<hbm>>) target(%dma_start3A_438 : memref<128x64xf32, #tpu.memory_space<vmem>>) offsets(%dma_start3A_441 : memref<128xi32, #tpu.memory_space<vmem>>) semaphore(%dma_start3A_446 : memref<!tpu.dma_semaphore, #tpu.memory_space<semaphore_mem>>)
      } else {
      }
      %shift_right_logical3A_279 = arith.constant 3 : i32
      %shift_right_logical3A_280 = arith.shrui %add3A_271, %shift_right_logical3A_279 : i32
      %and3A_281 = arith.constant 7 : i32
      %and3A_282 = arith.andi %add3A_271, %and3A_281 : i32
      %dma_wait3A_283 = arith.constant 2 : i32
      %dma_wait3A_284 = arith.constant 2 : i32
      %dma_wait3A_285 = arith.constant 0 : i32
      %dma_wait3A_286 = arith.constant 0 : i32
      %dma_wait3A_287 = tpu.memref_slice %arg6[%dma_wait3A_283, %dma_wait3A_285, %dma_wait3A_286] : memref<5x128x64xf32, #tpu.memory_space<vmem>> -> memref<1x128x64xf32, #tpu.memory_space<vmem>>
      %dma_wait3A_288 = tpu.memref_squeeze %dma_wait3A_287 : memref<1x128x64xf32, #tpu.memory_space<vmem>> -> memref<128x64xf32, #tpu.memory_space<vmem>>
      %dma_wait3A_289 = arith.constant 0 : i32
      %dma_wait3A_290 = tpu.memref_slice %arg5[%shift_right_logical3A_280, %and3A_282, %dma_wait3A_289] : memref<25x8x128xi32, #tpu.memory_space<vmem>> -> memref<1x1x128xi32, #tpu.memory_space<vmem>>
      %dma_wait3A_291 = tpu.memref_squeeze %dma_wait3A_290 : memref<1x1x128xi32, #tpu.memory_space<vmem>> -> memref<128xi32, #tpu.memory_space<vmem>>
      %dma_wait3A_292 = arith.constant 0 : i32
      %dma_wait3A_293 = arith.constant 0 : i32
      %dma_wait3A_294 = tpu.memref_slice %arg3[%dma_wait3A_292, %dma_wait3A_293] : memref<1000000x64xf32, #tpu.memory_space<hbm>> -> memref<1000000x64xf32, #tpu.memory_space<hbm>>
      %dma_wait3A_295 = tpu.memref_slice %arg8[%dma_wait3A_284] : memref<5x!tpu.dma_semaphore, #tpu.memory_space<semaphore_mem>> -> memref<1x!tpu.dma_semaphore, #tpu.memory_space<semaphore_mem>>
      %dma_wait3A_296 = tpu.memref_squeeze %dma_wait3A_295 : memref<1x!tpu.dma_semaphore, #tpu.memory_space<semaphore_mem>> -> memref<!tpu.dma_semaphore, #tpu.memory_space<semaphore_mem>>
      tpu.wait_indirect_dma semaphore(%dma_wait3A_296 : memref<!tpu.dma_semaphore, #tpu.memory_space<semaphore_mem>>) src(%dma_wait3A_294 : memref<1000000x64xf32, #tpu.memory_space<hbm>>) dst(%dma_wait3A_288 : memref<128x64xf32, #tpu.memory_space<vmem>>)
      %parallel_loop3A_297 = arith.constant 0 : i32
      %parallel_loop3A_298 = arith.constant 64 : i32
      %parallel_loop3A_299 = arith.constant 1 : i32
      scf.for %parallel_loop3A_420 = %parallel_loop3A_297 to %parallel_loop3A_298 step %parallel_loop3A_299  : i32 {
        %parallel_loop3A_421 = vector.broadcast %parallel_loop3A_420 : i32 to vector<16xi32>
        %parallel_loop3A_422 = arith.addi %parallel_loop3A_421, %iota3A : vector<16xi32>
        %parallel_loop3A_423 = arith.constant 63 : i32
        %parallel_loop3A_424 = vector.broadcast %parallel_loop3A_423 : i32 to vector<16xi32>
        %parallel_loop3A_425 = arith.andi %parallel_loop3A_422, %parallel_loop3A_424 : vector<16xi32>
        %parallel_loop3A_426 = arith.constant 3 : i32
        %parallel_loop3A_427 = vector.broadcast %parallel_loop3A_426 : i32 to vector<16xi32>
        %parallel_loop3A_428 = arith.shrui %parallel_loop3A_425, %parallel_loop3A_427 : vector<16xi32>
        %parallel_loop3A_429 = arith.constant 7 : i32
        %parallel_loop3A_430 = vector.broadcast %parallel_loop3A_429 : i32 to vector<16xi32>
        %parallel_loop3A_431 = arith.andi %parallel_loop3A_425, %parallel_loop3A_430 : vector<16xi32>
        %parallel_loop3A_432 = arith.constant 7 : i32
        %parallel_loop3A_433 = vector.broadcast %parallel_loop3A_432 : i32 to vector<16xi32>
        %parallel_loop3A_434 = arith.shli %parallel_loop3A_431, %parallel_loop3A_433 : vector<16xi32>
        %parallel_loop3A_435 = arith.constant 2 : i32
        %parallel_loop3A_436 = arith.constant 0 : i32
        %parallel_loop3A_437 = arith.constant 0 : i32
        %parallel_loop3A_438 = tpu.memref_slice %arg6[%parallel_loop3A_435, %parallel_loop3A_436, %parallel_loop3A_437] : memref<5x128x64xf32, #tpu.memory_space<vmem>> -> memref<1x128x64xf32, #tpu.memory_space<vmem>>
        %parallel_loop3A_439 = tpu.memref_squeeze %parallel_loop3A_438 : memref<1x128x64xf32, #tpu.memory_space<vmem>> -> memref<128x64xf32, #tpu.memory_space<vmem>>
        %parallel_loop3A_440 = tpu.vector_load_idx %parallel_loop3A_439[%add3A_3, %parallel_loop3A_425] : memref<128x64xf32, #tpu.memory_space<vmem>>[vector<16xi32>, vector<16xi32>], vector<16xf32>,
        %parallel_loop3A_441 = arith.addi %parallel_loop3A_434, %add3A_3 : vector<16xi32>
        %parallel_loop3A_442 = arith.constant 2 : i32
        %parallel_loop3A_443 = arith.constant 0 : i32
        %parallel_loop3A_444 = arith.constant 0 : i32
        %parallel_loop3A_445 = tpu.memref_slice %arg7[%parallel_loop3A_442, %parallel_loop3A_443, %parallel_loop3A_444] : memref<5x8x1024xf32, #tpu.memory_space<vmem>> -> memref<1x8x1024xf32, #tpu.memory_space<vmem>>
        %parallel_loop3A_446 = tpu.memref_squeeze %parallel_loop3A_445 : memref<1x8x1024xf32, #tpu.memory_space<vmem>> -> memref<8x1024xf32, #tpu.memory_space<vmem>>
        tpu.vector_store_idx %parallel_loop3A_446[%parallel_loop3A_428, %parallel_loop3A_441], %parallel_loop3A_440 : memref<8x1024xf32, #tpu.memory_space<vmem>>[vector<16xi32>, vector<16xi32>], vector<16xf32>,
        %parallel_loop3A_447 = arith.constant 2 : i32
        %parallel_loop3A_448 = arith.constant 0 : i32
        %parallel_loop3A_449 = arith.constant 0 : i32
        %parallel_loop3A_450 = tpu.memref_slice %arg6[%parallel_loop3A_447, %parallel_loop3A_448, %parallel_loop3A_449] : memref<5x128x64xf32, #tpu.memory_space<vmem>> -> memref<1x128x64xf32, #tpu.memory_space<vmem>>
        %parallel_loop3A_451 = tpu.memref_squeeze %parallel_loop3A_450 : memref<1x128x64xf32, #tpu.memory_space<vmem>> -> memref<128x64xf32, #tpu.memory_space<vmem>>
        %parallel_loop3A_452 = tpu.vector_load_idx %parallel_loop3A_451[%add3A_6, %parallel_loop3A_425] : memref<128x64xf32, #tpu.memory_space<vmem>>[vector<16xi32>, vector<16xi32>], vector<16xf32>,
        %parallel_loop3A_453 = arith.addi %parallel_loop3A_434, %add3A_6 : vector<16xi32>
        %parallel_loop3A_454 = arith.constant 2 : i32
        %parallel_loop3A_455 = arith.constant 0 : i32
        %parallel_loop3A_456 = arith.constant 0 : i32
        %parallel_loop3A_457 = tpu.memref_slice %arg7[%parallel_loop3A_454, %parallel_loop3A_455, %parallel_loop3A_456] : memref<5x8x1024xf32, #tpu.memory_space<vmem>> -> memref<1x8x1024xf32, #tpu.memory_space<vmem>>
        %parallel_loop3A_458 = tpu.memref_squeeze %parallel_loop3A_457 : memref<1x8x1024xf32, #tpu.memory_space<vmem>> -> memref<8x1024xf32, #tpu.memory_space<vmem>>
        tpu.vector_store_idx %parallel_loop3A_458[%parallel_loop3A_428, %parallel_loop3A_453], %parallel_loop3A_452 : memref<8x1024xf32, #tpu.memory_space<vmem>>[vector<16xi32>, vector<16xi32>], vector<16xf32>,
        %parallel_loop3A_459 = arith.constant 2 : i32
        %parallel_loop3A_460 = arith.constant 0 : i32
        %parallel_loop3A_461 = arith.constant 0 : i32
        %parallel_loop3A_462 = tpu.memref_slice %arg6[%parallel_loop3A_459, %parallel_loop3A_460, %parallel_loop3A_461] : memref<5x128x64xf32, #tpu.memory_space<vmem>> -> memref<1x128x64xf32, #tpu.memory_space<vmem>>
        %parallel_loop3A_463 = tpu.memref_squeeze %parallel_loop3A_462 : memref<1x128x64xf32, #tpu.memory_space<vmem>> -> memref<128x64xf32, #tpu.memory_space<vmem>>
        %parallel_loop3A_464 = tpu.vector_load_idx %parallel_loop3A_463[%add3A_9, %parallel_loop3A_425] : memref<128x64xf32, #tpu.memory_space<vmem>>[vector<16xi32>, vector<16xi32>], vector<16xf32>,
        %parallel_loop3A_465 = arith.addi %parallel_loop3A_434, %add3A_9 : vector<16xi32>
        %parallel_loop3A_466 = arith.constant 2 : i32
        %parallel_loop3A_467 = arith.constant 0 : i32
        %parallel_loop3A_468 = arith.constant 0 : i32
        %parallel_loop3A_469 = tpu.memref_slice %arg7[%parallel_loop3A_466, %parallel_loop3A_467, %parallel_loop3A_468] : memref<5x8x1024xf32, #tpu.memory_space<vmem>> -> memref<1x8x1024xf32, #tpu.memory_space<vmem>>
        %parallel_loop3A_470 = tpu.memref_squeeze %parallel_loop3A_469 : memref<1x8x1024xf32, #tpu.memory_space<vmem>> -> memref<8x1024xf32, #tpu.memory_space<vmem>>
        tpu.vector_store_idx %parallel_loop3A_470[%parallel_loop3A_428, %parallel_loop3A_465], %parallel_loop3A_464 : memref<8x1024xf32, #tpu.memory_space<vmem>>[vector<16xi32>, vector<16xi32>], vector<16xf32>,
        %parallel_loop3A_471 = arith.constant 2 : i32
        %parallel_loop3A_472 = arith.constant 0 : i32
        %parallel_loop3A_473 = arith.constant 0 : i32
        %parallel_loop3A_474 = tpu.memref_slice %arg6[%parallel_loop3A_471, %parallel_loop3A_472, %parallel_loop3A_473] : memref<5x128x64xf32, #tpu.memory_space<vmem>> -> memref<1x128x64xf32, #tpu.memory_space<vmem>>
        %parallel_loop3A_475 = tpu.memref_squeeze %parallel_loop3A_474 : memref<1x128x64xf32, #tpu.memory_space<vmem>> -> memref<128x64xf32, #tpu.memory_space<vmem>>
        %parallel_loop3A_476 = tpu.vector_load_idx %parallel_loop3A_475[%add3A_12, %parallel_loop3A_425] : memref<128x64xf32, #tpu.memory_space<vmem>>[vector<16xi32>, vector<16xi32>], vector<16xf32>,
        %parallel_loop3A_477 = arith.addi %parallel_loop3A_434, %add3A_12 : vector<16xi32>
        %parallel_loop3A_478 = arith.constant 2 : i32
        %parallel_loop3A_479 = arith.constant 0 : i32
        %parallel_loop3A_480 = arith.constant 0 : i32
        %parallel_loop3A_481 = tpu.memref_slice %arg7[%parallel_loop3A_478, %parallel_loop3A_479, %parallel_loop3A_480] : memref<5x8x1024xf32, #tpu.memory_space<vmem>> -> memref<1x8x1024xf32, #tpu.memory_space<vmem>>
        %parallel_loop3A_482 = tpu.memref_squeeze %parallel_loop3A_481 : memref<1x8x1024xf32, #tpu.memory_space<vmem>> -> memref<8x1024xf32, #tpu.memory_space<vmem>>
        tpu.vector_store_idx %parallel_loop3A_482[%parallel_loop3A_428, %parallel_loop3A_477], %parallel_loop3A_476 : memref<8x1024xf32, #tpu.memory_space<vmem>>[vector<16xi32>, vector<16xi32>], vector<16xf32>,
        %parallel_loop3A_483 = arith.constant 2 : i32
        %parallel_loop3A_484 = arith.constant 0 : i32
        %parallel_loop3A_485 = arith.constant 0 : i32
        %parallel_loop3A_486 = tpu.memref_slice %arg6[%parallel_loop3A_483, %parallel_loop3A_484, %parallel_loop3A_485] : memref<5x128x64xf32, #tpu.memory_space<vmem>> -> memref<1x128x64xf32, #tpu.memory_space<vmem>>
        %parallel_loop3A_487 = tpu.memref_squeeze %parallel_loop3A_486 : memref<1x128x64xf32, #tpu.memory_space<vmem>> -> memref<128x64xf32, #tpu.memory_space<vmem>>
        %parallel_loop3A_488 = tpu.vector_load_idx %parallel_loop3A_487[%add3A_15, %parallel_loop3A_425] : memref<128x64xf32, #tpu.memory_space<vmem>>[vector<16xi32>, vector<16xi32>], vector<16xf32>,
        %parallel_loop3A_489 = arith.addi %parallel_loop3A_434, %add3A_15 : vector<16xi32>
        %parallel_loop3A_490 = arith.constant 2 : i32
        %parallel_loop3A_491 = arith.constant 0 : i32
        %parallel_loop3A_492 = arith.constant 0 : i32
        %parallel_loop3A_493 = tpu.memref_slice %arg7[%parallel_loop3A_490, %parallel_loop3A_491, %parallel_loop3A_492] : memref<5x8x1024xf32, #tpu.memory_space<vmem>> -> memref<1x8x1024xf32, #tpu.memory_space<vmem>>
        %parallel_loop3A_494 = tpu.memref_squeeze %parallel_loop3A_493 : memref<1x8x1024xf32, #tpu.memory_space<vmem>> -> memref<8x1024xf32, #tpu.memory_space<vmem>>
        tpu.vector_store_idx %parallel_loop3A_494[%parallel_loop3A_428, %parallel_loop3A_489], %parallel_loop3A_488 : memref<8x1024xf32, #tpu.memory_space<vmem>>[vector<16xi32>, vector<16xi32>], vector<16xf32>,
        %parallel_loop3A_495 = arith.constant 2 : i32
        %parallel_loop3A_496 = arith.constant 0 : i32
        %parallel_loop3A_497 = arith.constant 0 : i32
        %parallel_loop3A_498 = tpu.memref_slice %arg6[%parallel_loop3A_495, %parallel_loop3A_496, %parallel_loop3A_497] : memref<5x128x64xf32, #tpu.memory_space<vmem>> -> memref<1x128x64xf32, #tpu.memory_space<vmem>>
        %parallel_loop3A_499 = tpu.memref_squeeze %parallel_loop3A_498 : memref<1x128x64xf32, #tpu.memory_space<vmem>> -> memref<128x64xf32, #tpu.memory_space<vmem>>
        %parallel_loop3A_500 = tpu.vector_load_idx %parallel_loop3A_499[%add3A_18, %parallel_loop3A_425] : memref<128x64xf32, #tpu.memory_space<vmem>>[vector<16xi32>, vector<16xi32>], vector<16xf32>,
        %parallel_loop3A_501 = arith.addi %parallel_loop3A_434, %add3A_18 : vector<16xi32>
        %parallel_loop3A_502 = arith.constant 2 : i32
        %parallel_loop3A_503 = arith.constant 0 : i32
        %parallel_loop3A_504 = arith.constant 0 : i32
        %parallel_loop3A_505 = tpu.memref_slice %arg7[%parallel_loop3A_502, %parallel_loop3A_503, %parallel_loop3A_504] : memref<5x8x1024xf32, #tpu.memory_space<vmem>> -> memref<1x8x1024xf32, #tpu.memory_space<vmem>>
        %parallel_loop3A_506 = tpu.memref_squeeze %parallel_loop3A_505 : memref<1x8x1024xf32, #tpu.memory_space<vmem>> -> memref<8x1024xf32, #tpu.memory_space<vmem>>
        tpu.vector_store_idx %parallel_loop3A_506[%parallel_loop3A_428, %parallel_loop3A_501], %parallel_loop3A_500 : memref<8x1024xf32, #tpu.memory_space<vmem>>[vector<16xi32>, vector<16xi32>], vector<16xf32>,
        %parallel_loop3A_507 = arith.constant 2 : i32
        %parallel_loop3A_508 = arith.constant 0 : i32
        %parallel_loop3A_509 = arith.constant 0 : i32
        %parallel_loop3A_510 = tpu.memref_slice %arg6[%parallel_loop3A_507, %parallel_loop3A_508, %parallel_loop3A_509] : memref<5x128x64xf32, #tpu.memory_space<vmem>> -> memref<1x128x64xf32, #tpu.memory_space<vmem>>
        %parallel_loop3A_511 = tpu.memref_squeeze %parallel_loop3A_510 : memref<1x128x64xf32, #tpu.memory_space<vmem>> -> memref<128x64xf32, #tpu.memory_space<vmem>>
        %parallel_loop3A_512 = tpu.vector_load_idx %parallel_loop3A_511[%add3A_21, %parallel_loop3A_425] : memref<128x64xf32, #tpu.memory_space<vmem>>[vector<16xi32>, vector<16xi32>], vector<16xf32>,
        %parallel_loop3A_513 = arith.addi %parallel_loop3A_434, %add3A_21 : vector<16xi32>
        %parallel_loop3A_514 = arith.constant 2 : i32
        %parallel_loop3A_515 = arith.constant 0 : i32
        %parallel_loop3A_516 = arith.constant 0 : i32
        %parallel_loop3A_517 = tpu.memref_slice %arg7[%parallel_loop3A_514, %parallel_loop3A_515, %parallel_loop3A_516] : memref<5x8x1024xf32, #tpu.memory_space<vmem>> -> memref<1x8x1024xf32, #tpu.memory_space<vmem>>
        %parallel_loop3A_518 = tpu.memref_squeeze %parallel_loop3A_517 : memref<1x8x1024xf32, #tpu.memory_space<vmem>> -> memref<8x1024xf32, #tpu.memory_space<vmem>>
        tpu.vector_store_idx %parallel_loop3A_518[%parallel_loop3A_428, %parallel_loop3A_513], %parallel_loop3A_512 : memref<8x1024xf32, #tpu.memory_space<vmem>>[vector<16xi32>, vector<16xi32>], vector<16xf32>,
        %parallel_loop3A_519 = arith.constant 2 : i32
        %parallel_loop3A_520 = arith.constant 0 : i32
        %parallel_loop3A_521 = arith.constant 0 : i32
        %parallel_loop3A_522 = tpu.memref_slice %arg6[%parallel_loop3A_519, %parallel_loop3A_520, %parallel_loop3A_521] : memref<5x128x64xf32, #tpu.memory_space<vmem>> -> memref<1x128x64xf32, #tpu.memory_space<vmem>>
        %parallel_loop3A_523 = tpu.memref_squeeze %parallel_loop3A_522 : memref<1x128x64xf32, #tpu.memory_space<vmem>> -> memref<128x64xf32, #tpu.memory_space<vmem>>
        %parallel_loop3A_524 = tpu.vector_load_idx %parallel_loop3A_523[%add3A_24, %parallel_loop3A_425] : memref<128x64xf32, #tpu.memory_space<vmem>>[vector<16xi32>, vector<16xi32>], vector<16xf32>,
        %parallel_loop3A_525 = arith.addi %parallel_loop3A_434, %add3A_24 : vector<16xi32>
        %parallel_loop3A_526 = arith.constant 2 : i32
        %parallel_loop3A_527 = arith.constant 0 : i32
        %parallel_loop3A_528 = arith.constant 0 : i32
        %parallel_loop3A_529 = tpu.memref_slice %arg7[%parallel_loop3A_526, %parallel_loop3A_527, %parallel_loop3A_528] : memref<5x8x1024xf32, #tpu.memory_space<vmem>> -> memref<1x8x1024xf32, #tpu.memory_space<vmem>>
        %parallel_loop3A_530 = tpu.memref_squeeze %parallel_loop3A_529 : memref<1x8x1024xf32, #tpu.memory_space<vmem>> -> memref<8x1024xf32, #tpu.memory_space<vmem>>
        tpu.vector_store_idx %parallel_loop3A_530[%parallel_loop3A_428, %parallel_loop3A_525], %parallel_loop3A_524 : memref<8x1024xf32, #tpu.memory_space<vmem>>[vector<16xi32>, vector<16xi32>], vector<16xf32>,
      } {sc.loop_unroll_factor = 2 : i64, sc.parallel_access}
      %dma_start3A_300 = arith.constant 2 : i32
      %dma_start3A_301 = arith.constant 2 : i32
      %dma_start3A_302 = arith.constant 0 : i32
      %dma_start3A_303 = arith.constant 0 : i32
      %dma_start3A_304 = tpu.memref_slice %arg7[%dma_start3A_300, %dma_start3A_302, %dma_start3A_303] : memref<5x8x1024xf32, #tpu.memory_space<vmem>> -> memref<1x8x1024xf32, #tpu.memory_space<vmem>>
      %dma_start3A_305 = tpu.memref_squeeze %dma_start3A_304 : memref<1x8x1024xf32, #tpu.memory_space<vmem>> -> memref<8x1024xf32, #tpu.memory_space<vmem>>
      %dma_start3A_306 = arith.constant 0 : i32
      %dma_start3A_307 = arith.constant 0 : i32
      %dma_start3A_308 = tpu.memref_slice %arg4[%add3A_271, %dma_start3A_306, %add3A, %dma_start3A_307] : memref<200x8x32x1024xf32, #tpu.memory_space<hbm>> -> memref<1x8x1x1024xf32, #tpu.memory_space<hbm>>
      %dma_start3A_309 = tpu.memref_squeeze %dma_start3A_308 : memref<1x8x1x1024xf32, #tpu.memory_space<hbm>> -> memref<8x1024xf32, #tpu.memory_space<hbm>>
      %dma_start3A_310 = tpu.memref_slice %arg9[%dma_start3A_301] : memref<5x!tpu.dma_semaphore, #tpu.memory_space<semaphore_mem>> -> memref<1x!tpu.dma_semaphore, #tpu.memory_space<semaphore_mem>>
      %dma_start3A_311 = tpu.memref_squeeze %dma_start3A_310 : memref<1x!tpu.dma_semaphore, #tpu.memory_space<semaphore_mem>> -> memref<!tpu.dma_semaphore, #tpu.memory_space<semaphore_mem>>
      %dma_start3A_312 = arith.constant 0 : i32
      %dma_start3A_313 = arith.constant 0 : i32
      %dma_start3A_314 = tpu.memref_slice %arg4[%add3A_271, %dma_start3A_312, %add3A, %dma_start3A_313] : memref<200x8x32x1024xf32, #tpu.memory_space<hbm>> -> memref<1x8x1x1024xf32, #tpu.memory_space<hbm>>
      %dma_start3A_315 = tpu.memref_squeeze %dma_start3A_314 : memref<1x8x1x1024xf32, #tpu.memory_space<hbm>> -> memref<8x1024xf32, #tpu.memory_space<hbm>>
      %dma_start3A_316 = arith.constant 0 : i32
      %dma_start3A_317 = arith.constant 0 : i32
      %dma_start3A_318 = tpu.memref_slice %arg7[%dma_start3A_300, %dma_start3A_316, %dma_start3A_317] : memref<5x8x1024xf32, #tpu.memory_space<vmem>> -> memref<1x8x1024xf32, #tpu.memory_space<vmem>>
      %dma_start3A_319 = tpu.memref_squeeze %dma_start3A_318 : memref<1x8x1024xf32, #tpu.memory_space<vmem>> -> memref<8x1024xf32, #tpu.memory_space<vmem>>
      tpu.enqueue_dma source(%dma_start3A_319 : memref<8x1024xf32, #tpu.memory_space<vmem>>) target(%dma_start3A_315 : memref<8x1024xf32, #tpu.memory_space<hbm>>) target_semaphore(%dma_start3A_311 : memref<!tpu.dma_semaphore, #tpu.memory_space<semaphore_mem>>)
      %add3A_320 = arith.constant 3 : i32
      %add3A_321 = arith.addi %mul3A_173, %add3A_320 : i32
      %add3A_322 = arith.constant 2 : i32
      %add3A_323 = arith.addi %add3A_321, %add3A_322 : i32
      %lt3A_324 = arith.constant 200 : i32
      %lt3A_325 = arith.cmpi slt, %add3A_323, %lt3A_324 : i32
      %convert_element_type3A_326 = arith.extui %lt3A_325 : i1 to i32
      %cond3A_327 = arith.constant 0 : i32
      %cond3A_328 = arith.cmpi ne, %convert_element_type3A_326, %cond3A_327 : i32
      scf.if %cond3A_328 {
        %add3A_420 = arith.constant 2 : i32
        %add3A_421 = arith.addi %add3A_321, %add3A_420 : i32
        %sub3A = arith.constant 5 : i32
        %sub3A_422 = arith.subi %add3A_421, %sub3A : i32
        %ge3A = arith.constant 0 : i32
        %ge3A_423 = arith.cmpi sge, %sub3A_422, %ge3A : i32
        %convert_element_type3A_424 = arith.extui %ge3A_423 : i1 to i32
        %cond3A_425 = arith.constant 0 : i32
        %cond3A_426 = arith.cmpi ne, %convert_element_type3A_424, %cond3A_425 : i32
        scf.if %cond3A_426 {
          %add3A_447 = arith.constant 2 : i32
          %add3A_448 = arith.addi %add3A_321, %add3A_447 : i32
          %sub3A_449 = arith.constant 5 : i32
          %sub3A_450 = arith.subi %add3A_448, %sub3A_449 : i32
          %dma_wait3A_451 = arith.constant 0 : i32
          %dma_wait3A_452 = arith.constant 0 : i32
          %dma_wait3A_453 = arith.constant 0 : i32
          %dma_wait3A_454 = arith.constant 0 : i32
          %dma_wait3A_455 = tpu.memref_slice %arg7[%dma_wait3A_451, %dma_wait3A_453, %dma_wait3A_454] : memref<5x8x1024xf32, #tpu.memory_space<vmem>> -> memref<1x8x1024xf32, #tpu.memory_space<vmem>>
          %dma_wait3A_456 = tpu.memref_squeeze %dma_wait3A_455 : memref<1x8x1024xf32, #tpu.memory_space<vmem>> -> memref<8x1024xf32, #tpu.memory_space<vmem>>
          %dma_wait3A_457 = arith.constant 0 : i32
          %dma_wait3A_458 = arith.constant 0 : i32
          %dma_wait3A_459 = tpu.memref_slice %arg4[%sub3A_450, %dma_wait3A_457, %add3A, %dma_wait3A_458] : memref<200x8x32x1024xf32, #tpu.memory_space<hbm>> -> memref<1x8x1x1024xf32, #tpu.memory_space<hbm>>
          %dma_wait3A_460 = tpu.memref_squeeze %dma_wait3A_459 : memref<1x8x1x1024xf32, #tpu.memory_space<hbm>> -> memref<8x1024xf32, #tpu.memory_space<hbm>>
          %dma_wait3A_461 = tpu.memref_slice %arg9[%dma_wait3A_452] : memref<5x!tpu.dma_semaphore, #tpu.memory_space<semaphore_mem>> -> memref<1x!tpu.dma_semaphore, #tpu.memory_space<semaphore_mem>>
          %dma_wait3A_462 = tpu.memref_squeeze %dma_wait3A_461 : memref<1x!tpu.dma_semaphore, #tpu.memory_space<semaphore_mem>> -> memref<!tpu.dma_semaphore, #tpu.memory_space<semaphore_mem>>
          %dma_wait3A_463 = arith.constant 0 : i32
          %dma_wait3A_464 = arith.constant 0 : i32
          %dma_wait3A_465 = tpu.memref_slice %arg4[%sub3A_450, %dma_wait3A_463, %add3A, %dma_wait3A_464] : memref<200x8x32x1024xf32, #tpu.memory_space<hbm>> -> memref<1x8x1x1024xf32, #tpu.memory_space<hbm>>
          %dma_wait3A_466 = tpu.memref_squeeze %dma_wait3A_465 : memref<1x8x1x1024xf32, #tpu.memory_space<hbm>> -> memref<8x1024xf32, #tpu.memory_space<hbm>>
          %dma_wait3A_467 = arith.constant 0 : i32
          %dma_wait3A_468 = arith.constant 0 : i32
          %dma_wait3A_469 = tpu.memref_slice %arg7[%dma_wait3A_451, %dma_wait3A_467, %dma_wait3A_468] : memref<5x8x1024xf32, #tpu.memory_space<vmem>> -> memref<1x8x1024xf32, #tpu.memory_space<vmem>>
          %dma_wait3A_470 = tpu.memref_squeeze %dma_wait3A_469 : memref<1x8x1024xf32, #tpu.memory_space<vmem>> -> memref<8x1024xf32, #tpu.memory_space<vmem>>
          tpu.wait_dma2 semaphore(%dma_wait3A_462 : memref<!tpu.dma_semaphore, #tpu.memory_space<semaphore_mem>>) src(%dma_wait3A_470 : memref<8x1024xf32, #tpu.memory_space<vmem>>) dst(%dma_wait3A_466 : memref<8x1024xf32, #tpu.memory_space<hbm>>)
        } else {
        }
        %add3A_427 = arith.constant 2 : i32
        %add3A_428 = arith.addi %add3A_321, %add3A_427 : i32
        %shift_right_logical3A_429 = arith.constant 3 : i32
        %shift_right_logical3A_430 = arith.shrui %add3A_428, %shift_right_logical3A_429 : i32
        %and3A_431 = arith.constant 7 : i32
        %and3A_432 = arith.andi %add3A_428, %and3A_431 : i32
        %dma_start3A_433 = arith.constant 0 : i32
        %dma_start3A_434 = arith.constant 0 : i32
        %dma_start3A_435 = arith.constant 0 : i32
        %dma_start3A_436 = arith.constant 0 : i32
        %dma_start3A_437 = tpu.memref_slice %arg6[%dma_start3A_433, %dma_start3A_435, %dma_start3A_436] : memref<5x128x64xf32, #tpu.memory_space<vmem>> -> memref<1x128x64xf32, #tpu.memory_space<vmem>>
        %dma_start3A_438 = tpu.memref_squeeze %dma_start3A_437 : memref<1x128x64xf32, #tpu.memory_space<vmem>> -> memref<128x64xf32, #tpu.memory_space<vmem>>
        %dma_start3A_439 = arith.constant 0 : i32
        %dma_start3A_440 = tpu.memref_slice %arg5[%shift_right_logical3A_430, %and3A_432, %dma_start3A_439] : memref<25x8x128xi32, #tpu.memory_space<vmem>> -> memref<1x1x128xi32, #tpu.memory_space<vmem>>
        %dma_start3A_441 = tpu.memref_squeeze %dma_start3A_440 : memref<1x1x128xi32, #tpu.memory_space<vmem>> -> memref<128xi32, #tpu.memory_space<vmem>>
        %dma_start3A_442 = arith.constant 0 : i32
        %dma_start3A_443 = arith.constant 0 : i32
        %dma_start3A_444 = tpu.memref_slice %arg3[%dma_start3A_442, %dma_start3A_443] : memref<1000000x64xf32, #tpu.memory_space<hbm>> -> memref<1000000x64xf32, #tpu.memory_space<hbm>>
        %dma_start3A_445 = tpu.memref_slice %arg8[%dma_start3A_434] : memref<5x!tpu.dma_semaphore, #tpu.memory_space<semaphore_mem>> -> memref<1x!tpu.dma_semaphore, #tpu.memory_space<semaphore_mem>>
        %dma_start3A_446 = tpu.memref_squeeze %dma_start3A_445 : memref<1x!tpu.dma_semaphore, #tpu.memory_space<semaphore_mem>> -> memref<!tpu.dma_semaphore, #tpu.memory_space<semaphore_mem>>
        tpu.enqueue_indirect_dma source(%dma_start3A_444 : memref<1000000x64xf32, #tpu.memory_space<hbm>>) target(%dma_start3A_438 : memref<128x64xf32, #tpu.memory_space<vmem>>) offsets(%dma_start3A_441 : memref<128xi32, #tpu.memory_space<vmem>>) semaphore(%dma_start3A_446 : memref<!tpu.dma_semaphore, #tpu.memory_space<semaphore_mem>>)
      } else {
      }
      %shift_right_logical3A_329 = arith.constant 3 : i32
      %shift_right_logical3A_330 = arith.shrui %add3A_321, %shift_right_logical3A_329 : i32
      %and3A_331 = arith.constant 7 : i32
      %and3A_332 = arith.andi %add3A_321, %and3A_331 : i32
      %dma_wait3A_333 = arith.constant 3 : i32
      %dma_wait3A_334 = arith.constant 3 : i32
      %dma_wait3A_335 = arith.constant 0 : i32
      %dma_wait3A_336 = arith.constant 0 : i32
      %dma_wait3A_337 = tpu.memref_slice %arg6[%dma_wait3A_333, %dma_wait3A_335, %dma_wait3A_336] : memref<5x128x64xf32, #tpu.memory_space<vmem>> -> memref<1x128x64xf32, #tpu.memory_space<vmem>>
      %dma_wait3A_338 = tpu.memref_squeeze %dma_wait3A_337 : memref<1x128x64xf32, #tpu.memory_space<vmem>> -> memref<128x64xf32, #tpu.memory_space<vmem>>
      %dma_wait3A_339 = arith.constant 0 : i32
      %dma_wait3A_340 = tpu.memref_slice %arg5[%shift_right_logical3A_330, %and3A_332, %dma_wait3A_339] : memref<25x8x128xi32, #tpu.memory_space<vmem>> -> memref<1x1x128xi32, #tpu.memory_space<vmem>>
      %dma_wait3A_341 = tpu.memref_squeeze %dma_wait3A_340 : memref<1x1x128xi32, #tpu.memory_space<vmem>> -> memref<128xi32, #tpu.memory_space<vmem>>
      %dma_wait3A_342 = arith.constant 0 : i32
      %dma_wait3A_343 = arith.constant 0 : i32
      %dma_wait3A_344 = tpu.memref_slice %arg3[%dma_wait3A_342, %dma_wait3A_343] : memref<1000000x64xf32, #tpu.memory_space<hbm>> -> memref<1000000x64xf32, #tpu.memory_space<hbm>>
      %dma_wait3A_345 = tpu.memref_slice %arg8[%dma_wait3A_334] : memref<5x!tpu.dma_semaphore, #tpu.memory_space<semaphore_mem>> -> memref<1x!tpu.dma_semaphore, #tpu.memory_space<semaphore_mem>>
      %dma_wait3A_346 = tpu.memref_squeeze %dma_wait3A_345 : memref<1x!tpu.dma_semaphore, #tpu.memory_space<semaphore_mem>> -> memref<!tpu.dma_semaphore, #tpu.memory_space<semaphore_mem>>
      tpu.wait_indirect_dma semaphore(%dma_wait3A_346 : memref<!tpu.dma_semaphore, #tpu.memory_space<semaphore_mem>>) src(%dma_wait3A_344 : memref<1000000x64xf32, #tpu.memory_space<hbm>>) dst(%dma_wait3A_338 : memref<128x64xf32, #tpu.memory_space<vmem>>)
      %parallel_loop3A_347 = arith.constant 0 : i32
      %parallel_loop3A_348 = arith.constant 64 : i32
      %parallel_loop3A_349 = arith.constant 1 : i32
      scf.for %parallel_loop3A_420 = %parallel_loop3A_347 to %parallel_loop3A_348 step %parallel_loop3A_349  : i32 {
        %parallel_loop3A_421 = vector.broadcast %parallel_loop3A_420 : i32 to vector<16xi32>
        %parallel_loop3A_422 = arith.addi %parallel_loop3A_421, %iota3A : vector<16xi32>
        %parallel_loop3A_423 = arith.constant 63 : i32
        %parallel_loop3A_424 = vector.broadcast %parallel_loop3A_423 : i32 to vector<16xi32>
        %parallel_loop3A_425 = arith.andi %parallel_loop3A_422, %parallel_loop3A_424 : vector<16xi32>
        %parallel_loop3A_426 = arith.constant 3 : i32
        %parallel_loop3A_427 = vector.broadcast %parallel_loop3A_426 : i32 to vector<16xi32>
        %parallel_loop3A_428 = arith.shrui %parallel_loop3A_425, %parallel_loop3A_427 : vector<16xi32>
        %parallel_loop3A_429 = arith.constant 7 : i32
        %parallel_loop3A_430 = vector.broadcast %parallel_loop3A_429 : i32 to vector<16xi32>
        %parallel_loop3A_431 = arith.andi %parallel_loop3A_425, %parallel_loop3A_430 : vector<16xi32>
        %parallel_loop3A_432 = arith.constant 7 : i32
        %parallel_loop3A_433 = vector.broadcast %parallel_loop3A_432 : i32 to vector<16xi32>
        %parallel_loop3A_434 = arith.shli %parallel_loop3A_431, %parallel_loop3A_433 : vector<16xi32>
        %parallel_loop3A_435 = arith.constant 3 : i32
        %parallel_loop3A_436 = arith.constant 0 : i32
        %parallel_loop3A_437 = arith.constant 0 : i32
        %parallel_loop3A_438 = tpu.memref_slice %arg6[%parallel_loop3A_435, %parallel_loop3A_436, %parallel_loop3A_437] : memref<5x128x64xf32, #tpu.memory_space<vmem>> -> memref<1x128x64xf32, #tpu.memory_space<vmem>>
        %parallel_loop3A_439 = tpu.memref_squeeze %parallel_loop3A_438 : memref<1x128x64xf32, #tpu.memory_space<vmem>> -> memref<128x64xf32, #tpu.memory_space<vmem>>
        %parallel_loop3A_440 = tpu.vector_load_idx %parallel_loop3A_439[%add3A_3, %parallel_loop3A_425] : memref<128x64xf32, #tpu.memory_space<vmem>>[vector<16xi32>, vector<16xi32>], vector<16xf32>,
        %parallel_loop3A_441 = arith.addi %parallel_loop3A_434, %add3A_3 : vector<16xi32>
        %parallel_loop3A_442 = arith.constant 3 : i32
        %parallel_loop3A_443 = arith.constant 0 : i32
        %parallel_loop3A_444 = arith.constant 0 : i32
        %parallel_loop3A_445 = tpu.memref_slice %arg7[%parallel_loop3A_442, %parallel_loop3A_443, %parallel_loop3A_444] : memref<5x8x1024xf32, #tpu.memory_space<vmem>> -> memref<1x8x1024xf32, #tpu.memory_space<vmem>>
        %parallel_loop3A_446 = tpu.memref_squeeze %parallel_loop3A_445 : memref<1x8x1024xf32, #tpu.memory_space<vmem>> -> memref<8x1024xf32, #tpu.memory_space<vmem>>
        tpu.vector_store_idx %parallel_loop3A_446[%parallel_loop3A_428, %parallel_loop3A_441], %parallel_loop3A_440 : memref<8x1024xf32, #tpu.memory_space<vmem>>[vector<16xi32>, vector<16xi32>], vector<16xf32>,
        %parallel_loop3A_447 = arith.constant 3 : i32
        %parallel_loop3A_448 = arith.constant 0 : i32
        %parallel_loop3A_449 = arith.constant 0 : i32
        %parallel_loop3A_450 = tpu.memref_slice %arg6[%parallel_loop3A_447, %parallel_loop3A_448, %parallel_loop3A_449] : memref<5x128x64xf32, #tpu.memory_space<vmem>> -> memref<1x128x64xf32, #tpu.memory_space<vmem>>
        %parallel_loop3A_451 = tpu.memref_squeeze %parallel_loop3A_450 : memref<1x128x64xf32, #tpu.memory_space<vmem>> -> memref<128x64xf32, #tpu.memory_space<vmem>>
        %parallel_loop3A_452 = tpu.vector_load_idx %parallel_loop3A_451[%add3A_6, %parallel_loop3A_425] : memref<128x64xf32, #tpu.memory_space<vmem>>[vector<16xi32>, vector<16xi32>], vector<16xf32>,
        %parallel_loop3A_453 = arith.addi %parallel_loop3A_434, %add3A_6 : vector<16xi32>
        %parallel_loop3A_454 = arith.constant 3 : i32
        %parallel_loop3A_455 = arith.constant 0 : i32
        %parallel_loop3A_456 = arith.constant 0 : i32
        %parallel_loop3A_457 = tpu.memref_slice %arg7[%parallel_loop3A_454, %parallel_loop3A_455, %parallel_loop3A_456] : memref<5x8x1024xf32, #tpu.memory_space<vmem>> -> memref<1x8x1024xf32, #tpu.memory_space<vmem>>
        %parallel_loop3A_458 = tpu.memref_squeeze %parallel_loop3A_457 : memref<1x8x1024xf32, #tpu.memory_space<vmem>> -> memref<8x1024xf32, #tpu.memory_space<vmem>>
        tpu.vector_store_idx %parallel_loop3A_458[%parallel_loop3A_428, %parallel_loop3A_453], %parallel_loop3A_452 : memref<8x1024xf32, #tpu.memory_space<vmem>>[vector<16xi32>, vector<16xi32>], vector<16xf32>,
        %parallel_loop3A_459 = arith.constant 3 : i32
        %parallel_loop3A_460 = arith.constant 0 : i32
        %parallel_loop3A_461 = arith.constant 0 : i32
        %parallel_loop3A_462 = tpu.memref_slice %arg6[%parallel_loop3A_459, %parallel_loop3A_460, %parallel_loop3A_461] : memref<5x128x64xf32, #tpu.memory_space<vmem>> -> memref<1x128x64xf32, #tpu.memory_space<vmem>>
        %parallel_loop3A_463 = tpu.memref_squeeze %parallel_loop3A_462 : memref<1x128x64xf32, #tpu.memory_space<vmem>> -> memref<128x64xf32, #tpu.memory_space<vmem>>
        %parallel_loop3A_464 = tpu.vector_load_idx %parallel_loop3A_463[%add3A_9, %parallel_loop3A_425] : memref<128x64xf32, #tpu.memory_space<vmem>>[vector<16xi32>, vector<16xi32>], vector<16xf32>,
        %parallel_loop3A_465 = arith.addi %parallel_loop3A_434, %add3A_9 : vector<16xi32>
        %parallel_loop3A_466 = arith.constant 3 : i32
        %parallel_loop3A_467 = arith.constant 0 : i32
        %parallel_loop3A_468 = arith.constant 0 : i32
        %parallel_loop3A_469 = tpu.memref_slice %arg7[%parallel_loop3A_466, %parallel_loop3A_467, %parallel_loop3A_468] : memref<5x8x1024xf32, #tpu.memory_space<vmem>> -> memref<1x8x1024xf32, #tpu.memory_space<vmem>>
        %parallel_loop3A_470 = tpu.memref_squeeze %parallel_loop3A_469 : memref<1x8x1024xf32, #tpu.memory_space<vmem>> -> memref<8x1024xf32, #tpu.memory_space<vmem>>
        tpu.vector_store_idx %parallel_loop3A_470[%parallel_loop3A_428, %parallel_loop3A_465], %parallel_loop3A_464 : memref<8x1024xf32, #tpu.memory_space<vmem>>[vector<16xi32>, vector<16xi32>], vector<16xf32>,
        %parallel_loop3A_471 = arith.constant 3 : i32
        %parallel_loop3A_472 = arith.constant 0 : i32
        %parallel_loop3A_473 = arith.constant 0 : i32
        %parallel_loop3A_474 = tpu.memref_slice %arg6[%parallel_loop3A_471, %parallel_loop3A_472, %parallel_loop3A_473] : memref<5x128x64xf32, #tpu.memory_space<vmem>> -> memref<1x128x64xf32, #tpu.memory_space<vmem>>
        %parallel_loop3A_475 = tpu.memref_squeeze %parallel_loop3A_474 : memref<1x128x64xf32, #tpu.memory_space<vmem>> -> memref<128x64xf32, #tpu.memory_space<vmem>>
        %parallel_loop3A_476 = tpu.vector_load_idx %parallel_loop3A_475[%add3A_12, %parallel_loop3A_425] : memref<128x64xf32, #tpu.memory_space<vmem>>[vector<16xi32>, vector<16xi32>], vector<16xf32>,
        %parallel_loop3A_477 = arith.addi %parallel_loop3A_434, %add3A_12 : vector<16xi32>
        %parallel_loop3A_478 = arith.constant 3 : i32
        %parallel_loop3A_479 = arith.constant 0 : i32
        %parallel_loop3A_480 = arith.constant 0 : i32
        %parallel_loop3A_481 = tpu.memref_slice %arg7[%parallel_loop3A_478, %parallel_loop3A_479, %parallel_loop3A_480] : memref<5x8x1024xf32, #tpu.memory_space<vmem>> -> memref<1x8x1024xf32, #tpu.memory_space<vmem>>
        %parallel_loop3A_482 = tpu.memref_squeeze %parallel_loop3A_481 : memref<1x8x1024xf32, #tpu.memory_space<vmem>> -> memref<8x1024xf32, #tpu.memory_space<vmem>>
        tpu.vector_store_idx %parallel_loop3A_482[%parallel_loop3A_428, %parallel_loop3A_477], %parallel_loop3A_476 : memref<8x1024xf32, #tpu.memory_space<vmem>>[vector<16xi32>, vector<16xi32>], vector<16xf32>,
        %parallel_loop3A_483 = arith.constant 3 : i32
        %parallel_loop3A_484 = arith.constant 0 : i32
        %parallel_loop3A_485 = arith.constant 0 : i32
        %parallel_loop3A_486 = tpu.memref_slice %arg6[%parallel_loop3A_483, %parallel_loop3A_484, %parallel_loop3A_485] : memref<5x128x64xf32, #tpu.memory_space<vmem>> -> memref<1x128x64xf32, #tpu.memory_space<vmem>>
        %parallel_loop3A_487 = tpu.memref_squeeze %parallel_loop3A_486 : memref<1x128x64xf32, #tpu.memory_space<vmem>> -> memref<128x64xf32, #tpu.memory_space<vmem>>
        %parallel_loop3A_488 = tpu.vector_load_idx %parallel_loop3A_487[%add3A_15, %parallel_loop3A_425] : memref<128x64xf32, #tpu.memory_space<vmem>>[vector<16xi32>, vector<16xi32>], vector<16xf32>,
        %parallel_loop3A_489 = arith.addi %parallel_loop3A_434, %add3A_15 : vector<16xi32>
        %parallel_loop3A_490 = arith.constant 3 : i32
        %parallel_loop3A_491 = arith.constant 0 : i32
        %parallel_loop3A_492 = arith.constant 0 : i32
        %parallel_loop3A_493 = tpu.memref_slice %arg7[%parallel_loop3A_490, %parallel_loop3A_491, %parallel_loop3A_492] : memref<5x8x1024xf32, #tpu.memory_space<vmem>> -> memref<1x8x1024xf32, #tpu.memory_space<vmem>>
        %parallel_loop3A_494 = tpu.memref_squeeze %parallel_loop3A_493 : memref<1x8x1024xf32, #tpu.memory_space<vmem>> -> memref<8x1024xf32, #tpu.memory_space<vmem>>
        tpu.vector_store_idx %parallel_loop3A_494[%parallel_loop3A_428, %parallel_loop3A_489], %parallel_loop3A_488 : memref<8x1024xf32, #tpu.memory_space<vmem>>[vector<16xi32>, vector<16xi32>], vector<16xf32>,
        %parallel_loop3A_495 = arith.constant 3 : i32
        %parallel_loop3A_496 = arith.constant 0 : i32
        %parallel_loop3A_497 = arith.constant 0 : i32
        %parallel_loop3A_498 = tpu.memref_slice %arg6[%parallel_loop3A_495, %parallel_loop3A_496, %parallel_loop3A_497] : memref<5x128x64xf32, #tpu.memory_space<vmem>> -> memref<1x128x64xf32, #tpu.memory_space<vmem>>
        %parallel_loop3A_499 = tpu.memref_squeeze %parallel_loop3A_498 : memref<1x128x64xf32, #tpu.memory_space<vmem>> -> memref<128x64xf32, #tpu.memory_space<vmem>>
        %parallel_loop3A_500 = tpu.vector_load_idx %parallel_loop3A_499[%add3A_18, %parallel_loop3A_425] : memref<128x64xf32, #tpu.memory_space<vmem>>[vector<16xi32>, vector<16xi32>], vector<16xf32>,
        %parallel_loop3A_501 = arith.addi %parallel_loop3A_434, %add3A_18 : vector<16xi32>
        %parallel_loop3A_502 = arith.constant 3 : i32
        %parallel_loop3A_503 = arith.constant 0 : i32
        %parallel_loop3A_504 = arith.constant 0 : i32
        %parallel_loop3A_505 = tpu.memref_slice %arg7[%parallel_loop3A_502, %parallel_loop3A_503, %parallel_loop3A_504] : memref<5x8x1024xf32, #tpu.memory_space<vmem>> -> memref<1x8x1024xf32, #tpu.memory_space<vmem>>
        %parallel_loop3A_506 = tpu.memref_squeeze %parallel_loop3A_505 : memref<1x8x1024xf32, #tpu.memory_space<vmem>> -> memref<8x1024xf32, #tpu.memory_space<vmem>>
        tpu.vector_store_idx %parallel_loop3A_506[%parallel_loop3A_428, %parallel_loop3A_501], %parallel_loop3A_500 : memref<8x1024xf32, #tpu.memory_space<vmem>>[vector<16xi32>, vector<16xi32>], vector<16xf32>,
        %parallel_loop3A_507 = arith.constant 3 : i32
        %parallel_loop3A_508 = arith.constant 0 : i32
        %parallel_loop3A_509 = arith.constant 0 : i32
        %parallel_loop3A_510 = tpu.memref_slice %arg6[%parallel_loop3A_507, %parallel_loop3A_508, %parallel_loop3A_509] : memref<5x128x64xf32, #tpu.memory_space<vmem>> -> memref<1x128x64xf32, #tpu.memory_space<vmem>>
        %parallel_loop3A_511 = tpu.memref_squeeze %parallel_loop3A_510 : memref<1x128x64xf32, #tpu.memory_space<vmem>> -> memref<128x64xf32, #tpu.memory_space<vmem>>
        %parallel_loop3A_512 = tpu.vector_load_idx %parallel_loop3A_511[%add3A_21, %parallel_loop3A_425] : memref<128x64xf32, #tpu.memory_space<vmem>>[vector<16xi32>, vector<16xi32>], vector<16xf32>,
        %parallel_loop3A_513 = arith.addi %parallel_loop3A_434, %add3A_21 : vector<16xi32>
        %parallel_loop3A_514 = arith.constant 3 : i32
        %parallel_loop3A_515 = arith.constant 0 : i32
        %parallel_loop3A_516 = arith.constant 0 : i32
        %parallel_loop3A_517 = tpu.memref_slice %arg7[%parallel_loop3A_514, %parallel_loop3A_515, %parallel_loop3A_516] : memref<5x8x1024xf32, #tpu.memory_space<vmem>> -> memref<1x8x1024xf32, #tpu.memory_space<vmem>>
        %parallel_loop3A_518 = tpu.memref_squeeze %parallel_loop3A_517 : memref<1x8x1024xf32, #tpu.memory_space<vmem>> -> memref<8x1024xf32, #tpu.memory_space<vmem>>
        tpu.vector_store_idx %parallel_loop3A_518[%parallel_loop3A_428, %parallel_loop3A_513], %parallel_loop3A_512 : memref<8x1024xf32, #tpu.memory_space<vmem>>[vector<16xi32>, vector<16xi32>], vector<16xf32>,
        %parallel_loop3A_519 = arith.constant 3 : i32
        %parallel_loop3A_520 = arith.constant 0 : i32
        %parallel_loop3A_521 = arith.constant 0 : i32
        %parallel_loop3A_522 = tpu.memref_slice %arg6[%parallel_loop3A_519, %parallel_loop3A_520, %parallel_loop3A_521] : memref<5x128x64xf32, #tpu.memory_space<vmem>> -> memref<1x128x64xf32, #tpu.memory_space<vmem>>
        %parallel_loop3A_523 = tpu.memref_squeeze %parallel_loop3A_522 : memref<1x128x64xf32, #tpu.memory_space<vmem>> -> memref<128x64xf32, #tpu.memory_space<vmem>>
        %parallel_loop3A_524 = tpu.vector_load_idx %parallel_loop3A_523[%add3A_24, %parallel_loop3A_425] : memref<128x64xf32, #tpu.memory_space<vmem>>[vector<16xi32>, vector<16xi32>], vector<16xf32>,
        %parallel_loop3A_525 = arith.addi %parallel_loop3A_434, %add3A_24 : vector<16xi32>
        %parallel_loop3A_526 = arith.constant 3 : i32
        %parallel_loop3A_527 = arith.constant 0 : i32
        %parallel_loop3A_528 = arith.constant 0 : i32
        %parallel_loop3A_529 = tpu.memref_slice %arg7[%parallel_loop3A_526, %parallel_loop3A_527, %parallel_loop3A_528] : memref<5x8x1024xf32, #tpu.memory_space<vmem>> -> memref<1x8x1024xf32, #tpu.memory_space<vmem>>
        %parallel_loop3A_530 = tpu.memref_squeeze %parallel_loop3A_529 : memref<1x8x1024xf32, #tpu.memory_space<vmem>> -> memref<8x1024xf32, #tpu.memory_space<vmem>>
        tpu.vector_store_idx %parallel_loop3A_530[%parallel_loop3A_428, %parallel_loop3A_525], %parallel_loop3A_524 : memref<8x1024xf32, #tpu.memory_space<vmem>>[vector<16xi32>, vector<16xi32>], vector<16xf32>,
      } {sc.loop_unroll_factor = 2 : i64, sc.parallel_access}
      %dma_start3A_350 = arith.constant 3 : i32
      %dma_start3A_351 = arith.constant 3 : i32
      %dma_start3A_352 = arith.constant 0 : i32
      %dma_start3A_353 = arith.constant 0 : i32
      %dma_start3A_354 = tpu.memref_slice %arg7[%dma_start3A_350, %dma_start3A_352, %dma_start3A_353] : memref<5x8x1024xf32, #tpu.memory_space<vmem>> -> memref<1x8x1024xf32, #tpu.memory_space<vmem>>
      %dma_start3A_355 = tpu.memref_squeeze %dma_start3A_354 : memref<1x8x1024xf32, #tpu.memory_space<vmem>> -> memref<8x1024xf32, #tpu.memory_space<vmem>>
      %dma_start3A_356 = arith.constant 0 : i32
      %dma_start3A_357 = arith.constant 0 : i32
      %dma_start3A_358 = tpu.memref_slice %arg4[%add3A_321, %dma_start3A_356, %add3A, %dma_start3A_357] : memref<200x8x32x1024xf32, #tpu.memory_space<hbm>> -> memref<1x8x1x1024xf32, #tpu.memory_space<hbm>>
      %dma_start3A_359 = tpu.memref_squeeze %dma_start3A_358 : memref<1x8x1x1024xf32, #tpu.memory_space<hbm>> -> memref<8x1024xf32, #tpu.memory_space<hbm>>
      %dma_start3A_360 = tpu.memref_slice %arg9[%dma_start3A_351] : memref<5x!tpu.dma_semaphore, #tpu.memory_space<semaphore_mem>> -> memref<1x!tpu.dma_semaphore, #tpu.memory_space<semaphore_mem>>
      %dma_start3A_361 = tpu.memref_squeeze %dma_start3A_360 : memref<1x!tpu.dma_semaphore, #tpu.memory_space<semaphore_mem>> -> memref<!tpu.dma_semaphore, #tpu.memory_space<semaphore_mem>>
      %dma_start3A_362 = arith.constant 0 : i32
      %dma_start3A_363 = arith.constant 0 : i32
      %dma_start3A_364 = tpu.memref_slice %arg4[%add3A_321, %dma_start3A_362, %add3A, %dma_start3A_363] : memref<200x8x32x1024xf32, #tpu.memory_space<hbm>> -> memref<1x8x1x1024xf32, #tpu.memory_space<hbm>>
      %dma_start3A_365 = tpu.memref_squeeze %dma_start3A_364 : memref<1x8x1x1024xf32, #tpu.memory_space<hbm>> -> memref<8x1024xf32, #tpu.memory_space<hbm>>
      %dma_start3A_366 = arith.constant 0 : i32
      %dma_start3A_367 = arith.constant 0 : i32
      %dma_start3A_368 = tpu.memref_slice %arg7[%dma_start3A_350, %dma_start3A_366, %dma_start3A_367] : memref<5x8x1024xf32, #tpu.memory_space<vmem>> -> memref<1x8x1024xf32, #tpu.memory_space<vmem>>
      %dma_start3A_369 = tpu.memref_squeeze %dma_start3A_368 : memref<1x8x1024xf32, #tpu.memory_space<vmem>> -> memref<8x1024xf32, #tpu.memory_space<vmem>>
      tpu.enqueue_dma source(%dma_start3A_369 : memref<8x1024xf32, #tpu.memory_space<vmem>>) target(%dma_start3A_365 : memref<8x1024xf32, #tpu.memory_space<hbm>>) target_semaphore(%dma_start3A_361 : memref<!tpu.dma_semaphore, #tpu.memory_space<semaphore_mem>>)
      %add3A_370 = arith.constant 4 : i32
      %add3A_371 = arith.addi %mul3A_173, %add3A_370 : i32
      %add3A_372 = arith.constant 2 : i32
      %add3A_373 = arith.addi %add3A_371, %add3A_372 : i32
      %lt3A_374 = arith.constant 200 : i32
      %lt3A_375 = arith.cmpi slt, %add3A_373, %lt3A_374 : i32
      %convert_element_type3A_376 = arith.extui %lt3A_375 : i1 to i32
      %cond3A_377 = arith.constant 0 : i32
      %cond3A_378 = arith.cmpi ne, %convert_element_type3A_376, %cond3A_377 : i32
      scf.if %cond3A_378 {
        %add3A_420 = arith.constant 2 : i32
        %add3A_421 = arith.addi %add3A_371, %add3A_420 : i32
        %sub3A = arith.constant 5 : i32
        %sub3A_422 = arith.subi %add3A_421, %sub3A : i32
        %ge3A = arith.constant 0 : i32
        %ge3A_423 = arith.cmpi sge, %sub3A_422, %ge3A : i32
        %convert_element_type3A_424 = arith.extui %ge3A_423 : i1 to i32
        %cond3A_425 = arith.constant 0 : i32
        %cond3A_426 = arith.cmpi ne, %convert_element_type3A_424, %cond3A_425 : i32
        scf.if %cond3A_426 {
          %add3A_447 = arith.constant 2 : i32
          %add3A_448 = arith.addi %add3A_371, %add3A_447 : i32
          %sub3A_449 = arith.constant 5 : i32
          %sub3A_450 = arith.subi %add3A_448, %sub3A_449 : i32
          %dma_wait3A_451 = arith.constant 1 : i32
          %dma_wait3A_452 = arith.constant 1 : i32
          %dma_wait3A_453 = arith.constant 0 : i32
          %dma_wait3A_454 = arith.constant 0 : i32
          %dma_wait3A_455 = tpu.memref_slice %arg7[%dma_wait3A_451, %dma_wait3A_453, %dma_wait3A_454] : memref<5x8x1024xf32, #tpu.memory_space<vmem>> -> memref<1x8x1024xf32, #tpu.memory_space<vmem>>
          %dma_wait3A_456 = tpu.memref_squeeze %dma_wait3A_455 : memref<1x8x1024xf32, #tpu.memory_space<vmem>> -> memref<8x1024xf32, #tpu.memory_space<vmem>>
          %dma_wait3A_457 = arith.constant 0 : i32
          %dma_wait3A_458 = arith.constant 0 : i32
          %dma_wait3A_459 = tpu.memref_slice %arg4[%sub3A_450, %dma_wait3A_457, %add3A, %dma_wait3A_458] : memref<200x8x32x1024xf32, #tpu.memory_space<hbm>> -> memref<1x8x1x1024xf32, #tpu.memory_space<hbm>>
          %dma_wait3A_460 = tpu.memref_squeeze %dma_wait3A_459 : memref<1x8x1x1024xf32, #tpu.memory_space<hbm>> -> memref<8x1024xf32, #tpu.memory_space<hbm>>
          %dma_wait3A_461 = tpu.memref_slice %arg9[%dma_wait3A_452] : memref<5x!tpu.dma_semaphore, #tpu.memory_space<semaphore_mem>> -> memref<1x!tpu.dma_semaphore, #tpu.memory_space<semaphore_mem>>
          %dma_wait3A_462 = tpu.memref_squeeze %dma_wait3A_461 : memref<1x!tpu.dma_semaphore, #tpu.memory_space<semaphore_mem>> -> memref<!tpu.dma_semaphore, #tpu.memory_space<semaphore_mem>>
          %dma_wait3A_463 = arith.constant 0 : i32
          %dma_wait3A_464 = arith.constant 0 : i32
          %dma_wait3A_465 = tpu.memref_slice %arg4[%sub3A_450, %dma_wait3A_463, %add3A, %dma_wait3A_464] : memref<200x8x32x1024xf32, #tpu.memory_space<hbm>> -> memref<1x8x1x1024xf32, #tpu.memory_space<hbm>>
          %dma_wait3A_466 = tpu.memref_squeeze %dma_wait3A_465 : memref<1x8x1x1024xf32, #tpu.memory_space<hbm>> -> memref<8x1024xf32, #tpu.memory_space<hbm>>
          %dma_wait3A_467 = arith.constant 0 : i32
          %dma_wait3A_468 = arith.constant 0 : i32
          %dma_wait3A_469 = tpu.memref_slice %arg7[%dma_wait3A_451, %dma_wait3A_467, %dma_wait3A_468] : memref<5x8x1024xf32, #tpu.memory_space<vmem>> -> memref<1x8x1024xf32, #tpu.memory_space<vmem>>
          %dma_wait3A_470 = tpu.memref_squeeze %dma_wait3A_469 : memref<1x8x1024xf32, #tpu.memory_space<vmem>> -> memref<8x1024xf32, #tpu.memory_space<vmem>>
          tpu.wait_dma2 semaphore(%dma_wait3A_462 : memref<!tpu.dma_semaphore, #tpu.memory_space<semaphore_mem>>) src(%dma_wait3A_470 : memref<8x1024xf32, #tpu.memory_space<vmem>>) dst(%dma_wait3A_466 : memref<8x1024xf32, #tpu.memory_space<hbm>>)
        } else {
        }
        %add3A_427 = arith.constant 2 : i32
        %add3A_428 = arith.addi %add3A_371, %add3A_427 : i32
        %shift_right_logical3A_429 = arith.constant 3 : i32
        %shift_right_logical3A_430 = arith.shrui %add3A_428, %shift_right_logical3A_429 : i32
        %and3A_431 = arith.constant 7 : i32
        %and3A_432 = arith.andi %add3A_428, %and3A_431 : i32
        %dma_start3A_433 = arith.constant 1 : i32
        %dma_start3A_434 = arith.constant 1 : i32
        %dma_start3A_435 = arith.constant 0 : i32
        %dma_start3A_436 = arith.constant 0 : i32
        %dma_start3A_437 = tpu.memref_slice %arg6[%dma_start3A_433, %dma_start3A_435, %dma_start3A_436] : memref<5x128x64xf32, #tpu.memory_space<vmem>> -> memref<1x128x64xf32, #tpu.memory_space<vmem>>
        %dma_start3A_438 = tpu.memref_squeeze %dma_start3A_437 : memref<1x128x64xf32, #tpu.memory_space<vmem>> -> memref<128x64xf32, #tpu.memory_space<vmem>>
        %dma_start3A_439 = arith.constant 0 : i32
        %dma_start3A_440 = tpu.memref_slice %arg5[%shift_right_logical3A_430, %and3A_432, %dma_start3A_439] : memref<25x8x128xi32, #tpu.memory_space<vmem>> -> memref<1x1x128xi32, #tpu.memory_space<vmem>>
        %dma_start3A_441 = tpu.memref_squeeze %dma_start3A_440 : memref<1x1x128xi32, #tpu.memory_space<vmem>> -> memref<128xi32, #tpu.memory_space<vmem>>
        %dma_start3A_442 = arith.constant 0 : i32
        %dma_start3A_443 = arith.constant 0 : i32
        %dma_start3A_444 = tpu.memref_slice %arg3[%dma_start3A_442, %dma_start3A_443] : memref<1000000x64xf32, #tpu.memory_space<hbm>> -> memref<1000000x64xf32, #tpu.memory_space<hbm>>
        %dma_start3A_445 = tpu.memref_slice %arg8[%dma_start3A_434] : memref<5x!tpu.dma_semaphore, #tpu.memory_space<semaphore_mem>> -> memref<1x!tpu.dma_semaphore, #tpu.memory_space<semaphore_mem>>
        %dma_start3A_446 = tpu.memref_squeeze %dma_start3A_445 : memref<1x!tpu.dma_semaphore, #tpu.memory_space<semaphore_mem>> -> memref<!tpu.dma_semaphore, #tpu.memory_space<semaphore_mem>>
        tpu.enqueue_indirect_dma source(%dma_start3A_444 : memref<1000000x64xf32, #tpu.memory_space<hbm>>) target(%dma_start3A_438 : memref<128x64xf32, #tpu.memory_space<vmem>>) offsets(%dma_start3A_441 : memref<128xi32, #tpu.memory_space<vmem>>) semaphore(%dma_start3A_446 : memref<!tpu.dma_semaphore, #tpu.memory_space<semaphore_mem>>)
      } else {
      }
      %shift_right_logical3A_379 = arith.constant 3 : i32
      %shift_right_logical3A_380 = arith.shrui %add3A_371, %shift_right_logical3A_379 : i32
      %and3A_381 = arith.constant 7 : i32
      %and3A_382 = arith.andi %add3A_371, %and3A_381 : i32
      %dma_wait3A_383 = arith.constant 4 : i32
      %dma_wait3A_384 = arith.constant 4 : i32
      %dma_wait3A_385 = arith.constant 0 : i32
      %dma_wait3A_386 = arith.constant 0 : i32
      %dma_wait3A_387 = tpu.memref_slice %arg6[%dma_wait3A_383, %dma_wait3A_385, %dma_wait3A_386] : memref<5x128x64xf32, #tpu.memory_space<vmem>> -> memref<1x128x64xf32, #tpu.memory_space<vmem>>
      %dma_wait3A_388 = tpu.memref_squeeze %dma_wait3A_387 : memref<1x128x64xf32, #tpu.memory_space<vmem>> -> memref<128x64xf32, #tpu.memory_space<vmem>>
      %dma_wait3A_389 = arith.constant 0 : i32
      %dma_wait3A_390 = tpu.memref_slice %arg5[%shift_right_logical3A_380, %and3A_382, %dma_wait3A_389] : memref<25x8x128xi32, #tpu.memory_space<vmem>> -> memref<1x1x128xi32, #tpu.memory_space<vmem>>
      %dma_wait3A_391 = tpu.memref_squeeze %dma_wait3A_390 : memref<1x1x128xi32, #tpu.memory_space<vmem>> -> memref<128xi32, #tpu.memory_space<vmem>>
      %dma_wait3A_392 = arith.constant 0 : i32
      %dma_wait3A_393 = arith.constant 0 : i32
      %dma_wait3A_394 = tpu.memref_slice %arg3[%dma_wait3A_392, %dma_wait3A_393] : memref<1000000x64xf32, #tpu.memory_space<hbm>> -> memref<1000000x64xf32, #tpu.memory_space<hbm>>
      %dma_wait3A_395 = tpu.memref_slice %arg8[%dma_wait3A_384] : memref<5x!tpu.dma_semaphore, #tpu.memory_space<semaphore_mem>> -> memref<1x!tpu.dma_semaphore, #tpu.memory_space<semaphore_mem>>
      %dma_wait3A_396 = tpu.memref_squeeze %dma_wait3A_395 : memref<1x!tpu.dma_semaphore, #tpu.memory_space<semaphore_mem>> -> memref<!tpu.dma_semaphore, #tpu.memory_space<semaphore_mem>>
      tpu.wait_indirect_dma semaphore(%dma_wait3A_396 : memref<!tpu.dma_semaphore, #tpu.memory_space<semaphore_mem>>) src(%dma_wait3A_394 : memref<1000000x64xf32, #tpu.memory_space<hbm>>) dst(%dma_wait3A_388 : memref<128x64xf32, #tpu.memory_space<vmem>>)
      %parallel_loop3A_397 = arith.constant 0 : i32
      %parallel_loop3A_398 = arith.constant 64 : i32
      %parallel_loop3A_399 = arith.constant 1 : i32
      scf.for %parallel_loop3A_420 = %parallel_loop3A_397 to %parallel_loop3A_398 step %parallel_loop3A_399  : i32 {
        %parallel_loop3A_421 = vector.broadcast %parallel_loop3A_420 : i32 to vector<16xi32>
        %parallel_loop3A_422 = arith.addi %parallel_loop3A_421, %iota3A : vector<16xi32>
        %parallel_loop3A_423 = arith.constant 63 : i32
        %parallel_loop3A_424 = vector.broadcast %parallel_loop3A_423 : i32 to vector<16xi32>
        %parallel_loop3A_425 = arith.andi %parallel_loop3A_422, %parallel_loop3A_424 : vector<16xi32>
        %parallel_loop3A_426 = arith.constant 3 : i32
        %parallel_loop3A_427 = vector.broadcast %parallel_loop3A_426 : i32 to vector<16xi32>
        %parallel_loop3A_428 = arith.shrui %parallel_loop3A_425, %parallel_loop3A_427 : vector<16xi32>
        %parallel_loop3A_429 = arith.constant 7 : i32
        %parallel_loop3A_430 = vector.broadcast %parallel_loop3A_429 : i32 to vector<16xi32>
        %parallel_loop3A_431 = arith.andi %parallel_loop3A_425, %parallel_loop3A_430 : vector<16xi32>
        %parallel_loop3A_432 = arith.constant 7 : i32
        %parallel_loop3A_433 = vector.broadcast %parallel_loop3A_432 : i32 to vector<16xi32>
        %parallel_loop3A_434 = arith.shli %parallel_loop3A_431, %parallel_loop3A_433 : vector<16xi32>
        %parallel_loop3A_435 = arith.constant 4 : i32
        %parallel_loop3A_436 = arith.constant 0 : i32
        %parallel_loop3A_437 = arith.constant 0 : i32
        %parallel_loop3A_438 = tpu.memref_slice %arg6[%parallel_loop3A_435, %parallel_loop3A_436, %parallel_loop3A_437] : memref<5x128x64xf32, #tpu.memory_space<vmem>> -> memref<1x128x64xf32, #tpu.memory_space<vmem>>
        %parallel_loop3A_439 = tpu.memref_squeeze %parallel_loop3A_438 : memref<1x128x64xf32, #tpu.memory_space<vmem>> -> memref<128x64xf32, #tpu.memory_space<vmem>>
        %parallel_loop3A_440 = tpu.vector_load_idx %parallel_loop3A_439[%add3A_3, %parallel_loop3A_425] : memref<128x64xf32, #tpu.memory_space<vmem>>[vector<16xi32>, vector<16xi32>], vector<16xf32>,
        %parallel_loop3A_441 = arith.addi %parallel_loop3A_434, %add3A_3 : vector<16xi32>
        %parallel_loop3A_442 = arith.constant 4 : i32
        %parallel_loop3A_443 = arith.constant 0 : i32
        %parallel_loop3A_444 = arith.constant 0 : i32
        %parallel_loop3A_445 = tpu.memref_slice %arg7[%parallel_loop3A_442, %parallel_loop3A_443, %parallel_loop3A_444] : memref<5x8x1024xf32, #tpu.memory_space<vmem>> -> memref<1x8x1024xf32, #tpu.memory_space<vmem>>
        %parallel_loop3A_446 = tpu.memref_squeeze %parallel_loop3A_445 : memref<1x8x1024xf32, #tpu.memory_space<vmem>> -> memref<8x1024xf32, #tpu.memory_space<vmem>>
        tpu.vector_store_idx %parallel_loop3A_446[%parallel_loop3A_428, %parallel_loop3A_441], %parallel_loop3A_440 : memref<8x1024xf32, #tpu.memory_space<vmem>>[vector<16xi32>, vector<16xi32>], vector<16xf32>,
        %parallel_loop3A_447 = arith.constant 4 : i32
        %parallel_loop3A_448 = arith.constant 0 : i32
        %parallel_loop3A_449 = arith.constant 0 : i32
        %parallel_loop3A_450 = tpu.memref_slice %arg6[%parallel_loop3A_447, %parallel_loop3A_448, %parallel_loop3A_449] : memref<5x128x64xf32, #tpu.memory_space<vmem>> -> memref<1x128x64xf32, #tpu.memory_space<vmem>>
        %parallel_loop3A_451 = tpu.memref_squeeze %parallel_loop3A_450 : memref<1x128x64xf32, #tpu.memory_space<vmem>> -> memref<128x64xf32, #tpu.memory_space<vmem>>
        %parallel_loop3A_452 = tpu.vector_load_idx %parallel_loop3A_451[%add3A_6, %parallel_loop3A_425] : memref<128x64xf32, #tpu.memory_space<vmem>>[vector<16xi32>, vector<16xi32>], vector<16xf32>,
        %parallel_loop3A_453 = arith.addi %parallel_loop3A_434, %add3A_6 : vector<16xi32>
        %parallel_loop3A_454 = arith.constant 4 : i32
        %parallel_loop3A_455 = arith.constant 0 : i32
        %parallel_loop3A_456 = arith.constant 0 : i32
        %parallel_loop3A_457 = tpu.memref_slice %arg7[%parallel_loop3A_454, %parallel_loop3A_455, %parallel_loop3A_456] : memref<5x8x1024xf32, #tpu.memory_space<vmem>> -> memref<1x8x1024xf32, #tpu.memory_space<vmem>>
        %parallel_loop3A_458 = tpu.memref_squeeze %parallel_loop3A_457 : memref<1x8x1024xf32, #tpu.memory_space<vmem>> -> memref<8x1024xf32, #tpu.memory_space<vmem>>
        tpu.vector_store_idx %parallel_loop3A_458[%parallel_loop3A_428, %parallel_loop3A_453], %parallel_loop3A_452 : memref<8x1024xf32, #tpu.memory_space<vmem>>[vector<16xi32>, vector<16xi32>], vector<16xf32>,
        %parallel_loop3A_459 = arith.constant 4 : i32
        %parallel_loop3A_460 = arith.constant 0 : i32
        %parallel_loop3A_461 = arith.constant 0 : i32
        %parallel_loop3A_462 = tpu.memref_slice %arg6[%parallel_loop3A_459, %parallel_loop3A_460, %parallel_loop3A_461] : memref<5x128x64xf32, #tpu.memory_space<vmem>> -> memref<1x128x64xf32, #tpu.memory_space<vmem>>
        %parallel_loop3A_463 = tpu.memref_squeeze %parallel_loop3A_462 : memref<1x128x64xf32, #tpu.memory_space<vmem>> -> memref<128x64xf32, #tpu.memory_space<vmem>>
        %parallel_loop3A_464 = tpu.vector_load_idx %parallel_loop3A_463[%add3A_9, %parallel_loop3A_425] : memref<128x64xf32, #tpu.memory_space<vmem>>[vector<16xi32>, vector<16xi32>], vector<16xf32>,
        %parallel_loop3A_465 = arith.addi %parallel_loop3A_434, %add3A_9 : vector<16xi32>
        %parallel_loop3A_466 = arith.constant 4 : i32
        %parallel_loop3A_467 = arith.constant 0 : i32
        %parallel_loop3A_468 = arith.constant 0 : i32
        %parallel_loop3A_469 = tpu.memref_slice %arg7[%parallel_loop3A_466, %parallel_loop3A_467, %parallel_loop3A_468] : memref<5x8x1024xf32, #tpu.memory_space<vmem>> -> memref<1x8x1024xf32, #tpu.memory_space<vmem>>
        %parallel_loop3A_470 = tpu.memref_squeeze %parallel_loop3A_469 : memref<1x8x1024xf32, #tpu.memory_space<vmem>> -> memref<8x1024xf32, #tpu.memory_space<vmem>>
        tpu.vector_store_idx %parallel_loop3A_470[%parallel_loop3A_428, %parallel_loop3A_465], %parallel_loop3A_464 : memref<8x1024xf32, #tpu.memory_space<vmem>>[vector<16xi32>, vector<16xi32>], vector<16xf32>,
        %parallel_loop3A_471 = arith.constant 4 : i32
        %parallel_loop3A_472 = arith.constant 0 : i32
        %parallel_loop3A_473 = arith.constant 0 : i32
        %parallel_loop3A_474 = tpu.memref_slice %arg6[%parallel_loop3A_471, %parallel_loop3A_472, %parallel_loop3A_473] : memref<5x128x64xf32, #tpu.memory_space<vmem>> -> memref<1x128x64xf32, #tpu.memory_space<vmem>>
        %parallel_loop3A_475 = tpu.memref_squeeze %parallel_loop3A_474 : memref<1x128x64xf32, #tpu.memory_space<vmem>> -> memref<128x64xf32, #tpu.memory_space<vmem>>
        %parallel_loop3A_476 = tpu.vector_load_idx %parallel_loop3A_475[%add3A_12, %parallel_loop3A_425] : memref<128x64xf32, #tpu.memory_space<vmem>>[vector<16xi32>, vector<16xi32>], vector<16xf32>,
        %parallel_loop3A_477 = arith.addi %parallel_loop3A_434, %add3A_12 : vector<16xi32>
        %parallel_loop3A_478 = arith.constant 4 : i32
        %parallel_loop3A_479 = arith.constant 0 : i32
        %parallel_loop3A_480 = arith.constant 0 : i32
        %parallel_loop3A_481 = tpu.memref_slice %arg7[%parallel_loop3A_478, %parallel_loop3A_479, %parallel_loop3A_480] : memref<5x8x1024xf32, #tpu.memory_space<vmem>> -> memref<1x8x1024xf32, #tpu.memory_space<vmem>>
        %parallel_loop3A_482 = tpu.memref_squeeze %parallel_loop3A_481 : memref<1x8x1024xf32, #tpu.memory_space<vmem>> -> memref<8x1024xf32, #tpu.memory_space<vmem>>
        tpu.vector_store_idx %parallel_loop3A_482[%parallel_loop3A_428, %parallel_loop3A_477], %parallel_loop3A_476 : memref<8x1024xf32, #tpu.memory_space<vmem>>[vector<16xi32>, vector<16xi32>], vector<16xf32>,
        %parallel_loop3A_483 = arith.constant 4 : i32
        %parallel_loop3A_484 = arith.constant 0 : i32
        %parallel_loop3A_485 = arith.constant 0 : i32
        %parallel_loop3A_486 = tpu.memref_slice %arg6[%parallel_loop3A_483, %parallel_loop3A_484, %parallel_loop3A_485] : memref<5x128x64xf32, #tpu.memory_space<vmem>> -> memref<1x128x64xf32, #tpu.memory_space<vmem>>
        %parallel_loop3A_487 = tpu.memref_squeeze %parallel_loop3A_486 : memref<1x128x64xf32, #tpu.memory_space<vmem>> -> memref<128x64xf32, #tpu.memory_space<vmem>>
        %parallel_loop3A_488 = tpu.vector_load_idx %parallel_loop3A_487[%add3A_15, %parallel_loop3A_425] : memref<128x64xf32, #tpu.memory_space<vmem>>[vector<16xi32>, vector<16xi32>], vector<16xf32>,
        %parallel_loop3A_489 = arith.addi %parallel_loop3A_434, %add3A_15 : vector<16xi32>
        %parallel_loop3A_490 = arith.constant 4 : i32
        %parallel_loop3A_491 = arith.constant 0 : i32
        %parallel_loop3A_492 = arith.constant 0 : i32
        %parallel_loop3A_493 = tpu.memref_slice %arg7[%parallel_loop3A_490, %parallel_loop3A_491, %parallel_loop3A_492] : memref<5x8x1024xf32, #tpu.memory_space<vmem>> -> memref<1x8x1024xf32, #tpu.memory_space<vmem>>
        %parallel_loop3A_494 = tpu.memref_squeeze %parallel_loop3A_493 : memref<1x8x1024xf32, #tpu.memory_space<vmem>> -> memref<8x1024xf32, #tpu.memory_space<vmem>>
        tpu.vector_store_idx %parallel_loop3A_494[%parallel_loop3A_428, %parallel_loop3A_489], %parallel_loop3A_488 : memref<8x1024xf32, #tpu.memory_space<vmem>>[vector<16xi32>, vector<16xi32>], vector<16xf32>,
        %parallel_loop3A_495 = arith.constant 4 : i32
        %parallel_loop3A_496 = arith.constant 0 : i32
        %parallel_loop3A_497 = arith.constant 0 : i32
        %parallel_loop3A_498 = tpu.memref_slice %arg6[%parallel_loop3A_495, %parallel_loop3A_496, %parallel_loop3A_497] : memref<5x128x64xf32, #tpu.memory_space<vmem>> -> memref<1x128x64xf32, #tpu.memory_space<vmem>>
        %parallel_loop3A_499 = tpu.memref_squeeze %parallel_loop3A_498 : memref<1x128x64xf32, #tpu.memory_space<vmem>> -> memref<128x64xf32, #tpu.memory_space<vmem>>
        %parallel_loop3A_500 = tpu.vector_load_idx %parallel_loop3A_499[%add3A_18, %parallel_loop3A_425] : memref<128x64xf32, #tpu.memory_space<vmem>>[vector<16xi32>, vector<16xi32>], vector<16xf32>,
        %parallel_loop3A_501 = arith.addi %parallel_loop3A_434, %add3A_18 : vector<16xi32>
        %parallel_loop3A_502 = arith.constant 4 : i32
        %parallel_loop3A_503 = arith.constant 0 : i32
        %parallel_loop3A_504 = arith.constant 0 : i32
        %parallel_loop3A_505 = tpu.memref_slice %arg7[%parallel_loop3A_502, %parallel_loop3A_503, %parallel_loop3A_504] : memref<5x8x1024xf32, #tpu.memory_space<vmem>> -> memref<1x8x1024xf32, #tpu.memory_space<vmem>>
        %parallel_loop3A_506 = tpu.memref_squeeze %parallel_loop3A_505 : memref<1x8x1024xf32, #tpu.memory_space<vmem>> -> memref<8x1024xf32, #tpu.memory_space<vmem>>
        tpu.vector_store_idx %parallel_loop3A_506[%parallel_loop3A_428, %parallel_loop3A_501], %parallel_loop3A_500 : memref<8x1024xf32, #tpu.memory_space<vmem>>[vector<16xi32>, vector<16xi32>], vector<16xf32>,
        %parallel_loop3A_507 = arith.constant 4 : i32
        %parallel_loop3A_508 = arith.constant 0 : i32
        %parallel_loop3A_509 = arith.constant 0 : i32
        %parallel_loop3A_510 = tpu.memref_slice %arg6[%parallel_loop3A_507, %parallel_loop3A_508, %parallel_loop3A_509] : memref<5x128x64xf32, #tpu.memory_space<vmem>> -> memref<1x128x64xf32, #tpu.memory_space<vmem>>
        %parallel_loop3A_511 = tpu.memref_squeeze %parallel_loop3A_510 : memref<1x128x64xf32, #tpu.memory_space<vmem>> -> memref<128x64xf32, #tpu.memory_space<vmem>>
        %parallel_loop3A_512 = tpu.vector_load_idx %parallel_loop3A_511[%add3A_21, %parallel_loop3A_425] : memref<128x64xf32, #tpu.memory_space<vmem>>[vector<16xi32>, vector<16xi32>], vector<16xf32>,
        %parallel_loop3A_513 = arith.addi %parallel_loop3A_434, %add3A_21 : vector<16xi32>
        %parallel_loop3A_514 = arith.constant 4 : i32
        %parallel_loop3A_515 = arith.constant 0 : i32
        %parallel_loop3A_516 = arith.constant 0 : i32
        %parallel_loop3A_517 = tpu.memref_slice %arg7[%parallel_loop3A_514, %parallel_loop3A_515, %parallel_loop3A_516] : memref<5x8x1024xf32, #tpu.memory_space<vmem>> -> memref<1x8x1024xf32, #tpu.memory_space<vmem>>
        %parallel_loop3A_518 = tpu.memref_squeeze %parallel_loop3A_517 : memref<1x8x1024xf32, #tpu.memory_space<vmem>> -> memref<8x1024xf32, #tpu.memory_space<vmem>>
        tpu.vector_store_idx %parallel_loop3A_518[%parallel_loop3A_428, %parallel_loop3A_513], %parallel_loop3A_512 : memref<8x1024xf32, #tpu.memory_space<vmem>>[vector<16xi32>, vector<16xi32>], vector<16xf32>,
        %parallel_loop3A_519 = arith.constant 4 : i32
        %parallel_loop3A_520 = arith.constant 0 : i32
        %parallel_loop3A_521 = arith.constant 0 : i32
        %parallel_loop3A_522 = tpu.memref_slice %arg6[%parallel_loop3A_519, %parallel_loop3A_520, %parallel_loop3A_521] : memref<5x128x64xf32, #tpu.memory_space<vmem>> -> memref<1x128x64xf32, #tpu.memory_space<vmem>>
        %parallel_loop3A_523 = tpu.memref_squeeze %parallel_loop3A_522 : memref<1x128x64xf32, #tpu.memory_space<vmem>> -> memref<128x64xf32, #tpu.memory_space<vmem>>
        %parallel_loop3A_524 = tpu.vector_load_idx %parallel_loop3A_523[%add3A_24, %parallel_loop3A_425] : memref<128x64xf32, #tpu.memory_space<vmem>>[vector<16xi32>, vector<16xi32>], vector<16xf32>,
        %parallel_loop3A_525 = arith.addi %parallel_loop3A_434, %add3A_24 : vector<16xi32>
        %parallel_loop3A_526 = arith.constant 4 : i32
        %parallel_loop3A_527 = arith.constant 0 : i32
        %parallel_loop3A_528 = arith.constant 0 : i32
        %parallel_loop3A_529 = tpu.memref_slice %arg7[%parallel_loop3A_526, %parallel_loop3A_527, %parallel_loop3A_528] : memref<5x8x1024xf32, #tpu.memory_space<vmem>> -> memref<1x8x1024xf32, #tpu.memory_space<vmem>>
        %parallel_loop3A_530 = tpu.memref_squeeze %parallel_loop3A_529 : memref<1x8x1024xf32, #tpu.memory_space<vmem>> -> memref<8x1024xf32, #tpu.memory_space<vmem>>
        tpu.vector_store_idx %parallel_loop3A_530[%parallel_loop3A_428, %parallel_loop3A_525], %parallel_loop3A_524 : memref<8x1024xf32, #tpu.memory_space<vmem>>[vector<16xi32>, vector<16xi32>], vector<16xf32>,
      } {sc.loop_unroll_factor = 2 : i64, sc.parallel_access}
      %dma_start3A_400 = arith.constant 4 : i32
      %dma_start3A_401 = arith.constant 4 : i32
      %dma_start3A_402 = arith.constant 0 : i32
      %dma_start3A_403 = arith.constant 0 : i32
      %dma_start3A_404 = tpu.memref_slice %arg7[%dma_start3A_400, %dma_start3A_402, %dma_start3A_403] : memref<5x8x1024xf32, #tpu.memory_space<vmem>> -> memref<1x8x1024xf32, #tpu.memory_space<vmem>>
      %dma_start3A_405 = tpu.memref_squeeze %dma_start3A_404 : memref<1x8x1024xf32, #tpu.memory_space<vmem>> -> memref<8x1024xf32, #tpu.memory_space<vmem>>
      %dma_start3A_406 = arith.constant 0 : i32
      %dma_start3A_407 = arith.constant 0 : i32
      %dma_start3A_408 = tpu.memref_slice %arg4[%add3A_371, %dma_start3A_406, %add3A, %dma_start3A_407] : memref<200x8x32x1024xf32, #tpu.memory_space<hbm>> -> memref<1x8x1x1024xf32, #tpu.memory_space<hbm>>
      %dma_start3A_409 = tpu.memref_squeeze %dma_start3A_408 : memref<1x8x1x1024xf32, #tpu.memory_space<hbm>> -> memref<8x1024xf32, #tpu.memory_space<hbm>>
      %dma_start3A_410 = tpu.memref_slice %arg9[%dma_start3A_401] : memref<5x!tpu.dma_semaphore, #tpu.memory_space<semaphore_mem>> -> memref<1x!tpu.dma_semaphore, #tpu.memory_space<semaphore_mem>>
      %dma_start3A_411 = tpu.memref_squeeze %dma_start3A_410 : memref<1x!tpu.dma_semaphore, #tpu.memory_space<semaphore_mem>> -> memref<!tpu.dma_semaphore, #tpu.memory_space<semaphore_mem>>
      %dma_start3A_412 = arith.constant 0 : i32
      %dma_start3A_413 = arith.constant 0 : i32
      %dma_start3A_414 = tpu.memref_slice %arg4[%add3A_371, %dma_start3A_412, %add3A, %dma_start3A_413] : memref<200x8x32x1024xf32, #tpu.memory_space<hbm>> -> memref<1x8x1x1024xf32, #tpu.memory_space<hbm>>
      %dma_start3A_415 = tpu.memref_squeeze %dma_start3A_414 : memref<1x8x1x1024xf32, #tpu.memory_space<hbm>> -> memref<8x1024xf32, #tpu.memory_space<hbm>>
      %dma_start3A_416 = arith.constant 0 : i32
      %dma_start3A_417 = arith.constant 0 : i32
      %dma_start3A_418 = tpu.memref_slice %arg7[%dma_start3A_400, %dma_start3A_416, %dma_start3A_417] : memref<5x8x1024xf32, #tpu.memory_space<vmem>> -> memref<1x8x1024xf32, #tpu.memory_space<vmem>>
      %dma_start3A_419 = tpu.memref_squeeze %dma_start3A_418 : memref<1x8x1024xf32, #tpu.memory_space<vmem>> -> memref<8x1024xf32, #tpu.memory_space<vmem>>
      tpu.enqueue_dma source(%dma_start3A_419 : memref<8x1024xf32, #tpu.memory_space<vmem>>) target(%dma_start3A_415 : memref<8x1024xf32, #tpu.memory_space<hbm>>) target_semaphore(%dma_start3A_411 : memref<!tpu.dma_semaphore, #tpu.memory_space<semaphore_mem>>)
    }
    %scan3A_66 = arith.constant 40 : i32
    %dma_wait3A = arith.constant 0 : i32
    %dma_wait3A_67 = arith.constant 195 : i32
    %dma_wait3A_68 = arith.constant 0 : i32
    %dma_wait3A_69 = arith.constant 0 : i32
    %dma_wait3A_70 = arith.constant 0 : i32
    %dma_wait3A_71 = tpu.memref_slice %arg7[%dma_wait3A, %dma_wait3A_69, %dma_wait3A_70] : memref<5x8x1024xf32, #tpu.memory_space<vmem>> -> memref<1x8x1024xf32, #tpu.memory_space<vmem>>
    %dma_wait3A_72 = tpu.memref_squeeze %dma_wait3A_71 : memref<1x8x1024xf32, #tpu.memory_space<vmem>> -> memref<8x1024xf32, #tpu.memory_space<vmem>>
    %dma_wait3A_73 = arith.constant 0 : i32
    %dma_wait3A_74 = arith.constant 0 : i32
    %dma_wait3A_75 = tpu.memref_slice %arg4[%dma_wait3A_67, %dma_wait3A_73, %add3A, %dma_wait3A_74] : memref<200x8x32x1024xf32, #tpu.memory_space<hbm>> -> memref<1x8x1x1024xf32, #tpu.memory_space<hbm>>
    %dma_wait3A_76 = tpu.memref_squeeze %dma_wait3A_75 : memref<1x8x1x1024xf32, #tpu.memory_space<hbm>> -> memref<8x1024xf32, #tpu.memory_space<hbm>>
    %dma_wait3A_77 = tpu.memref_slice %arg9[%dma_wait3A_68] : memref<5x!tpu.dma_semaphore, #tpu.memory_space<semaphore_mem>> -> memref<1x!tpu.dma_semaphore, #tpu.memory_space<semaphore_mem>>
    %dma_wait3A_78 = tpu.memref_squeeze %dma_wait3A_77 : memref<1x!tpu.dma_semaphore, #tpu.memory_space<semaphore_mem>> -> memref<!tpu.dma_semaphore, #tpu.memory_space<semaphore_mem>>
    %dma_wait3A_79 = arith.constant 0 : i32
    %dma_wait3A_80 = arith.constant 0 : i32
    %dma_wait3A_81 = tpu.memref_slice %arg4[%dma_wait3A_67, %dma_wait3A_79, %add3A, %dma_wait3A_80] : memref<200x8x32x1024xf32, #tpu.memory_space<hbm>> -> memref<1x8x1x1024xf32, #tpu.memory_space<hbm>>
    %dma_wait3A_82 = tpu.memref_squeeze %dma_wait3A_81 : memref<1x8x1x1024xf32, #tpu.memory_space<hbm>> -> memref<8x1024xf32, #tpu.memory_space<hbm>>
    %dma_wait3A_83 = arith.constant 0 : i32
    %dma_wait3A_84 = arith.constant 0 : i32
    %dma_wait3A_85 = tpu.memref_slice %arg7[%dma_wait3A, %dma_wait3A_83, %dma_wait3A_84] : memref<5x8x1024xf32, #tpu.memory_space<vmem>> -> memref<1x8x1024xf32, #tpu.memory_space<vmem>>
    %dma_wait3A_86 = tpu.memref_squeeze %dma_wait3A_85 : memref<1x8x1024xf32, #tpu.memory_space<vmem>> -> memref<8x1024xf32, #tpu.memory_space<vmem>>
    tpu.wait_dma2 semaphore(%dma_wait3A_78 : memref<!tpu.dma_semaphore, #tpu.memory_space<semaphore_mem>>) src(%dma_wait3A_86 : memref<8x1024xf32, #tpu.memory_space<vmem>>) dst(%dma_wait3A_82 : memref<8x1024xf32, #tpu.memory_space<hbm>>)
    %dma_wait3A_87 = arith.constant 1 : i32
    %dma_wait3A_88 = arith.constant 196 : i32
    %dma_wait3A_89 = arith.constant 1 : i32
    %dma_wait3A_90 = arith.constant 0 : i32
    %dma_wait3A_91 = arith.constant 0 : i32
    %dma_wait3A_92 = tpu.memref_slice %arg7[%dma_wait3A_87, %dma_wait3A_90, %dma_wait3A_91] : memref<5x8x1024xf32, #tpu.memory_space<vmem>> -> memref<1x8x1024xf32, #tpu.memory_space<vmem>>
    %dma_wait3A_93 = tpu.memref_squeeze %dma_wait3A_92 : memref<1x8x1024xf32, #tpu.memory_space<vmem>> -> memref<8x1024xf32, #tpu.memory_space<vmem>>
    %dma_wait3A_94 = arith.constant 0 : i32
    %dma_wait3A_95 = arith.constant 0 : i32
    %dma_wait3A_96 = tpu.memref_slice %arg4[%dma_wait3A_88, %dma_wait3A_94, %add3A, %dma_wait3A_95] : memref<200x8x32x1024xf32, #tpu.memory_space<hbm>> -> memref<1x8x1x1024xf32, #tpu.memory_space<hbm>>
    %dma_wait3A_97 = tpu.memref_squeeze %dma_wait3A_96 : memref<1x8x1x1024xf32, #tpu.memory_space<hbm>> -> memref<8x1024xf32, #tpu.memory_space<hbm>>
    %dma_wait3A_98 = tpu.memref_slice %arg9[%dma_wait3A_89] : memref<5x!tpu.dma_semaphore, #tpu.memory_space<semaphore_mem>> -> memref<1x!tpu.dma_semaphore, #tpu.memory_space<semaphore_mem>>
    %dma_wait3A_99 = tpu.memref_squeeze %dma_wait3A_98 : memref<1x!tpu.dma_semaphore, #tpu.memory_space<semaphore_mem>> -> memref<!tpu.dma_semaphore, #tpu.memory_space<semaphore_mem>>
    %dma_wait3A_100 = arith.constant 0 : i32
    %dma_wait3A_101 = arith.constant 0 : i32
    %dma_wait3A_102 = tpu.memref_slice %arg4[%dma_wait3A_88, %dma_wait3A_100, %add3A, %dma_wait3A_101] : memref<200x8x32x1024xf32, #tpu.memory_space<hbm>> -> memref<1x8x1x1024xf32, #tpu.memory_space<hbm>>
    %dma_wait3A_103 = tpu.memref_squeeze %dma_wait3A_102 : memref<1x8x1x1024xf32, #tpu.memory_space<hbm>> -> memref<8x1024xf32, #tpu.memory_space<hbm>>
    %dma_wait3A_104 = arith.constant 0 : i32
    %dma_wait3A_105 = arith.constant 0 : i32
    %dma_wait3A_106 = tpu.memref_slice %arg7[%dma_wait3A_87, %dma_wait3A_104, %dma_wait3A_105] : memref<5x8x1024xf32, #tpu.memory_space<vmem>> -> memref<1x8x1024xf32, #tpu.memory_space<vmem>>
    %dma_wait3A_107 = tpu.memref_squeeze %dma_wait3A_106 : memref<1x8x1024xf32, #tpu.memory_space<vmem>> -> memref<8x1024xf32, #tpu.memory_space<vmem>>
    tpu.wait_dma2 semaphore(%dma_wait3A_99 : memref<!tpu.dma_semaphore, #tpu.memory_space<semaphore_mem>>) src(%dma_wait3A_107 : memref<8x1024xf32, #tpu.memory_space<vmem>>) dst(%dma_wait3A_103 : memref<8x1024xf32, #tpu.memory_space<hbm>>)
    %dma_wait3A_108 = arith.constant 2 : i32
    %dma_wait3A_109 = arith.constant 197 : i32
    %dma_wait3A_110 = arith.constant 2 : i32
    %dma_wait3A_111 = arith.constant 0 : i32
    %dma_wait3A_112 = arith.constant 0 : i32
    %dma_wait3A_113 = tpu.memref_slice %arg7[%dma_wait3A_108, %dma_wait3A_111, %dma_wait3A_112] : memref<5x8x1024xf32, #tpu.memory_space<vmem>> -> memref<1x8x1024xf32, #tpu.memory_space<vmem>>
    %dma_wait3A_114 = tpu.memref_squeeze %dma_wait3A_113 : memref<1x8x1024xf32, #tpu.memory_space<vmem>> -> memref<8x1024xf32, #tpu.memory_space<vmem>>
    %dma_wait3A_115 = arith.constant 0 : i32
    %dma_wait3A_116 = arith.constant 0 : i32
    %dma_wait3A_117 = tpu.memref_slice %arg4[%dma_wait3A_109, %dma_wait3A_115, %add3A, %dma_wait3A_116] : memref<200x8x32x1024xf32, #tpu.memory_space<hbm>> -> memref<1x8x1x1024xf32, #tpu.memory_space<hbm>>
    %dma_wait3A_118 = tpu.memref_squeeze %dma_wait3A_117 : memref<1x8x1x1024xf32, #tpu.memory_space<hbm>> -> memref<8x1024xf32, #tpu.memory_space<hbm>>
    %dma_wait3A_119 = tpu.memref_slice %arg9[%dma_wait3A_110] : memref<5x!tpu.dma_semaphore, #tpu.memory_space<semaphore_mem>> -> memref<1x!tpu.dma_semaphore, #tpu.memory_space<semaphore_mem>>
    %dma_wait3A_120 = tpu.memref_squeeze %dma_wait3A_119 : memref<1x!tpu.dma_semaphore, #tpu.memory_space<semaphore_mem>> -> memref<!tpu.dma_semaphore, #tpu.memory_space<semaphore_mem>>
    %dma_wait3A_121 = arith.constant 0 : i32
    %dma_wait3A_122 = arith.constant 0 : i32
    %dma_wait3A_123 = tpu.memref_slice %arg4[%dma_wait3A_109, %dma_wait3A_121, %add3A, %dma_wait3A_122] : memref<200x8x32x1024xf32, #tpu.memory_space<hbm>> -> memref<1x8x1x1024xf32, #tpu.memory_space<hbm>>
    %dma_wait3A_124 = tpu.memref_squeeze %dma_wait3A_123 : memref<1x8x1x1024xf32, #tpu.memory_space<hbm>> -> memref<8x1024xf32, #tpu.memory_space<hbm>>
    %dma_wait3A_125 = arith.constant 0 : i32
    %dma_wait3A_126 = arith.constant 0 : i32
    %dma_wait3A_127 = tpu.memref_slice %arg7[%dma_wait3A_108, %dma_wait3A_125, %dma_wait3A_126] : memref<5x8x1024xf32, #tpu.memory_space<vmem>> -> memref<1x8x1024xf32, #tpu.memory_space<vmem>>
    %dma_wait3A_128 = tpu.memref_squeeze %dma_wait3A_127 : memref<1x8x1024xf32, #tpu.memory_space<vmem>> -> memref<8x1024xf32, #tpu.memory_space<vmem>>
    tpu.wait_dma2 semaphore(%dma_wait3A_120 : memref<!tpu.dma_semaphore, #tpu.memory_space<semaphore_mem>>) src(%dma_wait3A_128 : memref<8x1024xf32, #tpu.memory_space<vmem>>) dst(%dma_wait3A_124 : memref<8x1024xf32, #tpu.memory_space<hbm>>)
    %dma_wait3A_129 = arith.constant 3 : i32
    %dma_wait3A_130 = arith.constant 198 : i32
    %dma_wait3A_131 = arith.constant 3 : i32
    %dma_wait3A_132 = arith.constant 0 : i32
    %dma_wait3A_133 = arith.constant 0 : i32
    %dma_wait3A_134 = tpu.memref_slice %arg7[%dma_wait3A_129, %dma_wait3A_132, %dma_wait3A_133] : memref<5x8x1024xf32, #tpu.memory_space<vmem>> -> memref<1x8x1024xf32, #tpu.memory_space<vmem>>
    %dma_wait3A_135 = tpu.memref_squeeze %dma_wait3A_134 : memref<1x8x1024xf32, #tpu.memory_space<vmem>> -> memref<8x1024xf32, #tpu.memory_space<vmem>>
    %dma_wait3A_136 = arith.constant 0 : i32
    %dma_wait3A_137 = arith.constant 0 : i32
    %dma_wait3A_138 = tpu.memref_slice %arg4[%dma_wait3A_130, %dma_wait3A_136, %add3A, %dma_wait3A_137] : memref<200x8x32x1024xf32, #tpu.memory_space<hbm>> -> memref<1x8x1x1024xf32, #tpu.memory_space<hbm>>
    %dma_wait3A_139 = tpu.memref_squeeze %dma_wait3A_138 : memref<1x8x1x1024xf32, #tpu.memory_space<hbm>> -> memref<8x1024xf32, #tpu.memory_space<hbm>>
    %dma_wait3A_140 = tpu.memref_slice %arg9[%dma_wait3A_131] : memref<5x!tpu.dma_semaphore, #tpu.memory_space<semaphore_mem>> -> memref<1x!tpu.dma_semaphore, #tpu.memory_space<semaphore_mem>>
    %dma_wait3A_141 = tpu.memref_squeeze %dma_wait3A_140 : memref<1x!tpu.dma_semaphore, #tpu.memory_space<semaphore_mem>> -> memref<!tpu.dma_semaphore, #tpu.memory_space<semaphore_mem>>
    %dma_wait3A_142 = arith.constant 0 : i32
    %dma_wait3A_143 = arith.constant 0 : i32
    %dma_wait3A_144 = tpu.memref_slice %arg4[%dma_wait3A_130, %dma_wait3A_142, %add3A, %dma_wait3A_143] : memref<200x8x32x1024xf32, #tpu.memory_space<hbm>> -> memref<1x8x1x1024xf32, #tpu.memory_space<hbm>>
    %dma_wait3A_145 = tpu.memref_squeeze %dma_wait3A_144 : memref<1x8x1x1024xf32, #tpu.memory_space<hbm>> -> memref<8x1024xf32, #tpu.memory_space<hbm>>
    %dma_wait3A_146 = arith.constant 0 : i32
    %dma_wait3A_147 = arith.constant 0 : i32
    %dma_wait3A_148 = tpu.memref_slice %arg7[%dma_wait3A_129, %dma_wait3A_146, %dma_wait3A_147] : memref<5x8x1024xf32, #tpu.memory_space<vmem>> -> memref<1x8x1024xf32, #tpu.memory_space<vmem>>
    %dma_wait3A_149 = tpu.memref_squeeze %dma_wait3A_148 : memref<1x8x1024xf32, #tpu.memory_space<vmem>> -> memref<8x1024xf32, #tpu.memory_space<vmem>>
    tpu.wait_dma2 semaphore(%dma_wait3A_141 : memref<!tpu.dma_semaphore, #tpu.memory_space<semaphore_mem>>) src(%dma_wait3A_149 : memref<8x1024xf32, #tpu.memory_space<vmem>>) dst(%dma_wait3A_145 : memref<8x1024xf32, #tpu.memory_space<hbm>>)
    %dma_wait3A_150 = arith.constant 4 : i32
    %dma_wait3A_151 = arith.constant 199 : i32
    %dma_wait3A_152 = arith.constant 4 : i32
    %dma_wait3A_153 = arith.constant 0 : i32
    %dma_wait3A_154 = arith.constant 0 : i32
    %dma_wait3A_155 = tpu.memref_slice %arg7[%dma_wait3A_150, %dma_wait3A_153, %dma_wait3A_154] : memref<5x8x1024xf32, #tpu.memory_space<vmem>> -> memref<1x8x1024xf32, #tpu.memory_space<vmem>>
    %dma_wait3A_156 = tpu.memref_squeeze %dma_wait3A_155 : memref<1x8x1024xf32, #tpu.memory_space<vmem>> -> memref<8x1024xf32, #tpu.memory_space<vmem>>
    %dma_wait3A_157 = arith.constant 0 : i32
    %dma_wait3A_158 = arith.constant 0 : i32
    %dma_wait3A_159 = tpu.memref_slice %arg4[%dma_wait3A_151, %dma_wait3A_157, %add3A, %dma_wait3A_158] : memref<200x8x32x1024xf32, #tpu.memory_space<hbm>> -> memref<1x8x1x1024xf32, #tpu.memory_space<hbm>>
    %dma_wait3A_160 = tpu.memref_squeeze %dma_wait3A_159 : memref<1x8x1x1024xf32, #tpu.memory_space<hbm>> -> memref<8x1024xf32, #tpu.memory_space<hbm>>
    %dma_wait3A_161 = tpu.memref_slice %arg9[%dma_wait3A_152] : memref<5x!tpu.dma_semaphore, #tpu.memory_space<semaphore_mem>> -> memref<1x!tpu.dma_semaphore, #tpu.memory_space<semaphore_mem>>
    %dma_wait3A_162 = tpu.memref_squeeze %dma_wait3A_161 : memref<1x!tpu.dma_semaphore, #tpu.memory_space<semaphore_mem>> -> memref<!tpu.dma_semaphore, #tpu.memory_space<semaphore_mem>>
    %dma_wait3A_163 = arith.constant 0 : i32
    %dma_wait3A_164 = arith.constant 0 : i32
    %dma_wait3A_165 = tpu.memref_slice %arg4[%dma_wait3A_151, %dma_wait3A_163, %add3A, %dma_wait3A_164] : memref<200x8x32x1024xf32, #tpu.memory_space<hbm>> -> memref<1x8x1x1024xf32, #tpu.memory_space<hbm>>
    %dma_wait3A_166 = tpu.memref_squeeze %dma_wait3A_165 : memref<1x8x1x1024xf32, #tpu.memory_space<hbm>> -> memref<8x1024xf32, #tpu.memory_space<hbm>>
    %dma_wait3A_167 = arith.constant 0 : i32
    %dma_wait3A_168 = arith.constant 0 : i32
    %dma_wait3A_169 = tpu.memref_slice %arg7[%dma_wait3A_150, %dma_wait3A_167, %dma_wait3A_168] : memref<5x8x1024xf32, #tpu.memory_space<vmem>> -> memref<1x8x1024xf32, #tpu.memory_space<vmem>>
    %dma_wait3A_170 = tpu.memref_squeeze %dma_wait3A_169 : memref<1x8x1024xf32, #tpu.memory_space<vmem>> -> memref<8x1024xf32, #tpu.memory_space<vmem>>
    tpu.wait_dma2 semaphore(%dma_wait3A_162 : memref<!tpu.dma_semaphore, #tpu.memory_space<semaphore_mem>>) src(%dma_wait3A_170 : memref<8x1024xf32, #tpu.memory_space<vmem>>) dst(%dma_wait3A_166 : memref<8x1024xf32, #tpu.memory_space<hbm>>)
    return
  }
}

</mosaic_0001>

<sc_bundles>
// kernel: kernel.3.cloned.1.call-start
scs
__scs_entry_jumppad:
0x0: {  	(pc) =	sbr.rel $0x88, $3  }
0x1: {  	(tag) =	ssettag $0x0;
	lr =	simm.s32 $0x1  }
0x2: {  	[smem:$0x3F9F] =	sst lr;
	_ =	strace $0xD0000000  }
0x3: {  	_ = 	snop  }
0x4: {  	_ = 	snop  }
0x5: {  	_ = 	snop  }
0x6: {  	_ = 	snop  }
0x7: {  	_ = 	snop  }
__scs_overlays_trampoline_lowered:
0x8: {  	[smem:$0x3FAE] =	sst s0  }
0x9: {  	[smem:$0x3FAF] =	sst s1  }
0xa: {  	[smem:$0x3FB0] =	sst s2  }
0xb: {  	[smem:$0x3FB1] =	sst s3  }
0xc: {  	[smem:$0x3FB2] =	sst s4  }
0xd: {  	[smem:$0x3FB3] =	sst s5  }
0xe: {  	[smem:$0x3FB4] =	sst s6  }
0xf: {  	[smem:$0x3FB5] =	sst s7  }
0x10: {  	[smem:$0x3FB6] =	sst s8  }
0x11: {  	[smem:$0x3FB7] =	sst s9;
	s0 =	simm.s32 @!p0 $0x0  }
0x12: {  	s1 =	sld [smem:$0x3F9D];
	s0 =	simm.s32 @p0 $0x1  }
0x13: {  	[smem:$0x3FB8] =	sst s0;
	s0 =	simm.s32 @!p1 $0x0  }
0x14: {  	s2 =	sld [smem:$0x3F9C];
	s0 =	simm.s32 @p1 $0x1  }
0x15: {  	[smem:$0x3FB9] =	sst s0;
	s0 =	simm.s32 @!p2 $0x0  }
0x16: {  	s3 =	sld [smem:$0x3FDB];
	s0 =	simm.s32 @p2 $0x1  }
0x17: {  	s4 =	simm.s32 $0x1BF5;
	[smem:$0x3FBB] =	sst s0  }
0x18: {  	s0 =	sld [smem:$0x3F9E];
	_ =	swait.ge [sflag:s4], $0x0  }
0x19: {  	s7 =	sld [smem:$0x3F9F]  }
0x1a: {  	s8 =	sadd.s32 $0xFFFFE003, lr  }
0x1b: {  	s9 =	sadd.s32 $0xFFFFFEF7, lr;
	s5 =	simm.s32 $0xFFFFFFFF;
	p2 =	slt.u32 s8, $0xFFFFF086  }
0x1c: {  	p1 =	slt.u32 s9, $0xF7A;
	s5 =	simm.s32 @!p2 $0x0  }
0x1d: {  	s5 =	simm.s32 @p1 $0x1;
	p0 =	seq.s32 s7, s2  }
0x1e: {  	s7 =	smul.u32 @!p0 $0xF7A, s2;
	p2 =	seq.s32 @!p0 s5, $0x0  }
0x1f: {  	s9 =	smul.u32 $0xF7A, s1;
	s8 =	simm.s32 @!p0 $0x1BF5;
	p2 =	por !p2, p0  }
0x20: {  	[sflag:s8] =	ssyncset.s32 @!p0 $0xFFFFF086;
	s6 =	sadd.s32 @!p0 s3, s7;
	s7 =	simm.s32 @!p0 $0x108  }
0x21: {  	s3 =	sadd.s32 s3, s9;
	s6 =	sadd.s32 @!p0 $0x88, s6;
	s7 =	simm.s32 @p2 $0x1082  }
0x22: {  	[simem:s7], [sflag:s8] =	dma.local @!p0 [hbm:s6], $0xF7A  }
0x23: {  	s9 =	sor.u32 $0xD0000000, s2;
	s6 =	simm.s32 $0x108;
	_ =	swait.ge @!p0 [sflag:s8], $0x0  }
0x24: {  	s3 =	sadd.s32 $0x88, s3;
	s6 =	simm.s32 @!p1 $0x1082;
	[sflag:s4] =	ssyncset.s32 $0xFFFFF086  }
0x25: {  	[simem:s6], [sflag:s4] =	dma.local [hbm:s3], $0xF7A  }
0x26: {  	[smem:$0x3F9F] =	sst s1;
	(tag) =	ssettag s2;
	_ =	strace s9  }
0x27: {  	s1 =	sld [smem:$0x3FAF]  }
0x28: {  	s2 =	sld [smem:$0x3FB0]  }
0x29: {  	s4 =	sld [smem:$0x3FB2]  }
0x2a: {  	p0 =	seq.s32 s5, $0x0;
	s5 =	sld [smem:$0x3FB3]  }
0x2b: {  	s6 =	sld [smem:$0x3FB4]  }
0x2c: {  	s7 =	sld [smem:$0x3FB5]  }
0x2d: {  	s3 =	simm.s32 $0x108;
	s8 =	sld [smem:$0x3FB6]  }
0x2e: {  	s3 =	simm.s32 @!p0 $0x1082;
	s9 =	sld [smem:$0x3FB7]  }
0x2f: {  	lr =	sadd.s32 s0, s3;
	s0 =	sld [smem:$0x3FAE]  }
0x30: {  	s3 =	sld [smem:$0x3FB1]  }
0x31: {  	[smem:$0x3FBA] =	sst s10  }
0x32: {  	s10 =	sld [smem:$0x3FB8];
	_ =	sdelay $0x3  }
0x33: {  	p0 =	seq.s32 s10, $0x1;
	s10 =	sld [smem:$0x3FBA];
	_ =	sdelay $0x3  }
0x34: {  	[smem:$0x3FBA] =	sst s10  }
0x35: {  	s10 =	sld [smem:$0x3FB9];
	_ =	sdelay $0x3  }
0x36: {  	p1 =	seq.s32 s10, $0x1;
	s10 =	sld [smem:$0x3FBA];
	_ =	sdelay $0x3  }
0x37: {  	[smem:$0x3FBA] =	sst s10  }
0x38: {  	s10 =	sld [smem:$0x3FBB]  }
0x39: {  	_ = 	snop;
	(pc) =	sbr.ind lr, $3  }
0x3a: {  	_ = 	snop  }
0x3b: {  	_ = 	snop  }
0x3c: {  	p2 =	seq.s32 s10, $0x1;
	s10 =	sld [smem:$0x3FBA]  }
0x3d: {  	_ =	shalt  }
0x3e: {  	_ =	shalt  }
0x3f: {  	_ =	shalt  }
0x40: {  	_ =	shalt  }
0x41: {  	_ =	shalt  }
0x42: {  	_ =	shalt  }
0x43: {  	_ =	shalt  }
0x44: {  	_ =	shalt  }
0x45: {  	_ =	shalt  }
0x46: {  	_ =	shalt  }
0x47: {  	_ =	shalt  }
0x48: {  	_ =	shalt  }
0x49: {  	_ =	shalt  }
0x4a: {  	_ =	shalt  }
0x4b: {  	_ =	shalt  }
0x4c: {  	_ =	shalt  }
0x4d: {  	_ =	shalt  }
0x4e: {  	_ =	shalt  }
0x4f: {  	_ =	shalt  }
0x50: {  	_ =	shalt  }
0x51: {  	_ =	shalt  }
0x52: {  	_ =	shalt  }
0x53: {  	_ =	shalt  }
0x54: {  	_ =	shalt  }
0x55: {  	_ =	shalt  }
0x56: {  	_ =	shalt  }
0x57: {  	_ =	shalt  }
0x58: {  	_ =	shalt  }
0x59: {  	_ =	shalt  }
0x5a: {  	_ =	shalt  }
0x5b: {  	_ =	shalt  }
0x5c: {  	_ =	shalt  }
0x5d: {  	_ =	shalt  }
0x5e: {  	_ =	shalt  }
0x5f: {  	_ =	shalt  }
0x60: {  	_ =	shalt  }
0x61: {  	_ =	shalt  }
0x62: {  	_ =	shalt  }
0x63: {  	_ =	shalt  }
0x64: {  	_ =	shalt  }
0x65: {  	_ =	shalt  }
0x66: {  	_ =	shalt  }
0x67: {  	_ =	shalt  }
0x68: {  	_ =	shalt  }
0x69: {  	_ =	shalt  }
0x6a: {  	_ =	shalt  }
0x6b: {  	_ =	shalt  }
0x6c: {  	_ =	shalt  }
0x6d: {  	_ =	shalt  }
0x6e: {  	_ =	shalt  }
0x6f: {  	_ =	shalt  }
0x70: {  	_ =	shalt  }
0x71: {  	_ =	shalt  }
0x72: {  	_ =	shalt  }
0x73: {  	_ =	shalt  }
0x74: {  	_ =	shalt  }
0x75: {  	_ =	shalt  }
0x76: {  	_ =	shalt  }
0x77: {  	_ =	shalt  }
0x78: {  	_ =	shalt  }
0x79: {  	_ =	shalt  }
0x7a: {  	_ =	shalt  }
0x7b: {  	_ =	shalt  }
0x7c: {  	_ =	shalt  }
0x7d: {  	_ =	shalt  }
0x7e: {  	_ =	shalt  }
0x7f: {  	_ =	shalt  }
0x80: {  	_ =	shalt  }
0x81: {  	_ =	shalt  }
0x82: {  	_ =	shalt  }
0x83: {  	_ =	shalt  }
0x84: {  	_ =	shalt  }
0x85: {  	_ =	shalt  }
0x86: {  	_ =	shalt  }
0x87: {  	_ =	shalt  }
.Lfunc_end0:
.L_simem_size_0:
called_computation_lowered:
.L_overlay_start_0:
0x88: {  	s2 =	sld [smem:$0x3FD9]  }
0x89: {  	s3 =	sld [smem:$0x3FFE];
	_ =	sdelay $0x1  }
0x8a: {  	s1 =	srdreg.scid  }
0x8b: {  	s0 =	sand.u32 $0x1, s1  }
0x8c: {  	s17 =	sshll.u32 s0, $0xA;
	s2 =	sadd.s32 s3, s2  }
0x8d: {  	s2 =	sadd.s32 s2, s17  }
0x8e: {  	[smem:$0x3FC6] =	sst s2  }
0x8f: {  	_ = 	snop  }
0x90: {  	s2 =	sld [smem:$0x3FC9]  }
0x91: {  	s18 =	sld [smem:$0x3FD0];
	(tm) =	ssettm $0x1  }
0x92: {  	s4 =	sld [smem:$0x3FFB];
	_ =	sdelay $0x3  }
0x93: {  	_ =	strace s4  }
0x94: {  	s4 =	sld [smem:$0x3FFC];
	_ =	sdelay $0x3  }
0x95: {  	_ =	strace s4  }
0x96: {  	s4 =	sld [smem:$0x3FFD];
	_ =	sdelay $0x3  }
0x97: {  	_ =	strace s4  }
0x98: {  	_ =	strace $0x8FFFFFFF  }
0x99: {  	s19 =	sld [smem:$0x3FDB];
	_ =	sdelay $0x1  }
0x9a: {  	s5 =	simm.s32 $_scs_section_size  }
0x9b: {  	s6 =	simm.s32 $_size__tile_overlayer_lowered;
	s7 =	simm.s32 $_tile_overlayer_lowered  }
0x9c: {  	s22 =	simm.s32 $0x1BFF;
	s21 =	sshll.u32 s7, $0x1;
	s4 =	sadd.s32 s5, s19  }
0x9d: {  	s8 =	simm.s32 $0x0;
	s20 =	sshll.u32 s6, $0x1;
	s6 =	sadd.s32 s21, s4  }
0x9e: {  	[timem:s8], [sflag:s22] =	dma.local [hbm:s6], s20  }
0x9f: {  	_ =	swait.ge [sflag:s22], s20  }
0xa0: {  	s5 =	ssub.s32 $0x0, s20;
	[sflag:s22] =	ssyncset.done $0x0  }
0xa1: {  	[sflag:s22] =	ssyncadd.s32 s5;
	_ =	sdelay $0x1  }
0xa2: {  	s23 =	simm.s32 $0x1B8B  }
0xa3: {  	_ =	swait.ge [sflag:s23], $0x1  }
0xa4: {  	[sflag:s23] =	ssyncset.done $0x0  }
0xa5: {  	s25 =	simm.s32 $0x1B8E;
	s24 =	sld [smem:$0x3FFE];
	[sflag:s23] =	ssyncadd.s32 $0xFFFFFFFF  }
0xa6: {  	s26 =	simm.s32 $execute0_lowered;
	[smem:$0x3FD2] =	sst s25  }
0xa7: {  	s6 =	sshll.u32 s26, $0x1;
	_ =	strace $0x80000046;
	[dreg:$0x1] =	wrdreg $0xFFFFFFFF  }
0xa8: {  	s28 =	simm.s32 $_size_execute0_lowered;
	s4 =	sadd.s32 s4, s6;
	[dreg:$0x0] =	wrdreg $0x0  }
0xa9: {  	s6 =	sshll.u32 s28, $0x1;
	[dreg:$0x2] =	wrdreg s4  }
0xaa: {  	[dreg:$0x3] =	wrdreg s6  }
0xab: {  	[dreg:$0x4] =	wrdreg $0xC0  }
0xac: {  	_ =	task [dreg:s8], $0x5FFFF  }
0xad: {  	[dreg:$0x1] =	wrdreg $0xFFFFFFFF  }
0xae: {  	[dreg:$0x0] =	wrdreg $0x60  }
0xaf: {  	[dreg:$0x2] =	wrdreg s2  }
0xb0: {  	[dreg:$0x3] =	wrdreg s24  }
0xb1: {  	[dreg:$0x4] =	wrdreg s18  }
0xb2: {  	[dreg:$0x5] =	wrdreg $0x9  }
0xb3: {  	_ =	task.clear_ibuf [dreg:s8], $0x6FFFF;
	_ =	strace $0x90000046  }
0xb4: {  	s29 =	simm.s32 $0x9;
	_ =	strace $0x80000048  }
0xb5: {  	_ =	swait.ge [sflag:s29], $0x1  }
0xb6: {  	[sflag:s29] =	ssyncadd.s32 $0xFFFFFFFF  }
0xb7: {  	_ =	strace $0x90000048  }
0xb8: {  	_ =	sfence  }
0xb9: {  	s30 =	sld [smem:$0x0];
	_ =	sdelay $0x2  }
0xba: {  	s31 =	sshll.u32 s1, $0xD;
	s1 =	sshrl.u32 s1, $0x2  }
0xbb: {  	s3 =	sand.u32 $0x4000, s31;
	s1 =	sadd.s32 s1, s30  }
0xbc: {  	s0 =	sor.u32 s3, s0;
	s1 =	sshll.u32 s1, $0x11  }
0xbd: {  	s0 =	sor.u32 s1, s0  }
0xbe: {  	s0 =	sadd.s32 $0x8F2B, s0  }
0xbf: {  	[sflag:s0] =	ssyncadd.remote.s32 $0x1  }
0xc0: {  	_ =	sfence.sel $0xFFFF  }
0xc1: {  	[dreg:$0x0] =	wrdreg $0xFFFFFFFF;
	(pc) =	sbr.abs _section_cstart, $3  }
0xc2: {  	[dreg:$0x1] =	wrdreg $0xFFFFFFFF  }
0xc3: {  	_ =	task.clear_ibuf [dreg:s8], $0x2FFFF;
	_ =	strace $0x9FFFFFFF  }
0xc4: {  	(tm) =	ssettm $0x7FFFFFFF  }
0xc5: {  	_ =	shalt  }
tec
execute0_lowered:
.L_overlay_start_1:
0x0: {  	(tag) =	ssettag $0x1  }
0x1: {  	s0 =	rddreg [dreg:$0x0]  }
0x2: {  	s1 =	rddreg [dreg:$0x1]  }
0x3: {  	s2 =	rddreg [dreg:$0x2]  }
0x4: {  	s3 =	srdreg.scid;
	s4 =	stileid.u32  }
0x5: {  	s6 =	simm.s32 $0x0;
	s9 =	simm.s32 $0x400;
	s10 =	simm.s32 $0x8000  }
0x6: {  	s12 =	simm.s32 $0x80;
	s13 =	simm.s32 $0x6400;
	s14 =	simm.s32 $0x8400  }
0x7: {  	s15 =	simm.s32 $0xA400;
	s16 =	simm.s32 $0x1;
	s17 =	simm.s32 $0x10400  }
0x8: {  	s18 =	simm.s32 $0xC400;
	s19 =	simm.s32 $0x2;
	s20 =	simm.s32 $0x12400  }
0x9: {  	s21 =	simm.s32 $0xE400;
	s22 =	simm.s32 $0x3;
	s23 =	simm.s32 $0x14400  }
0xa: {  	v0 =	vlaneseq.u32;
	s24 =	simm.s32 $0x4;
	s25 =	simm.s32 $0x16400;
	s3 =	sand.u32 $0x1, s3  }
0xb: {  	s26 =	simm.s32 $0x5;
	s4 =	sshll.u32 s4, $0xB;
	v1 =	vmul.u32 $0x40, v0;
	s5 =	sshll.u32 s3, $0xA  }
0xc: {  	s28 =	simm.s32 $0x18400;
	v2 =	vand.u32 $0x7, v0;
	v4 =	vor.u32 $0x10, v0;
	v6 =	vor.u32 $0x20, v0;
	s3 =	ssub.s32 $0x2, s3;
	s4 =	sor.u32 s5, s4  }
0xd: {  	[smem:$0x7FF] =	sst s6;
	v8 =	vor.u32 $0x30, v0;
	v10 =	vor.u32 $0x40, v0;
	v12 =	vor.u32 $0x50, v0;
	s29 =	sshrl.u32 s3, $0x1;
	s7 =	sshrl.u32 s4, $0x3  }
0xe: {  	v14 =	vor.u32 $0x60, v0;
	v16 =	vor.u32 $0x70, v0;
	_ =	strace $0x80000047;
	v3 =	vor.u32 $0x400, v1;
	s30 =	ssub.s32 s3, s29;
	s0 =	sadd.s32 s0, s7  }
0xf: {  	s5 =	sadd.s32 $0xF42800, s1;
	v5 =	vor.u32 $0x800, v1;
	v7 =	vor.u32 $0xC00, v1;
	v9 =	vor.u32 $0x1000, v1;
	s31 =	smax.u32 s30, $0x1;
	[dreg:$0x4] =	wrdreg s0  }
0x10: {  	v11 =	vor.u32 $0x1400, v1;
	v13 =	vor.u32 $0x1800, v1;
	v15 =	vor.u32 $0x1C00, v1;
	s3 =	simm.s32 $0x0;
	s7 =	sor.u32 $0x40000, s4;
	[dreg:$0x5] =	wrdreg s31  }
.LBB2_1:
0x11: {  	s0 =	simm.s32 $0x0;
	s1 =	rddreg [dreg:$0x4];
	s31 =	simm.s32 $0xB  }
0x12: {  	[tilespmem:s0], [sflag:$0xB] =	stream.strided.gather [hbm4b:s1+s9], $0x6400, s10, s9, $0x38;
	[tilespmem:$0x1A400] =	vst v63  }
0x13: {  	_ =	swait.ge [sflag:s31], $0x6400  }
0x14: {  	[sflag:s31] =	ssyncset.done $0x0  }
0x15: {  	[sflag:s31] =	ssyncadd.s32 $0xFFFF9C00  }
0x16: {  	[tilespmem:s13], [sflag:$0x1] =	stream.indirect.gather [hbm4b:s5+s12], $0x40, s0, s12, $0xb8;
	[tilespmem:$0x1A400] =	vst v63  }
0x17: {  	s6 =	simm.s32 $0x0  }
0x18: {  	[tilespmem:s14], [sflag:$0x2] =	stream.indirect.gather [hbm4b:s5+s12], $0x40, s12, s12, $0xb8;
	[tilespmem:$0x1A400] =	vst v63  }
.LBB2_2:
0x19: {  	s8 =	smul.u32 $0x5, s6;
	p0 =	seq.s32 s6, $0x0  }
0x1a: {  	s11 =	simm.s32 $0x1;
	s0 =	simm.s32 @!p0 $0x8  }
0x1b: {  	v17 =	vadd.s32 s11, v0;
	s29 =	sadd.s32 $0x2, s8;
	_ =	swait.ge @!p0 [sflag:s0], $0x2000  }
0x1c: {  	v20 =	vand.u32 $0x3F, v17;
	[sflag:s0] =	ssyncset.done @!p0 $0x0;
	s1 =	sshll.u32 s29, $0x7  }
0x1d: {  	s31 =	simm.s32 $0x0;
	v18 =	vor.u32 v1, v20;
	[sflag:s0] =	ssyncadd.s32 @!p0 $0xFFFFE000;
	s30 =	sand.u32 $0x1FF80, s1  }
0x1e: {  	v17 =	vshll.u32 v17, $0x7;
	[tilespmem:s15], [sflag:$0x3] =	stream.indirect.gather [hbm4b:s5+s12], $0x40, s30, s12, $0xb8;
	[tilespmem:$0x1A400] =	vst v63  }
0x1f: {  	v30 =	vadd.s32 s31, v0;
	v19 =	vor.u32 v0, v17;
	v21 =	vand.u32 $0x1C00, v17;
	_ =	swait.ge [sflag:s16], $0x2000  }
0x20: {  	v22 =	vor.u32 v4, v17;
	v23 =	vor.u32 v3, v20;
	v24 =	vor.u32 v6, v17;
	[sflag:s16] =	ssyncset.done $0x0  }
0x21: {  	v27 =	vor.u32 v8, v17;
	v19 =	vand.u32 $0x388, v19;
	v21 =	vor.u32 v2, v21;
	[sflag:s16] =	ssyncadd.s32 $0xFFFFE000  }
0x22: {  	v25 =	vor.u32 v10, v17;
	v26 =	vor.u32 v12, v17;
	v19 =	vor.u32 v19, v21;
	v18 =	vld.idx.msk [tilespmem:v18+s13+$0x0], $0xffff  }
0x23: {  	v31 =	vor.u32 v15, v20;
	v42 =	vor.u32 v9, v20;
	v61 =	vor.u32 v11, v20  }
0x24: {  	v63 =	vor.u32 v13, v20;
	v22 =	vand.u32 $0x398, v22;
	v24 =	vand.u32 $0x3A8, v24  }
0x25: {  	v25 =	vand.u32 $0x3C8, v25;
	v27 =	vand.u32 $0x3B8, v27;
	v22 =	vor.u32 v22, v21  }
0x26: {  	s1 =	simm.s32 $0x3;
	v24 =	vor.u32 v24, v21;
	v28 =	vor.u32 v25, v21;
	v25 =	vand.u32 $0x3D8, v26  }
0x27: {  	v26 =	vor.u32 v14, v17;
	v17 =	vor.u32 v16, v17;
	v57 =	vadd.s32 s1, v0;
	[tilespmem:v19+s17+$0x0] =	vst.idx.msk $0xffff, v18  }
0x28: {  	v27 =	vor.u32 v27, v21;
	v29 =	vor.u32 v25, v21;
	v35 =	vand.u32 $0x3F8, v17;
	v19 =	vld.idx.msk [tilespmem:v23+s13+$0x0], $0xffff  }
0x29: {  	v18 =	vand.u32 $0x3E8, v26;
	v26 =	vand.u32 $0x3F, v30;
	v23 =	vor.u32 v5, v20  }
0x2a: {  	v41 =	vshll.u32 v57, $0x7;
	v25 =	vor.u32 v18, v21;
	v18 =	vor.u32 v1, v26  }
0x2b: {  	v17 =	vor.u32 v7, v20;
	v43 =	vor.u32 v0, v41;
	v44 =	vor.u32 v4, v41  }
0x2c: {  	v47 =	vor.u32 v12, v41;
	v49 =	vor.u32 v35, v21;
	v30 =	vshll.u32 v30, $0x7  }
0x2d: {  	v32 =	vor.u32 v0, v30;
	v33 =	vand.u32 $0x1C00, v30;
	v55 =	vor.u32 v4, v30;
	[tilespmem:v22+s17+$0x0] =	vst.idx.msk $0xffff, v19  }
0x2e: {  	v34 =	vor.u32 v6, v30;
	v19 =	vand.u32 $0x388, v32;
	v32 =	vor.u32 v2, v33;
	v23 =	vld.idx.msk [tilespmem:v23+s13+$0x0], $0xffff  }
0x2f: {  	v36 =	vor.u32 v8, v30;
	v37 =	vor.u32 v3, v26;
	v18 =	vld.idx.msk [tilespmem:v18+s13+$0x0], $0xffff;
	v19 =	vor.u32 v19, v32  }
0x30: {  	s11 =	simm.s32 $0x2;
	v40 =	vor.u32 v10, v30;
	v60 =	vor.u32 v12, v30;
	v62 =	vor.u32 v7, v26  }
0x31: {  	v20 =	vadd.s32 s11, v0;
	v54 =	vor.u32 v11, v26;
	v33 =	vand.u32 $0x398, v55  }
0x32: {  	v34 =	vand.u32 $0x3A8, v34;
	v38 =	vor.u32 v33, v32;
	v33 =	vand.u32 $0x3F, v57  }
0x33: {  	v56 =	vand.u32 $0x3B8, v36;
	v21 =	vand.u32 $0x3F, v20;
	[tilespmem:v24+s17+$0x0] =	vst.idx.msk $0xffff, v23;
	v24 =	vor.u32 v1, v33  }
0x34: {  	v51 =	vor.u32 v5, v21;
	v22 =	vor.u32 v5, v26;
	[tilespmem:v19+s17+$0x0] =	vst.idx.msk $0xffff, v18;
	v17 =	vld.idx.msk [tilespmem:v17+s13+$0x0], $0xffff  }
0x35: {  	v39 =	vor.u32 v34, v32;
	v36 =	vor.u32 v56, v32;
	v23 =	vand.u32 $0x1C00, v41;
	v59 =	vld.idx.msk [tilespmem:v37+s13+$0x0], $0xffff  }
0x36: {  	v56 =	vor.u32 v9, v26;
	v34 =	vor.u32 v2, v23;
	v23 =	vand.u32 $0x388, v43  }
0x37: {  	v18 =	vand.u32 $0x398, v44;
	v19 =	vor.u32 v23, v34;
	v23 =	vor.u32 v6, v41  }
0x38: {  	v58 =	vor.u32 v3, v33;
	v45 =	vor.u32 v18, v34;
	v18 =	vand.u32 $0x3A8, v23;
	v24 =	vld.idx.msk [tilespmem:v24+s13+$0x0], $0xffff  }
0x39: {  	v46 =	vor.u32 v18, v34;
	v18 =	vor.u32 v10, v41;
	[tilespmem:v27+s17+$0x0] =	vst.idx.msk $0xffff, v17  }
0x3a: {  	v37 =	vand.u32 $0x3D8, v60;
	v60 =	vor.u32 v3, v21;
	v18 =	vand.u32 $0x3C8, v18;
	[tilespmem:v38+s17+$0x0] =	vst.idx.msk $0xffff, v59;
	v27 =	vld.idx.msk [tilespmem:v42+s13+$0x0], $0xffff  }
0x3b: {  	v23 =	vor.u32 v8, v41;
	v48 =	vor.u32 v18, v34;
	v17 =	vand.u32 $0x3D8, v47;
	v22 =	vld.idx.msk [tilespmem:v22+s13+$0x0], $0xffff  }
0x3c: {  	v47 =	vor.u32 v37, v32;
	v38 =	vor.u32 v14, v30;
	v18 =	vor.u32 v15, v33  }
0x3d: {  	v37 =	vor.u32 v17, v34;
	v17 =	vor.u32 v14, v41;
	[tilespmem:v19+s17+$0x0] =	vst.idx.msk $0xffff, v24  }
0x3e: {  	v30 =	vor.u32 v16, v30;
	v41 =	vor.u32 v16, v41;
	v17 =	vand.u32 $0x3E8, v17;
	v24 =	vld.idx.msk [tilespmem:v58+s13+$0x0], $0xffff  }
0x3f: {  	v19 =	vor.u32 v17, v34;
	v17 =	vand.u32 $0x3F8, v30;
	v30 =	vor.u32 v5, v33;
	[tilespmem:v28+s17+$0x0] =	vst.idx.msk $0xffff, v27  }
0x40: {  	v42 =	vshll.u32 v20, $0x7;
	v38 =	vand.u32 $0x3E8, v38;
	[tilespmem:v39+s17+$0x0] =	vst.idx.msk $0xffff, v22;
	v22 =	vor.u32 v1, v21  }
0x41: {  	v20 =	vor.u32 v0, v42;
	v55 =	vand.u32 $0x1C00, v42;
	v57 =	vor.u32 v4, v42;
	v28 =	vld.idx.msk [tilespmem:v61+s13+$0x0], $0xffff  }
0x42: {  	v59 =	vor.u32 v8, v42;
	v50 =	vand.u32 $0x388, v20;
	v20 =	vor.u32 v2, v55;
	v39 =	vld.idx.msk [tilespmem:v62+s13+$0x0], $0xffff  }
0x43: {  	v23 =	vand.u32 $0x3B8, v23;
	v38 =	vor.u32 v38, v32;
	v35 =	vor.u32 v50, v20;
	[tilespmem:v45+s17+$0x0] =	vst.idx.msk $0xffff, v24  }
0x44: {  	v17 =	vor.u32 v17, v32;
	v58 =	vand.u32 $0x398, v57;
	v24 =	vor.u32 v6, v42;
	v30 =	vld.idx.msk [tilespmem:v30+s13+$0x0], $0xffff  }
0x45: {  	v57 =	vor.u32 v12, v42;
	v27 =	vor.u32 v7, v33;
	v24 =	vand.u32 $0x3A8, v24;
	v45 =	vld.idx.msk [tilespmem:v22+s13+$0x0], $0xffff  }
0x46: {  	v22 =	vand.u32 $0x3C8, v40;
	[tilespmem:v29+s17+$0x0] =	vst.idx.msk $0xffff, v28;
	v28 =	vor.u32 v58, v20;
	v50 =	vor.u32 v24, v20  }
0x47: {  	s30 =	simm.s32 $0x5;
	v29 =	vand.u32 $0x3B8, v59;
	v24 =	vor.u32 v10, v42;
	[tilespmem:v36+s17+$0x0] =	vst.idx.msk $0xffff, v39;
	v36 =	vor.u32 v9, v33  }
0x48: {  	v52 =	vor.u32 v29, v20;
	v29 =	vor.u32 v23, v34;
	v23 =	vadd.s32 s30, v0  }
0x49: {  	v61 =	vor.u32 v22, v32;
	v39 =	vld.idx.msk [tilespmem:v56+s13+$0x0], $0xffff;
	v53 =	vshll.u32 v23, $0x7;
	v23 =	vand.u32 $0x3F, v23  }
0x4a: {  	v43 =	vld.idx.msk [tilespmem:v63+s13+$0x0], $0xffff;
	v22 =	vor.u32 v0, v53;
	v63 =	vor.u32 v4, v53;
	v56 =	vor.u32 v3, v23  }
0x4b: {  	v62 =	vand.u32 $0x1C00, v53;
	v59 =	vor.u32 v6, v53;
	v44 =	vor.u32 v8, v53;
	[tilespmem:v46+s17+$0x0] =	vst.idx.msk $0xffff, v30  }
0x4c: {  	v30 =	vor.u32 v1, v23;
	v55 =	vand.u32 $0x388, v22;
	v22 =	vor.u32 v2, v62;
	[tilespmem:v35+s17+$0x0] =	vst.idx.msk $0xffff, v45  }
0x4d: {  	v62 =	vor.u32 v10, v53;
	v46 =	vand.u32 $0x3D8, v57;
	v57 =	vor.u32 v13, v33;
	v27 =	vld.idx.msk [tilespmem:v27+s13+$0x0], $0xffff  }
0x4e: {  	v58 =	vand.u32 $0x398, v63;
	v55 =	vor.u32 v55, v22;
	v40 =	vld.idx.msk [tilespmem:v60+s13+$0x0], $0xffff;
	v60 =	vand.u32 $0x3A8, v59;
	[tilespmem:v61+s17+$0x0] =	vst.idx.msk $0xffff, v39  }
0x4f: {  	v59 =	vor.u32 v14, v53;
	v39 =	vor.u32 v58, v22;
	v35 =	vor.u32 v60, v22;
	v61 =	vld.idx.msk [tilespmem:v54+s13+$0x0], $0xffff  }
0x50: {  	[tilespmem:v25+s17+$0x0] =	vst.idx.msk $0xffff, v43;
	v58 =	vor.u32 v13, v26;
	v25 =	vor.u32 v12, v53  }
0x51: {  	v60 =	vor.u32 v16, v53;
	v25 =	vand.u32 $0x3D8, v25;
	v54 =	vor.u32 v7, v21  }
0x52: {  	v41 =	vand.u32 $0x3F8, v41;
	v25 =	vor.u32 v25, v22;
	v63 =	vld.idx.msk [tilespmem:v30+s13+$0x0], $0xffff;
	v30 =	vand.u32 $0x3C8, v62;
	[tilespmem:v29+s17+$0x0] =	vst.idx.msk $0xffff, v27  }
0x53: {  	v62 =	vor.u32 v5, v23;
	v27 =	vor.u32 v30, v22;
	[tilespmem:v28+s17+$0x0] =	vst.idx.msk $0xffff, v40;
	v40 =	vld.idx.msk [tilespmem:v36+s13+$0x0], $0xffff  }
0x54: {  	v29 =	vor.u32 v46, v20;
	v46 =	vor.u32 v11, v33;
	[tilespmem:v47+s17+$0x0] =	vst.idx.msk $0xffff, v61;
	v47 =	vld.idx.msk [tilespmem:v51+s13+$0x0], $0xffff  }
0x55: {  	v30 =	vor.u32 v14, v42;
	v36 =	vand.u32 $0x3E8, v59;
	v51 =	vld.idx.msk [tilespmem:v31+s13+$0x0], $0xffff;
	v31 =	vor.u32 v16, v42  }
0x56: {  	v28 =	vor.u32 v15, v23;
	v32 =	vor.u32 v36, v22;
	v31 =	vand.u32 $0x3F8, v31  }
0x57: {  	s31 =	simm.s32 $0x4;
	v42 =	vor.u32 v7, v23;
	v43 =	vld.idx.msk [tilespmem:v58+s13+$0x0], $0xffff;
	[tilespmem:v55+s17+$0x0] =	vst.idx.msk $0xffff, v63;
	v36 =	vor.u32 v31, v20  }
0x58: {  	v45 =	vand.u32 $0x3B8, v44;
	v63 =	vor.u32 v15, v26;
	v61 =	vld.idx.msk [tilespmem:v56+s13+$0x0], $0xffff;
	[tilespmem:v48+s17+$0x0] =	vst.idx.msk $0xffff, v40;
	v48 =	vadd.s32 s31, v0  }
0x59: {  	v26 =	vand.u32 $0x3F8, v60;
	v31 =	vor.u32 v41, v34;
	v58 =	vld.idx.msk [tilespmem:v46+s13+$0x0], $0xffff;
	[tilespmem:v50+s17+$0x0] =	vst.idx.msk $0xffff, v47;
	v33 =	vand.u32 $0x3F, v48  }
0x5a: {  	[tilespmem:v49+s17+$0x0] =	vst.idx.msk $0xffff, v51;
	v34 =	vshll.u32 v48, $0x7;
	v46 =	vor.u32 v9, v21;
	v49 =	vor.u32 v1, v33  }
0x5b: {  	v51 =	vld.idx.msk [tilespmem:v54+s13+$0x0], $0xffff;
	v54 =	vor.u32 v0, v34;
	v59 =	vand.u32 $0x1C00, v34;
	v60 =	vor.u32 v4, v34  }
0x5c: {  	[tilespmem:v38+s17+$0x0] =	vst.idx.msk $0xffff, v43;
	v50 =	vor.u32 v10, v34;
	v38 =	vand.u32 $0x388, v54;
	v41 =	vor.u32 v2, v59  }
0x5d: {  	v40 =	vld.idx.msk [tilespmem:v63+s13+$0x0], $0xffff;
	[tilespmem:v39+s17+$0x0] =	vst.idx.msk $0xffff, v61;
	v47 =	vor.u32 v38, v41;
	v61 =	vor.u32 v6, v34  }
0x5e: {  	v38 =	vand.u32 $0x398, v60;
	v48 =	vld.idx.msk [tilespmem:v62+s13+$0x0], $0xffff;
	v43 =	vand.u32 $0x3A8, v61;
	v62 =	vor.u32 v8, v34;
	[tilespmem:v37+s17+$0x0] =	vst.idx.msk $0xffff, v58  }
0x5f: {  	v44 =	vor.u32 v38, v41;
	v38 =	vor.u32 v43, v41;
	v63 =	vand.u32 $0x3B8, v62;
	v43 =	vld.idx.msk [tilespmem:v57+s13+$0x0], $0xffff  }
0x60: {  	s11 =	simm.s32 $0x6;
	v39 =	vor.u32 v5, v33;
	v49 =	vld.idx.msk [tilespmem:v49+s13+$0x0], $0xffff;
	v37 =	vor.u32 v63, v41;
	[tilespmem:v52+s17+$0x0] =	vst.idx.msk $0xffff, v51  }
.LBB2_3:
0x61: {  	s0 =	sadd.s32 $0x1, s11;
	v45 =	vor.u32 v45, v22  }
0x62: {  	p1 =	slt.u32 s11, $0x3E;
	v51 =	vor.u32 v9, v23;
	v46 =	vld.idx.msk [tilespmem:v46+s13+$0x0], $0xffff;
	v52 =	vand.u32 $0x3C8, v24;
	v53 =	vmovc v20;
	v20 =	vmovc v41;
	v24 =	vmov v50;
	s30 =	smov.u32 s11;
	s11 =	sadd.s32 $0x2, s11  }
0x63: {  	v50 =	vor.u32 v3, v33;
	v41 =	vadd.s32 s0, v0;
	[tilespmem:v35+s17+$0x0] =	vst.idx.msk $0xffff, v48;
	v35 =	vor.u32 v52, v53  }
0x64: {  	v52 =	vor.u32 v11, v21;
	v48 =	vshll.u32 v41, $0x7;
	v41 =	vand.u32 $0x3F, v41;
	v42 =	vld.idx.msk [tilespmem:v42+s13+$0x0], $0xffff;
	[tilespmem:v17+s17+$0x0] =	vst.idx.msk $0xffff, v40  }
0x65: {  	v17 =	vmovc v36;
	v40 =	vor.u32 v1, v41;
	v54 =	vor.u32 v0, v48;
	v55 =	vand.u32 $0x1C00, v48  }
0x66: {  	v36 =	vand.u32 $0x388, v54;
	v54 =	vor.u32 v2, v55;
	v55 =	vor.u32 v3, v41;
	[tilespmem:v19+s17+$0x0] =	vst.idx.msk $0xffff, v43  }
0x67: {  	v57 =	vor.u32 v4, v48;
	v36 =	vor.u32 v36, v54;
	[tilespmem:v47+s17+$0x0] =	vst.idx.msk $0xffff, v49;
	v43 =	vld.idx.msk [tilespmem:v18+s13+$0x0], $0xffff  }
0x68: {  	v56 =	vand.u32 $0x398, v57;
	v47 =	vor.u32 v6, v48;
	v18 =	vmov v28;
	v49 =	vld.idx.msk [tilespmem:v50+s13+$0x0], $0xffff;
	[tilespmem:v35+s17+$0x0] =	vst.idx.msk $0xffff, v46  }
0x69: {  	v19 =	vmovc v32;
	v50 =	vor.u32 v56, v54;
	v28 =	vand.u32 $0x3A8, v47;
	v46 =	vor.u32 v8, v48;
	v47 =	vld.idx.msk [tilespmem:v52+s13+$0x0], $0xffff  }
0x6a: {  	v35 =	vor.u32 v28, v54;
	v28 =	vor.u32 v10, v48;
	v32 =	vld.idx.msk [tilespmem:v40+s13+$0x0], $0xffff;
	[tilespmem:v45+s17+$0x0] =	vst.idx.msk $0xffff, v42  }
0x6b: {  	v28 =	vand.u32 $0x3C8, v28;
	v40 =	vor.u32 v12, v34;
	v45 =	vor.u32 v13, v21;
	v42 =	vld.idx.msk [tilespmem:v51+s13+$0x0], $0xffff  }
0x6c: {  	v51 =	vor.u32 v28, v54;
	v28 =	vor.u32 v12, v48;
	v40 =	vand.u32 $0x3D8, v40  }
0x6d: {  	v52 =	vor.u32 v11, v23;
	v28 =	vand.u32 $0x3D8, v28;
	v40 =	vor.u32 v40, v20;
	[tilespmem:v31+s17+$0x0] =	vst.idx.msk $0xffff, v43  }
0x6e: {  	v43 =	vor.u32 v28, v54;
	[tilespmem:v44+s17+$0x0] =	vst.idx.msk $0xffff, v49;
	v44 =	vor.u32 v14, v34  }
0x6f: {  	v31 =	vor.u32 v14, v48;
	v28 =	vor.u32 v15, v41;
	v39 =	vld.idx.msk [tilespmem:v39+s13+$0x0], $0xffff;
	[tilespmem:v29+s17+$0x0] =	vst.idx.msk $0xffff, v47  }
0x70: {  	v30 =	vand.u32 $0x3E8, v30;
	v29 =	vand.u32 $0x3E8, v31;
	v31 =	vor.u32 v16, v34;
	[tilespmem:v36+s17+$0x0] =	vst.idx.msk $0xffff, v32;
	v47 =	vld.idx.msk [tilespmem:v45+s13+$0x0], $0xffff  }
0x71: {  	v53 =	vor.u32 v30, v53;
	v49 =	vld.idx.msk [tilespmem:v55+s13+$0x0], $0xffff;
	v55 =	vor.u32 v7, v33;
	[tilespmem:v27+s17+$0x0] =	vst.idx.msk $0xffff, v42  }
0x72: {  	v30 =	vor.u32 v16, v48;
	v32 =	vor.u32 v29, v54;
	v31 =	vand.u32 $0x3F8, v31;
	v27 =	vmovc v51;
	v52 =	vld.idx.msk [tilespmem:v52+s13+$0x0], $0xffff  }
0x73: {  	v48 =	vor.u32 v5, v41;
	v36 =	vor.u32 v31, v20;
	v51 =	vor.u32 v15, v21;
	v29 =	vmovc v40  }
0x74: {  	v56 =	vor.u32 v13, v23;
	v23 =	vmovc v41;
	v31 =	vor.u32 v26, v22;
	v26 =	vand.u32 $0x3F8, v30;
	v22 =	vmovc v54  }
0x75: {  	v45 =	vand.u32 $0x3B8, v46;
	v21 =	vadd.s32 s30, v0;
	v42 =	vor.u32 v7, v23;
	v30 =	vmovc v44;
	[tilespmem:v38+s17+$0x0] =	vst.idx.msk $0xffff, v39  }
0x76: {  	v46 =	vor.u32 v9, v33;
	v34 =	vshll.u32 v21, $0x7;
	v54 =	vand.u32 $0x3F, v21;
	v55 =	vld.idx.msk [tilespmem:v55+s13+$0x0], $0xffff;
	[tilespmem:v53+s17+$0x0] =	vst.idx.msk $0xffff, v47  }
0x77: {  	v44 =	vor.u32 v0, v34;
	v38 =	vand.u32 $0x1C00, v34;
	v53 =	vor.u32 v1, v54;
	[tilespmem:v50+s17+$0x0] =	vst.idx.msk $0xffff, v49  }
.Ltmp0:
0x78: {  	v40 =	vand.u32 $0x388, v44;
	v21 =	vmovc v33;
	v39 =	vor.u32 v5, v54;
	v41 =	vor.u32 v2, v38;
	v48 =	vld.idx.msk [tilespmem:v48+s13+$0x0], $0xffff;
	(pc) =	sbr.rel @p1 .LBB2_3-.Ltmp0, $4  }
0x79: {  	v57 =	vor.u32 v4, v34;
	v38 =	vor.u32 v6, v34;
	v47 =	vor.u32 v40, v41;
	v40 =	vld.idx.msk [tilespmem:v51+s13+$0x0], $0xffff  }
0x7a: {  	v50 =	vand.u32 $0x398, v57;
	v38 =	vand.u32 $0x3A8, v38;
	v49 =	vor.u32 v8, v34;
	[tilespmem:v25+s17+$0x0] =	vst.idx.msk $0xffff, v52;
	v25 =	vmovc v43  }
0x7b: {  	v33 =	vmovc v54;
	v44 =	vor.u32 v50, v41;
	v38 =	vor.u32 v38, v41;
	v51 =	vand.u32 $0x3B8, v49;
	v43 =	vld.idx.msk [tilespmem:v56+s13+$0x0], $0xffff  }
0x7c: {  	v50 =	vor.u32 v10, v34;
	v49 =	vld.idx.msk [tilespmem:v53+s13+$0x0], $0xffff;
	[tilespmem:v37+s17+$0x0] =	vst.idx.msk $0xffff, v55;
	v37 =	vor.u32 v51, v41  }
0x7d: {  	v51 =	vor.u32 v3, v33;
	_ =	sdelay $0x3  }
0x7e: {  	[tilespmem:v47+s17+$0x0] =	vst.idx.msk $0xffff, v49  }
0x7f: {  	v47 =	vld.idx.msk [tilespmem:v51+s13+$0x0], $0xffff;
	_ =	sdelay $0x4  }
0x80: {  	[tilespmem:v44+s17+$0x0] =	vst.idx.msk $0xffff, v47  }
0x81: {  	v39 =	vld.idx.msk [tilespmem:v39+s13+$0x0], $0xffff  }
0x82: {  	v55 =	vor.u32 v7, v33;
	_ =	sdelay $0x2  }
0x83: {  	[tilespmem:v35+s17+$0x0] =	vst.idx.msk $0xffff, v48  }
0x84: {  	v56 =	vor.u32 v45, v22;
	v42 =	vld.idx.msk [tilespmem:v42+s13+$0x0], $0xffff;
	[tilespmem:v38+s17+$0x0] =	vst.idx.msk $0xffff, v39  }
0x85: {  	v57 =	vor.u32 v9, v23;
	v39 =	vld.idx.msk [tilespmem:v55+s13+$0x0], $0xffff  }
0x86: {  	v58 =	vor.u32 v9, v33;
	_ =	sdelay $0x1  }
0x87: {  	v24 =	vand.u32 $0x3C8, v24  }
0x88: {  	v59 =	vld.idx.msk [tilespmem:v46+s13+$0x0], $0xffff;
	v24 =	vor.u32 v24, v20;
	[tilespmem:v56+s17+$0x0] =	vst.idx.msk $0xffff, v42  }
0x89: {  	v60 =	vor.u32 v11, v21;
	v61 =	vand.u32 $0x3C8, v50;
	v38 =	vld.idx.msk [tilespmem:v57+s13+$0x0], $0xffff;
	[tilespmem:v37+s17+$0x0] =	vst.idx.msk $0xffff, v39  }
0x8a: {  	v62 =	vor.u32 v11, v23;
	v37 =	vor.u32 v61, v41;
	v63 =	vld.idx.msk [tilespmem:v58+s13+$0x0], $0xffff  }
0x8b: {  	v48 =	vor.u32 v11, v33;
	_ =	sdelay $0x1  }
0x8c: {  	[tilespmem:v24+s17+$0x0] =	vst.idx.msk $0xffff, v59  }
0x8d: {  	v49 =	vor.u32 v12, v34;
	v24 =	vld.idx.msk [tilespmem:v60+s13+$0x0], $0xffff;
	[tilespmem:v27+s17+$0x0] =	vst.idx.msk $0xffff, v38  }
0x8e: {  	v35 =	vand.u32 $0x3D8, v49;
	v27 =	vor.u32 v13, v21;
	v38 =	vld.idx.msk [tilespmem:v62+s13+$0x0], $0xffff;
	[tilespmem:v37+s17+$0x0] =	vst.idx.msk $0xffff, v63  }
0x8f: {  	v23 =	vor.u32 v13, v23;
	v35 =	vor.u32 v35, v41;
	v37 =	vld.idx.msk [tilespmem:v48+s13+$0x0], $0xffff  }
0x90: {  	v50 =	vor.u32 v13, v33;
	_ =	sdelay $0x1  }
0x91: {  	[tilespmem:v29+s17+$0x0] =	vst.idx.msk $0xffff, v24;
	v24 =	vand.u32 $0x3E8, v30  }
0x92: {  	v29 =	vor.u32 v14, v34;
	v20 =	vor.u32 v24, v20;
	v27 =	vld.idx.msk [tilespmem:v27+s13+$0x0], $0xffff;
	[tilespmem:v25+s17+$0x0] =	vst.idx.msk $0xffff, v38  }
0x93: {  	v24 =	vand.u32 $0x3E8, v29;
	v21 =	vor.u32 v15, v21;
	v23 =	vld.idx.msk [tilespmem:v23+s13+$0x0], $0xffff;
	[tilespmem:v35+s17+$0x0] =	vst.idx.msk $0xffff, v37  }
0x94: {  	v24 =	vor.u32 v24, v41;
	v25 =	vld.idx.msk [tilespmem:v50+s13+$0x0], $0xffff  }
0x95: {  	v29 =	vor.u32 v15, v33  }
0x96: {  	[tilespmem:v19+s17+$0x0] =	vst.idx.msk $0xffff, v43  }
0x97: {  	v18 =	vld.idx.msk [tilespmem:v18+s13+$0x0], $0xffff;
	[tilespmem:v20+s17+$0x0] =	vst.idx.msk $0xffff, v27  }
0x98: {  	v19 =	vor.u32 v16, v34;
	v20 =	vld.idx.msk [tilespmem:v21+s13+$0x0], $0xffff;
	[tilespmem:v32+s17+$0x0] =	vst.idx.msk $0xffff, v23  }
0x99: {  	v19 =	vand.u32 $0x3F8, v19;
	v21 =	vor.u32 v26, v22;
	v22 =	vld.idx.msk [tilespmem:v28+s13+$0x0], $0xffff;
	[tilespmem:v24+s17+$0x0] =	vst.idx.msk $0xffff, v25  }
0x9a: {  	v19 =	vor.u32 v19, v41;
	v23 =	vld.idx.msk [tilespmem:v29+s13+$0x0], $0xffff  }
0x9b: {  	s30 =	smul.u32 $0x140000, s6;
	[tilespmem:v17+s17+$0x0] =	vst.idx.msk $0xffff, v40  }
0x9c: {  	[tilespmem:v31+s17+$0x0] =	vst.idx.msk $0xffff, v18  }
0x9d: {  	s0 =	sor.u32 s4, s30;
	[tilespmem:v36+s17+$0x0] =	vst.idx.msk $0xffff, v20  }
0x9e: {  	s0 =	sshrl.u32 s0, $0x3;
	[tilespmem:v21+s17+$0x0] =	vst.idx.msk $0xffff, v22  }
0x9f: {  	s0 =	sadd.s32 s2, s0;
	[tilespmem:v19+s17+$0x0] =	vst.idx.msk $0xffff, v23  }
0xa0: {  	[hbm4b:s0+s9] =	stream.strided.scatter [tilespmem:s17], [sflag:$0x6], $0x2000, s10, s9, $0x38;
	[tilespmem:$0x1A400] =	vst v63  }
0xa1: {  	s31 =	simm.s32 $0x1;
	s0 =	simm.s32 @!p0 $0x9  }
0xa2: {  	s11 =	sadd.s32 $0x3, s8;
	v17 =	vadd.s32 s31, v0;
	_ =	swait.ge @!p0 [sflag:s0], $0x2000  }
0xa3: {  	s31 =	sshll.u32 s11, $0x7;
	v20 =	vand.u32 $0x3F, v17;
	[sflag:s0] =	ssyncset.done @!p0 $0x0  }
0xa4: {  	s1 =	sand.u32 $0x1FF80, s31;
	v18 =	vor.u32 v1, v20;
	[sflag:s0] =	ssyncadd.s32 @!p0 $0xFFFFE000  }
0xa5: {  	v17 =	vshll.u32 v17, $0x7;
	[tilespmem:s18], [sflag:$0x4] =	stream.indirect.gather [hbm4b:s5+s12], $0x40, s1, s12, $0xb8;
	[tilespmem:$0x1A400] =	vst v63  }
0xa6: {  	v27 =	vor.u32 v8, v17;
	v26 =	vor.u32 v12, v17;
	v31 =	vor.u32 v15, v20;
	_ =	swait.ge [sflag:s19], $0x2000  }
0xa7: {  	v63 =	vor.u32 v9, v20;
	v21 =	vand.u32 $0x1C00, v17;
	v19 =	vor.u32 v0, v17;
	[sflag:s19] =	ssyncset.done $0x0  }
0xa8: {  	v43 =	vor.u32 v13, v20;
	v21 =	vor.u32 v2, v21;
	v19 =	vand.u32 $0x388, v19;
	[sflag:s19] =	ssyncadd.s32 $0xFFFFE000  }
0xa9: {  	v22 =	vor.u32 v4, v17;
	v27 =	vand.u32 $0x3B8, v27;
	v19 =	vor.u32 v19, v21;
	v18 =	vld.idx.msk [tilespmem:v18+s14+$0x0], $0xffff  }
0xaa: {  	v22 =	vand.u32 $0x398, v22;
	v24 =	vor.u32 v6, v17;
	v23 =	vor.u32 v3, v20  }
0xab: {  	v25 =	vor.u32 v10, v17;
	v22 =	vor.u32 v22, v21;
	v24 =	vand.u32 $0x3A8, v24  }
0xac: {  	v25 =	vand.u32 $0x3C8, v25;
	v27 =	vor.u32 v27, v21;
	v24 =	vor.u32 v24, v21  }
0xad: {  	v28 =	vor.u32 v25, v21;
	v25 =	vand.u32 $0x3D8, v26;
	v26 =	vor.u32 v14, v17  }
0xae: {  	v29 =	vor.u32 v25, v21;
	v17 =	vor.u32 v16, v17;
	s1 =	simm.s32 $0x0;
	[tilespmem:v19+s20+$0x0] =	vst.idx.msk $0xffff, v18  }
0xaf: {  	v35 =	vand.u32 $0x3F8, v17;
	v17 =	vor.u32 v7, v20;
	v30 =	vadd.s32 s1, v0;
	v19 =	vld.idx.msk [tilespmem:v23+s14+$0x0], $0xffff  }
0xb0: {  	s1 =	simm.s32 $0x3;
	v18 =	vand.u32 $0x3E8, v26;
	v26 =	vand.u32 $0x3F, v30;
	v23 =	vor.u32 v5, v20  }
0xb1: {  	v60 =	vadd.s32 s1, v0;
	v25 =	vor.u32 v18, v21;
	v18 =	vor.u32 v1, v26  }
0xb2: {  	v49 =	vor.u32 v35, v21;
	v62 =	vshll.u32 v60, $0x7;
	v30 =	vshll.u32 v30, $0x7  }
0xb3: {  	v41 =	vor.u32 v16, v62;
	v51 =	vor.u32 v0, v30;
	v53 =	vor.u32 v4, v30  }
0xb4: {  	v52 =	vand.u32 $0x1C00, v30;
	v54 =	vor.u32 v6, v30;
	v55 =	vor.u32 v8, v30;
	[tilespmem:v22+s20+$0x0] =	vst.idx.msk $0xffff, v19  }
0xb5: {  	v61 =	vor.u32 v3, v26;
	v32 =	vor.u32 v2, v52;
	v19 =	vand.u32 $0x388, v51;
	v23 =	vld.idx.msk [tilespmem:v23+s14+$0x0], $0xffff  }
0xb6: {  	v40 =	vor.u32 v10, v30;
	v58 =	vor.u32 v12, v30;
	v18 =	vld.idx.msk [tilespmem:v18+s14+$0x0], $0xffff;
	v19 =	vor.u32 v19, v32  }
0xb7: {  	v38 =	vor.u32 v14, v30;
	v30 =	vor.u32 v16, v30;
	v33 =	vand.u32 $0x398, v53  }
0xb8: {  	v34 =	vand.u32 $0x3A8, v54;
	v59 =	vand.u32 $0x3B8, v55;
	v53 =	vor.u32 v4, v62  }
0xb9: {  	v37 =	vand.u32 $0x3D8, v58;
	v56 =	vor.u32 v33, v32;
	v33 =	vand.u32 $0x3F, v60  }
0xba: {  	v38 =	vand.u32 $0x3E8, v38;
	v57 =	vor.u32 v34, v32;
	[tilespmem:v24+s20+$0x0] =	vst.idx.msk $0xffff, v23;
	v24 =	vor.u32 v1, v33  }
0xbb: {  	s1 =	simm.s32 $0x2;
	v36 =	vor.u32 v59, v32;
	v59 =	vor.u32 v12, v62;
	[tilespmem:v19+s20+$0x0] =	vst.idx.msk $0xffff, v18;
	v17 =	vld.idx.msk [tilespmem:v17+s14+$0x0], $0xffff  }
0xbc: {  	v47 =	vor.u32 v37, v32;
	v60 =	vor.u32 v11, v20;
	v20 =	vadd.s32 s1, v0;
	v54 =	vld.idx.msk [tilespmem:v61+s14+$0x0], $0xffff  }
0xbd: {  	v22 =	vor.u32 v5, v26;
	v51 =	vor.u32 v0, v62;
	v23 =	vand.u32 $0x1C00, v62  }
0xbe: {  	v38 =	vor.u32 v38, v32;
	v34 =	vor.u32 v2, v23;
	v23 =	vand.u32 $0x388, v51  }
0xbf: {  	v52 =	vor.u32 v3, v33;
	v42 =	vshll.u32 v20, $0x7;
	v19 =	vor.u32 v23, v34;
	v24 =	vld.idx.msk [tilespmem:v24+s14+$0x0], $0xffff  }
0xc0: {  	v21 =	vand.u32 $0x3F, v20;
	v20 =	vor.u32 v0, v42;
	v18 =	vand.u32 $0x398, v53;
	[tilespmem:v27+s20+$0x0] =	vst.idx.msk $0xffff, v17  }
0xc1: {  	v61 =	vor.u32 v7, v26;
	v23 =	vor.u32 v6, v62;
	[tilespmem:v56+s20+$0x0] =	vst.idx.msk $0xffff, v54;
	v27 =	vld.idx.msk [tilespmem:v63+s14+$0x0], $0xffff  }
0xc2: {  	v51 =	vor.u32 v5, v21;
	v55 =	vor.u32 v18, v34;
	v18 =	vand.u32 $0x3A8, v23;
	v22 =	vld.idx.msk [tilespmem:v22+s14+$0x0], $0xffff  }
0xc3: {  	v46 =	vor.u32 v18, v34;
	v18 =	vor.u32 v10, v62;
	v17 =	vand.u32 $0x3D8, v59  }
0xc4: {  	v18 =	vand.u32 $0x3C8, v18;
	v37 =	vor.u32 v17, v34;
	v17 =	vor.u32 v14, v62;
	[tilespmem:v19+s20+$0x0] =	vst.idx.msk $0xffff, v24  }
0xc5: {  	v23 =	vor.u32 v8, v62;
	v48 =	vor.u32 v18, v34;
	v17 =	vand.u32 $0x3E8, v17;
	v24 =	vld.idx.msk [tilespmem:v52+s14+$0x0], $0xffff  }
0xc6: {  	v19 =	vor.u32 v17, v34;
	v17 =	vand.u32 $0x3F8, v30;
	v30 =	vor.u32 v5, v33;
	[tilespmem:v28+s20+$0x0] =	vst.idx.msk $0xffff, v27  }
0xc7: {  	v18 =	vor.u32 v15, v33;
	v62 =	vand.u32 $0x1C00, v42;
	[tilespmem:v57+s20+$0x0] =	vst.idx.msk $0xffff, v22;
	v22 =	vor.u32 v1, v21  }
0xc8: {  	v56 =	vand.u32 $0x388, v20;
	v59 =	vor.u32 v8, v42;
	v20 =	vor.u32 v2, v62;
	v28 =	vld.idx.msk [tilespmem:v60+s14+$0x0], $0xffff  }
0xc9: {  	v54 =	vor.u32 v11, v26;
	v63 =	vor.u32 v9, v26;
	v35 =	vor.u32 v56, v20;
	v39 =	vld.idx.msk [tilespmem:v61+s14+$0x0], $0xffff  }
0xca: {  	v23 =	vand.u32 $0x3B8, v23;
	v17 =	vor.u32 v17, v32;
	v57 =	vor.u32 v4, v42;
	[tilespmem:v55+s20+$0x0] =	vst.idx.msk $0xffff, v24  }
0xcb: {  	v27 =	vor.u32 v7, v33;
	v58 =	vand.u32 $0x398, v57;
	v24 =	vor.u32 v6, v42;
	v30 =	vld.idx.msk [tilespmem:v30+s14+$0x0], $0xffff  }
0xcc: {  	v60 =	vor.u32 v3, v21;
	v57 =	vor.u32 v12, v42;
	v24 =	vand.u32 $0x3A8, v24;
	v45 =	vld.idx.msk [tilespmem:v22+s14+$0x0], $0xffff  }
0xcd: {  	v22 =	vand.u32 $0x3C8, v40;
	[tilespmem:v29+s20+$0x0] =	vst.idx.msk $0xffff, v28;
	v28 =	vor.u32 v58, v20;
	v50 =	vor.u32 v24, v20  }
0xce: {  	s1 =	simm.s32 $0x5;
	v29 =	vand.u32 $0x3B8, v59;
	v24 =	vor.u32 v10, v42;
	[tilespmem:v36+s20+$0x0] =	vst.idx.msk $0xffff, v39;
	v36 =	vor.u32 v9, v33  }
0xcf: {  	v52 =	vor.u32 v29, v20;
	v29 =	vor.u32 v23, v34;
	v23 =	vadd.s32 s1, v0  }
0xd0: {  	v61 =	vor.u32 v22, v32;
	v39 =	vld.idx.msk [tilespmem:v63+s14+$0x0], $0xffff;
	v53 =	vshll.u32 v23, $0x7;
	v23 =	vand.u32 $0x3F, v23  }
0xd1: {  	v43 =	vld.idx.msk [tilespmem:v43+s14+$0x0], $0xffff;
	v22 =	vor.u32 v0, v53;
	v63 =	vor.u32 v4, v53;
	v56 =	vor.u32 v3, v23  }
0xd2: {  	v62 =	vand.u32 $0x1C00, v53;
	v59 =	vor.u32 v6, v53;
	v44 =	vor.u32 v8, v53;
	[tilespmem:v46+s20+$0x0] =	vst.idx.msk $0xffff, v30  }
0xd3: {  	v30 =	vor.u32 v1, v23;
	v55 =	vand.u32 $0x388, v22;
	v22 =	vor.u32 v2, v62;
	[tilespmem:v35+s20+$0x0] =	vst.idx.msk $0xffff, v45  }
0xd4: {  	v62 =	vor.u32 v10, v53;
	v46 =	vand.u32 $0x3D8, v57;
	v57 =	vor.u32 v13, v33;
	v27 =	vld.idx.msk [tilespmem:v27+s14+$0x0], $0xffff  }
0xd5: {  	v58 =	vand.u32 $0x398, v63;
	v55 =	vor.u32 v55, v22;
	v40 =	vld.idx.msk [tilespmem:v60+s14+$0x0], $0xffff;
	v60 =	vand.u32 $0x3A8, v59;
	[tilespmem:v61+s20+$0x0] =	vst.idx.msk $0xffff, v39  }
0xd6: {  	v59 =	vor.u32 v14, v53;
	v39 =	vor.u32 v58, v22;
	v35 =	vor.u32 v60, v22;
	v61 =	vld.idx.msk [tilespmem:v54+s14+$0x0], $0xffff  }
0xd7: {  	[tilespmem:v25+s20+$0x0] =	vst.idx.msk $0xffff, v43;
	v58 =	vor.u32 v13, v26;
	v25 =	vor.u32 v12, v53  }
0xd8: {  	v60 =	vor.u32 v16, v53;
	v25 =	vand.u32 $0x3D8, v25;
	v54 =	vor.u32 v7, v21  }
0xd9: {  	v41 =	vand.u32 $0x3F8, v41;
	v25 =	vor.u32 v25, v22;
	v63 =	vld.idx.msk [tilespmem:v30+s14+$0x0], $0xffff;
	v30 =	vand.u32 $0x3C8, v62;
	[tilespmem:v29+s20+$0x0] =	vst.idx.msk $0xffff, v27  }
0xda: {  	v62 =	vor.u32 v5, v23;
	v27 =	vor.u32 v30, v22;
	[tilespmem:v28+s20+$0x0] =	vst.idx.msk $0xffff, v40;
	v40 =	vld.idx.msk [tilespmem:v36+s14+$0x0], $0xffff  }
0xdb: {  	v29 =	vor.u32 v46, v20;
	v46 =	vor.u32 v11, v33;
	[tilespmem:v47+s20+$0x0] =	vst.idx.msk $0xffff, v61;
	v47 =	vld.idx.msk [tilespmem:v51+s14+$0x0], $0xffff  }
0xdc: {  	v30 =	vor.u32 v14, v42;
	v36 =	vand.u32 $0x3E8, v59;
	v51 =	vld.idx.msk [tilespmem:v31+s14+$0x0], $0xffff;
	v31 =	vor.u32 v16, v42  }
0xdd: {  	v28 =	vor.u32 v15, v23;
	v32 =	vor.u32 v36, v22;
	v31 =	vand.u32 $0x3F8, v31  }
0xde: {  	s1 =	simm.s32 $0x4;
	v42 =	vor.u32 v7, v23;
	v43 =	vld.idx.msk [tilespmem:v58+s14+$0x0], $0xffff;
	[tilespmem:v55+s20+$0x0] =	vst.idx.msk $0xffff, v63;
	v36 =	vor.u32 v31, v20  }
0xdf: {  	v45 =	vand.u32 $0x3B8, v44;
	v63 =	vor.u32 v15, v26;
	v61 =	vld.idx.msk [tilespmem:v56+s14+$0x0], $0xffff;
	[tilespmem:v48+s20+$0x0] =	vst.idx.msk $0xffff, v40;
	v48 =	vadd.s32 s1, v0  }
0xe0: {  	v26 =	vand.u32 $0x3F8, v60;
	v31 =	vor.u32 v41, v34;
	v58 =	vld.idx.msk [tilespmem:v46+s14+$0x0], $0xffff;
	[tilespmem:v50+s20+$0x0] =	vst.idx.msk $0xffff, v47;
	v33 =	vand.u32 $0x3F, v48  }
0xe1: {  	[tilespmem:v49+s20+$0x0] =	vst.idx.msk $0xffff, v51;
	v34 =	vshll.u32 v48, $0x7;
	v46 =	vor.u32 v9, v21;
	v49 =	vor.u32 v1, v33  }
0xe2: {  	v51 =	vld.idx.msk [tilespmem:v54+s14+$0x0], $0xffff;
	v54 =	vor.u32 v0, v34;
	v59 =	vand.u32 $0x1C00, v34;
	v60 =	vor.u32 v4, v34  }
0xe3: {  	[tilespmem:v38+s20+$0x0] =	vst.idx.msk $0xffff, v43;
	v50 =	vor.u32 v10, v34;
	v38 =	vand.u32 $0x388, v54;
	v41 =	vor.u32 v2, v59  }
0xe4: {  	v40 =	vld.idx.msk [tilespmem:v63+s14+$0x0], $0xffff;
	[tilespmem:v39+s20+$0x0] =	vst.idx.msk $0xffff, v61;
	v47 =	vor.u32 v38, v41;
	v61 =	vor.u32 v6, v34  }
0xe5: {  	v38 =	vand.u32 $0x398, v60;
	v48 =	vld.idx.msk [tilespmem:v62+s14+$0x0], $0xffff;
	v43 =	vand.u32 $0x3A8, v61;
	v62 =	vor.u32 v8, v34;
	[tilespmem:v37+s20+$0x0] =	vst.idx.msk $0xffff, v58  }
0xe6: {  	v44 =	vor.u32 v38, v41;
	v38 =	vor.u32 v43, v41;
	v63 =	vand.u32 $0x3B8, v62;
	v43 =	vld.idx.msk [tilespmem:v57+s14+$0x0], $0xffff  }
0xe7: {  	s31 =	simm.s32 $0x6;
	v39 =	vor.u32 v5, v33;
	v49 =	vld.idx.msk [tilespmem:v49+s14+$0x0], $0xffff;
	v37 =	vor.u32 v63, v41;
	[tilespmem:v52+s20+$0x0] =	vst.idx.msk $0xffff, v51  }
.LBB2_5:
0xe8: {  	s1 =	sadd.s32 $0x1, s31;
	v45 =	vor.u32 v45, v22  }
0xe9: {  	p1 =	slt.u32 s31, $0x3E;
	v51 =	vor.u32 v9, v23;
	v46 =	vld.idx.msk [tilespmem:v46+s14+$0x0], $0xffff;
	v52 =	vand.u32 $0x3C8, v24;
	v53 =	vmovc v20;
	v20 =	vmovc v41;
	v24 =	vmov v50;
	s0 =	smov.u32 s31;
	s31 =	sadd.s32 $0x2, s31  }
0xea: {  	v50 =	vor.u32 v3, v33;
	v41 =	vadd.s32 s1, v0;
	[tilespmem:v35+s20+$0x0] =	vst.idx.msk $0xffff, v48;
	v35 =	vor.u32 v52, v53  }
0xeb: {  	v52 =	vor.u32 v11, v21;
	v48 =	vshll.u32 v41, $0x7;
	v41 =	vand.u32 $0x3F, v41;
	v42 =	vld.idx.msk [tilespmem:v42+s14+$0x0], $0xffff;
	[tilespmem:v17+s20+$0x0] =	vst.idx.msk $0xffff, v40  }
0xec: {  	v17 =	vmovc v36;
	v40 =	vor.u32 v1, v41;
	v54 =	vor.u32 v0, v48;
	v55 =	vand.u32 $0x1C00, v48  }
0xed: {  	v36 =	vand.u32 $0x388, v54;
	v54 =	vor.u32 v2, v55;
	v55 =	vor.u32 v3, v41;
	[tilespmem:v19+s20+$0x0] =	vst.idx.msk $0xffff, v43  }
0xee: {  	v57 =	vor.u32 v4, v48;
	v36 =	vor.u32 v36, v54;
	[tilespmem:v47+s20+$0x0] =	vst.idx.msk $0xffff, v49;
	v43 =	vld.idx.msk [tilespmem:v18+s14+$0x0], $0xffff  }
0xef: {  	v56 =	vand.u32 $0x398, v57;
	v47 =	vor.u32 v6, v48;
	v18 =	vmov v28;
	v49 =	vld.idx.msk [tilespmem:v50+s14+$0x0], $0xffff;
	[tilespmem:v35+s20+$0x0] =	vst.idx.msk $0xffff, v46  }
0xf0: {  	v19 =	vmovc v32;
	v50 =	vor.u32 v56, v54;
	v28 =	vand.u32 $0x3A8, v47;
	v46 =	vor.u32 v8, v48;
	v47 =	vld.idx.msk [tilespmem:v52+s14+$0x0], $0xffff  }
0xf1: {  	v35 =	vor.u32 v28, v54;
	v28 =	vor.u32 v10, v48;
	v32 =	vld.idx.msk [tilespmem:v40+s14+$0x0], $0xffff;
	[tilespmem:v45+s20+$0x0] =	vst.idx.msk $0xffff, v42  }
0xf2: {  	v28 =	vand.u32 $0x3C8, v28;
	v40 =	vor.u32 v12, v34;
	v45 =	vor.u32 v13, v21;
	v42 =	vld.idx.msk [tilespmem:v51+s14+$0x0], $0xffff  }
0xf3: {  	v51 =	vor.u32 v28, v54;
	v28 =	vor.u32 v12, v48;
	v40 =	vand.u32 $0x3D8, v40  }
0xf4: {  	v52 =	vor.u32 v11, v23;
	v28 =	vand.u32 $0x3D8, v28;
	v40 =	vor.u32 v40, v20;
	[tilespmem:v31+s20+$0x0] =	vst.idx.msk $0xffff, v43  }
0xf5: {  	v43 =	vor.u32 v28, v54;
	[tilespmem:v44+s20+$0x0] =	vst.idx.msk $0xffff, v49;
	v44 =	vor.u32 v14, v34  }
0xf6: {  	v31 =	vor.u32 v14, v48;
	v28 =	vor.u32 v15, v41;
	v39 =	vld.idx.msk [tilespmem:v39+s14+$0x0], $0xffff;
	[tilespmem:v29+s20+$0x0] =	vst.idx.msk $0xffff, v47  }
0xf7: {  	v30 =	vand.u32 $0x3E8, v30;
	v29 =	vand.u32 $0x3E8, v31;
	v31 =	vor.u32 v16, v34;
	[tilespmem:v36+s20+$0x0] =	vst.idx.msk $0xffff, v32;
	v47 =	vld.idx.msk [tilespmem:v45+s14+$0x0], $0xffff  }
0xf8: {  	v53 =	vor.u32 v30, v53;
	v49 =	vld.idx.msk [tilespmem:v55+s14+$0x0], $0xffff;
	v55 =	vor.u32 v7, v33;
	[tilespmem:v27+s20+$0x0] =	vst.idx.msk $0xffff, v42  }
0xf9: {  	v30 =	vor.u32 v16, v48;
	v32 =	vor.u32 v29, v54;
	v31 =	vand.u32 $0x3F8, v31;
	v27 =	vmovc v51;
	v52 =	vld.idx.msk [tilespmem:v52+s14+$0x0], $0xffff  }
0xfa: {  	v48 =	vor.u32 v5, v41;
	v36 =	vor.u32 v31, v20;
	v51 =	vor.u32 v15, v21;
	v29 =	vmovc v40  }
0xfb: {  	v56 =	vor.u32 v13, v23;
	v23 =	vmovc v41;
	v31 =	vor.u32 v26, v22;
	v26 =	vand.u32 $0x3F8, v30;
	v22 =	vmovc v54  }
0xfc: {  	v45 =	vand.u32 $0x3B8, v46;
	v21 =	vadd.s32 s0, v0;
	v42 =	vor.u32 v7, v23;
	v30 =	vmovc v44;
	[tilespmem:v38+s20+$0x0] =	vst.idx.msk $0xffff, v39  }
0xfd: {  	v46 =	vor.u32 v9, v33;
	v34 =	vshll.u32 v21, $0x7;
	v54 =	vand.u32 $0x3F, v21;
	v55 =	vld.idx.msk [tilespmem:v55+s14+$0x0], $0xffff;
	[tilespmem:v53+s20+$0x0] =	vst.idx.msk $0xffff, v47  }
0xfe: {  	v44 =	vor.u32 v0, v34;
	v38 =	vand.u32 $0x1C00, v34;
	v53 =	vor.u32 v1, v54;
	[tilespmem:v50+s20+$0x0] =	vst.idx.msk $0xffff, v49  }
.Ltmp1:
0xff: {  	v40 =	vand.u32 $0x388, v44;
	v21 =	vmovc v33;
	v39 =	vor.u32 v5, v54;
	v41 =	vor.u32 v2, v38;
	v48 =	vld.idx.msk [tilespmem:v48+s14+$0x0], $0xffff;
	(pc) =	sbr.rel @p1 .LBB2_5-.Ltmp1, $4  }
0x100: {  	v57 =	vor.u32 v4, v34;
	v38 =	vor.u32 v6, v34;
	v47 =	vor.u32 v40, v41;
	v40 =	vld.idx.msk [tilespmem:v51+s14+$0x0], $0xffff  }
0x101: {  	v50 =	vand.u32 $0x398, v57;
	v38 =	vand.u32 $0x3A8, v38;
	v49 =	vor.u32 v8, v34;
	[tilespmem:v25+s20+$0x0] =	vst.idx.msk $0xffff, v52;
	v25 =	vmovc v43  }
0x102: {  	v33 =	vmovc v54;
	v44 =	vor.u32 v50, v41;
	v38 =	vor.u32 v38, v41;
	v51 =	vand.u32 $0x3B8, v49;
	v43 =	vld.idx.msk [tilespmem:v56+s14+$0x0], $0xffff  }
0x103: {  	v50 =	vor.u32 v10, v34;
	v49 =	vld.idx.msk [tilespmem:v53+s14+$0x0], $0xffff;
	[tilespmem:v37+s20+$0x0] =	vst.idx.msk $0xffff, v55;
	v37 =	vor.u32 v51, v41  }
0x104: {  	v51 =	vor.u32 v3, v33;
	_ =	sdelay $0x3  }
0x105: {  	[tilespmem:v47+s20+$0x0] =	vst.idx.msk $0xffff, v49  }
0x106: {  	v47 =	vld.idx.msk [tilespmem:v51+s14+$0x0], $0xffff;
	_ =	sdelay $0x4  }
0x107: {  	[tilespmem:v44+s20+$0x0] =	vst.idx.msk $0xffff, v47  }
0x108: {  	v39 =	vld.idx.msk [tilespmem:v39+s14+$0x0], $0xffff  }
0x109: {  	v55 =	vor.u32 v7, v33;
	_ =	sdelay $0x2  }
0x10a: {  	[tilespmem:v35+s20+$0x0] =	vst.idx.msk $0xffff, v48  }
0x10b: {  	v56 =	vor.u32 v45, v22;
	v42 =	vld.idx.msk [tilespmem:v42+s14+$0x0], $0xffff;
	[tilespmem:v38+s20+$0x0] =	vst.idx.msk $0xffff, v39  }
0x10c: {  	v57 =	vor.u32 v9, v23;
	v39 =	vld.idx.msk [tilespmem:v55+s14+$0x0], $0xffff  }
0x10d: {  	v58 =	vor.u32 v9, v33;
	_ =	sdelay $0x1  }
0x10e: {  	v24 =	vand.u32 $0x3C8, v24  }
0x10f: {  	v59 =	vld.idx.msk [tilespmem:v46+s14+$0x0], $0xffff;
	v24 =	vor.u32 v24, v20;
	[tilespmem:v56+s20+$0x0] =	vst.idx.msk $0xffff, v42  }
0x110: {  	v60 =	vor.u32 v11, v21;
	v61 =	vand.u32 $0x3C8, v50;
	v38 =	vld.idx.msk [tilespmem:v57+s14+$0x0], $0xffff;
	[tilespmem:v37+s20+$0x0] =	vst.idx.msk $0xffff, v39  }
0x111: {  	v62 =	vor.u32 v11, v23;
	v37 =	vor.u32 v61, v41;
	v63 =	vld.idx.msk [tilespmem:v58+s14+$0x0], $0xffff  }
0x112: {  	v48 =	vor.u32 v11, v33;
	_ =	sdelay $0x1  }
0x113: {  	[tilespmem:v24+s20+$0x0] =	vst.idx.msk $0xffff, v59  }
0x114: {  	v49 =	vor.u32 v12, v34;
	v24 =	vld.idx.msk [tilespmem:v60+s14+$0x0], $0xffff;
	[tilespmem:v27+s20+$0x0] =	vst.idx.msk $0xffff, v38  }
0x115: {  	v35 =	vand.u32 $0x3D8, v49;
	v27 =	vor.u32 v13, v21;
	v38 =	vld.idx.msk [tilespmem:v62+s14+$0x0], $0xffff;
	[tilespmem:v37+s20+$0x0] =	vst.idx.msk $0xffff, v63  }
0x116: {  	v23 =	vor.u32 v13, v23;
	v35 =	vor.u32 v35, v41;
	v37 =	vld.idx.msk [tilespmem:v48+s14+$0x0], $0xffff  }
0x117: {  	v50 =	vor.u32 v13, v33;
	_ =	sdelay $0x1  }
0x118: {  	[tilespmem:v29+s20+$0x0] =	vst.idx.msk $0xffff, v24;
	v24 =	vand.u32 $0x3E8, v30  }
0x119: {  	v29 =	vor.u32 v14, v34;
	v20 =	vor.u32 v24, v20;
	v27 =	vld.idx.msk [tilespmem:v27+s14+$0x0], $0xffff;
	[tilespmem:v25+s20+$0x0] =	vst.idx.msk $0xffff, v38  }
0x11a: {  	v24 =	vand.u32 $0x3E8, v29;
	v21 =	vor.u32 v15, v21;
	v23 =	vld.idx.msk [tilespmem:v23+s14+$0x0], $0xffff;
	[tilespmem:v35+s20+$0x0] =	vst.idx.msk $0xffff, v37  }
0x11b: {  	v24 =	vor.u32 v24, v41;
	v25 =	vld.idx.msk [tilespmem:v50+s14+$0x0], $0xffff  }
0x11c: {  	v29 =	vor.u32 v15, v33  }
0x11d: {  	[tilespmem:v19+s20+$0x0] =	vst.idx.msk $0xffff, v43  }
0x11e: {  	v18 =	vld.idx.msk [tilespmem:v18+s14+$0x0], $0xffff;
	[tilespmem:v20+s20+$0x0] =	vst.idx.msk $0xffff, v27  }
0x11f: {  	v19 =	vor.u32 v16, v34;
	v20 =	vld.idx.msk [tilespmem:v21+s14+$0x0], $0xffff;
	[tilespmem:v32+s20+$0x0] =	vst.idx.msk $0xffff, v23  }
0x120: {  	v19 =	vand.u32 $0x3F8, v19;
	v21 =	vor.u32 v26, v22;
	v22 =	vld.idx.msk [tilespmem:v28+s14+$0x0], $0xffff;
	[tilespmem:v24+s20+$0x0] =	vst.idx.msk $0xffff, v25  }
0x121: {  	v19 =	vor.u32 v19, v41;
	v23 =	vld.idx.msk [tilespmem:v29+s14+$0x0], $0xffff  }
0x122: {  	[tilespmem:v17+s20+$0x0] =	vst.idx.msk $0xffff, v40  }
0x123: {  	[tilespmem:v31+s20+$0x0] =	vst.idx.msk $0xffff, v18  }
0x124: {  	s0 =	sadd.s32 s7, s30;
	[tilespmem:v36+s20+$0x0] =	vst.idx.msk $0xffff, v20  }
0x125: {  	s0 =	sshrl.u32 s0, $0x3;
	[tilespmem:v21+s20+$0x0] =	vst.idx.msk $0xffff, v22  }
0x126: {  	s0 =	sadd.s32 s2, s0;
	[tilespmem:v19+s20+$0x0] =	vst.idx.msk $0xffff, v23  }
0x127: {  	[hbm4b:s0+s9] =	stream.strided.scatter [tilespmem:s20], [sflag:$0x7], $0x2000, s10, s9, $0x38;
	[tilespmem:$0x1A400] =	vst v63  }
0x128: {  	s1 =	simm.s32 $0x1;
	s0 =	simm.s32 @!p0 $0xA  }
0x129: {  	s8 =	sadd.s32 $0x4, s8;
	v17 =	vadd.s32 s1, v0;
	_ =	swait.ge @!p0 [sflag:s0], $0x2000  }
0x12a: {  	s31 =	sshll.u32 s8, $0x7;
	v20 =	vand.u32 $0x3F, v17;
	[sflag:s0] =	ssyncset.done @!p0 $0x0  }
0x12b: {  	s1 =	sand.u32 $0x1FF80, s31;
	s31 =	simm.s32 $0x0;
	v18 =	vor.u32 v1, v20;
	[sflag:s0] =	ssyncadd.s32 @!p0 $0xFFFFE000  }
0x12c: {  	v17 =	vshll.u32 v17, $0x7;
	[tilespmem:s21], [sflag:$0x5] =	stream.indirect.gather [hbm4b:s5+s12], $0x40, s1, s12, $0xb8;
	[tilespmem:$0x1A400] =	vst v63  }
0x12d: {  	v30 =	vadd.s32 s31, v0;
	v27 =	vor.u32 v8, v17;
	_ =	swait.ge [sflag:s22], $0x2000  }
0x12e: {  	v26 =	vor.u32 v12, v17;
	v21 =	vand.u32 $0x1C00, v17;
	v19 =	vor.u32 v0, v17;
	[sflag:s22] =	ssyncset.done $0x0  }
0x12f: {  	v31 =	vor.u32 v15, v20;
	v21 =	vor.u32 v2, v21;
	v19 =	vand.u32 $0x388, v19;
	[sflag:s22] =	ssyncadd.s32 $0xFFFFE000  }
0x130: {  	v63 =	vor.u32 v9, v20;
	v43 =	vor.u32 v13, v20;
	v19 =	vor.u32 v19, v21;
	v18 =	vld.idx.msk [tilespmem:v18+s15+$0x0], $0xffff  }
0x131: {  	v22 =	vor.u32 v4, v17;
	v27 =	vand.u32 $0x3B8, v27;
	v23 =	vor.u32 v3, v20  }
0x132: {  	v22 =	vand.u32 $0x398, v22;
	v24 =	vor.u32 v6, v17;
	v25 =	vor.u32 v10, v17  }
0x133: {  	v22 =	vor.u32 v22, v21;
	v24 =	vand.u32 $0x3A8, v24;
	v25 =	vand.u32 $0x3C8, v25  }
0x134: {  	v27 =	vor.u32 v27, v21;
	v24 =	vor.u32 v24, v21;
	v28 =	vor.u32 v25, v21  }
0x135: {  	v25 =	vand.u32 $0x3D8, v26;
	v26 =	vor.u32 v14, v17;
	v17 =	vor.u32 v16, v17;
	[tilespmem:v19+s23+$0x0] =	vst.idx.msk $0xffff, v18  }
0x136: {  	v29 =	vor.u32 v25, v21;
	v35 =	vand.u32 $0x3F8, v17;
	v17 =	vor.u32 v7, v20;
	v19 =	vld.idx.msk [tilespmem:v23+s15+$0x0], $0xffff  }
0x137: {  	s1 =	simm.s32 $0x3;
	v18 =	vand.u32 $0x3E8, v26;
	v26 =	vand.u32 $0x3F, v30;
	v23 =	vor.u32 v5, v20  }
0x138: {  	v60 =	vadd.s32 s1, v0;
	v25 =	vor.u32 v18, v21;
	v18 =	vor.u32 v1, v26  }
0x139: {  	v49 =	vor.u32 v35, v21;
	v62 =	vshll.u32 v60, $0x7;
	v30 =	vshll.u32 v30, $0x7  }
0x13a: {  	v41 =	vor.u32 v16, v62;
	v51 =	vor.u32 v0, v30;
	v53 =	vor.u32 v4, v30  }
0x13b: {  	v52 =	vand.u32 $0x1C00, v30;
	v54 =	vor.u32 v6, v30;
	v55 =	vor.u32 v8, v30;
	[tilespmem:v22+s23+$0x0] =	vst.idx.msk $0xffff, v19  }
0x13c: {  	v61 =	vor.u32 v3, v26;
	v32 =	vor.u32 v2, v52;
	v19 =	vand.u32 $0x388, v51;
	v23 =	vld.idx.msk [tilespmem:v23+s15+$0x0], $0xffff  }
0x13d: {  	v40 =	vor.u32 v10, v30;
	v58 =	vor.u32 v12, v30;
	v18 =	vld.idx.msk [tilespmem:v18+s15+$0x0], $0xffff;
	v19 =	vor.u32 v19, v32  }
0x13e: {  	v38 =	vor.u32 v14, v30;
	v30 =	vor.u32 v16, v30;
	v33 =	vand.u32 $0x398, v53  }
0x13f: {  	v34 =	vand.u32 $0x3A8, v54;
	v59 =	vand.u32 $0x3B8, v55;
	v53 =	vor.u32 v4, v62  }
0x140: {  	v37 =	vand.u32 $0x3D8, v58;
	v56 =	vor.u32 v33, v32;
	v33 =	vand.u32 $0x3F, v60  }
0x141: {  	v38 =	vand.u32 $0x3E8, v38;
	v57 =	vor.u32 v34, v32;
	[tilespmem:v24+s23+$0x0] =	vst.idx.msk $0xffff, v23;
	v24 =	vor.u32 v1, v33  }
0x142: {  	s31 =	simm.s32 $0x2;
	v36 =	vor.u32 v59, v32;
	v59 =	vor.u32 v12, v62;
	[tilespmem:v19+s23+$0x0] =	vst.idx.msk $0xffff, v18;
	v17 =	vld.idx.msk [tilespmem:v17+s15+$0x0], $0xffff  }
0x143: {  	v47 =	vor.u32 v37, v32;
	v60 =	vor.u32 v11, v20;
	v20 =	vadd.s32 s31, v0;
	v54 =	vld.idx.msk [tilespmem:v61+s15+$0x0], $0xffff  }
0x144: {  	v22 =	vor.u32 v5, v26;
	v51 =	vor.u32 v0, v62;
	v23 =	vand.u32 $0x1C00, v62  }
0x145: {  	v38 =	vor.u32 v38, v32;
	v34 =	vor.u32 v2, v23;
	v23 =	vand.u32 $0x388, v51  }
0x146: {  	v52 =	vor.u32 v3, v33;
	v42 =	vshll.u32 v20, $0x7;
	v19 =	vor.u32 v23, v34;
	v24 =	vld.idx.msk [tilespmem:v24+s15+$0x0], $0xffff  }
0x147: {  	v21 =	vand.u32 $0x3F, v20;
	v20 =	vor.u32 v0, v42;
	v18 =	vand.u32 $0x398, v53;
	[tilespmem:v27+s23+$0x0] =	vst.idx.msk $0xffff, v17  }
0x148: {  	v61 =	vor.u32 v7, v26;
	v23 =	vor.u32 v6, v62;
	[tilespmem:v56+s23+$0x0] =	vst.idx.msk $0xffff, v54;
	v27 =	vld.idx.msk [tilespmem:v63+s15+$0x0], $0xffff  }
0x149: {  	v51 =	vor.u32 v5, v21;
	v55 =	vor.u32 v18, v34;
	v18 =	vand.u32 $0x3A8, v23;
	v22 =	vld.idx.msk [tilespmem:v22+s15+$0x0], $0xffff  }
0x14a: {  	v46 =	vor.u32 v18, v34;
	v18 =	vor.u32 v10, v62;
	v17 =	vand.u32 $0x3D8, v59  }
0x14b: {  	v18 =	vand.u32 $0x3C8, v18;
	v37 =	vor.u32 v17, v34;
	v17 =	vor.u32 v14, v62;
	[tilespmem:v19+s23+$0x0] =	vst.idx.msk $0xffff, v24  }
0x14c: {  	v23 =	vor.u32 v8, v62;
	v48 =	vor.u32 v18, v34;
	v17 =	vand.u32 $0x3E8, v17;
	v24 =	vld.idx.msk [tilespmem:v52+s15+$0x0], $0xffff  }
0x14d: {  	v19 =	vor.u32 v17, v34;
	v17 =	vand.u32 $0x3F8, v30;
	v30 =	vor.u32 v5, v33;
	[tilespmem:v28+s23+$0x0] =	vst.idx.msk $0xffff, v27  }
0x14e: {  	v18 =	vor.u32 v15, v33;
	v62 =	vand.u32 $0x1C00, v42;
	[tilespmem:v57+s23+$0x0] =	vst.idx.msk $0xffff, v22;
	v22 =	vor.u32 v1, v21  }
0x14f: {  	v56 =	vand.u32 $0x388, v20;
	v59 =	vor.u32 v8, v42;
	v20 =	vor.u32 v2, v62;
	v28 =	vld.idx.msk [tilespmem:v60+s15+$0x0], $0xffff  }
0x150: {  	v54 =	vor.u32 v11, v26;
	v63 =	vor.u32 v9, v26;
	v35 =	vor.u32 v56, v20;
	v39 =	vld.idx.msk [tilespmem:v61+s15+$0x0], $0xffff  }
0x151: {  	v23 =	vand.u32 $0x3B8, v23;
	v17 =	vor.u32 v17, v32;
	v57 =	vor.u32 v4, v42;
	[tilespmem:v55+s23+$0x0] =	vst.idx.msk $0xffff, v24  }
0x152: {  	v27 =	vor.u32 v7, v33;
	v58 =	vand.u32 $0x398, v57;
	v24 =	vor.u32 v6, v42;
	v30 =	vld.idx.msk [tilespmem:v30+s15+$0x0], $0xffff  }
0x153: {  	v60 =	vor.u32 v3, v21;
	v57 =	vor.u32 v12, v42;
	v24 =	vand.u32 $0x3A8, v24;
	v45 =	vld.idx.msk [tilespmem:v22+s15+$0x0], $0xffff  }
0x154: {  	v22 =	vand.u32 $0x3C8, v40;
	[tilespmem:v29+s23+$0x0] =	vst.idx.msk $0xffff, v28;
	v28 =	vor.u32 v58, v20;
	v50 =	vor.u32 v24, v20  }
0x155: {  	s1 =	simm.s32 $0x5;
	v29 =	vand.u32 $0x3B8, v59;
	v24 =	vor.u32 v10, v42;
	[tilespmem:v36+s23+$0x0] =	vst.idx.msk $0xffff, v39;
	v36 =	vor.u32 v9, v33  }
0x156: {  	v52 =	vor.u32 v29, v20;
	v29 =	vor.u32 v23, v34;
	v23 =	vadd.s32 s1, v0  }
0x157: {  	v61 =	vor.u32 v22, v32;
	v39 =	vld.idx.msk [tilespmem:v63+s15+$0x0], $0xffff;
	v53 =	vshll.u32 v23, $0x7;
	v23 =	vand.u32 $0x3F, v23  }
0x158: {  	v43 =	vld.idx.msk [tilespmem:v43+s15+$0x0], $0xffff;
	v22 =	vor.u32 v0, v53;
	v63 =	vor.u32 v4, v53;
	v56 =	vor.u32 v3, v23  }
0x159: {  	v62 =	vand.u32 $0x1C00, v53;
	v59 =	vor.u32 v6, v53;
	v44 =	vor.u32 v8, v53;
	[tilespmem:v46+s23+$0x0] =	vst.idx.msk $0xffff, v30  }
0x15a: {  	v30 =	vor.u32 v1, v23;
	v55 =	vand.u32 $0x388, v22;
	v22 =	vor.u32 v2, v62;
	[tilespmem:v35+s23+$0x0] =	vst.idx.msk $0xffff, v45  }
0x15b: {  	v62 =	vor.u32 v10, v53;
	v46 =	vand.u32 $0x3D8, v57;
	v57 =	vor.u32 v13, v33;
	v27 =	vld.idx.msk [tilespmem:v27+s15+$0x0], $0xffff  }
0x15c: {  	v58 =	vand.u32 $0x398, v63;
	v55 =	vor.u32 v55, v22;
	v40 =	vld.idx.msk [tilespmem:v60+s15+$0x0], $0xffff;
	v60 =	vand.u32 $0x3A8, v59;
	[tilespmem:v61+s23+$0x0] =	vst.idx.msk $0xffff, v39  }
0x15d: {  	v59 =	vor.u32 v14, v53;
	v39 =	vor.u32 v58, v22;
	v35 =	vor.u32 v60, v22;
	v61 =	vld.idx.msk [tilespmem:v54+s15+$0x0], $0xffff  }
0x15e: {  	[tilespmem:v25+s23+$0x0] =	vst.idx.msk $0xffff, v43;
	v58 =	vor.u32 v13, v26;
	v25 =	vor.u32 v12, v53  }
0x15f: {  	v60 =	vor.u32 v16, v53;
	v25 =	vand.u32 $0x3D8, v25;
	v54 =	vor.u32 v7, v21  }
0x160: {  	v41 =	vand.u32 $0x3F8, v41;
	v25 =	vor.u32 v25, v22;
	v63 =	vld.idx.msk [tilespmem:v30+s15+$0x0], $0xffff;
	v30 =	vand.u32 $0x3C8, v62;
	[tilespmem:v29+s23+$0x0] =	vst.idx.msk $0xffff, v27  }
0x161: {  	v62 =	vor.u32 v5, v23;
	v27 =	vor.u32 v30, v22;
	[tilespmem:v28+s23+$0x0] =	vst.idx.msk $0xffff, v40;
	v40 =	vld.idx.msk [tilespmem:v36+s15+$0x0], $0xffff  }
0x162: {  	v29 =	vor.u32 v46, v20;
	v46 =	vor.u32 v11, v33;
	[tilespmem:v47+s23+$0x0] =	vst.idx.msk $0xffff, v61;
	v47 =	vld.idx.msk [tilespmem:v51+s15+$0x0], $0xffff  }
0x163: {  	v30 =	vor.u32 v14, v42;
	v36 =	vand.u32 $0x3E8, v59;
	v51 =	vld.idx.msk [tilespmem:v31+s15+$0x0], $0xffff;
	v31 =	vor.u32 v16, v42  }
0x164: {  	v28 =	vor.u32 v15, v23;
	v32 =	vor.u32 v36, v22;
	v31 =	vand.u32 $0x3F8, v31  }
0x165: {  	s31 =	simm.s32 $0x4;
	v42 =	vor.u32 v7, v23;
	v43 =	vld.idx.msk [tilespmem:v58+s15+$0x0], $0xffff;
	[tilespmem:v55+s23+$0x0] =	vst.idx.msk $0xffff, v63;
	v36 =	vor.u32 v31, v20  }
0x166: {  	v45 =	vand.u32 $0x3B8, v44;
	v63 =	vor.u32 v15, v26;
	v61 =	vld.idx.msk [tilespmem:v56+s15+$0x0], $0xffff;
	[tilespmem:v48+s23+$0x0] =	vst.idx.msk $0xffff, v40;
	v48 =	vadd.s32 s31, v0  }
0x167: {  	v26 =	vand.u32 $0x3F8, v60;
	v31 =	vor.u32 v41, v34;
	v58 =	vld.idx.msk [tilespmem:v46+s15+$0x0], $0xffff;
	[tilespmem:v50+s23+$0x0] =	vst.idx.msk $0xffff, v47;
	v33 =	vand.u32 $0x3F, v48  }
0x168: {  	[tilespmem:v49+s23+$0x0] =	vst.idx.msk $0xffff, v51;
	v34 =	vshll.u32 v48, $0x7;
	v46 =	vor.u32 v9, v21;
	v49 =	vor.u32 v1, v33  }
0x169: {  	v51 =	vld.idx.msk [tilespmem:v54+s15+$0x0], $0xffff;
	v54 =	vor.u32 v0, v34;
	v59 =	vand.u32 $0x1C00, v34;
	v60 =	vor.u32 v4, v34  }
0x16a: {  	[tilespmem:v38+s23+$0x0] =	vst.idx.msk $0xffff, v43;
	v50 =	vor.u32 v10, v34;
	v38 =	vand.u32 $0x388, v54;
	v41 =	vor.u32 v2, v59  }
0x16b: {  	v40 =	vld.idx.msk [tilespmem:v63+s15+$0x0], $0xffff;
	[tilespmem:v39+s23+$0x0] =	vst.idx.msk $0xffff, v61;
	v47 =	vor.u32 v38, v41;
	v61 =	vor.u32 v6, v34  }
0x16c: {  	v38 =	vand.u32 $0x398, v60;
	v48 =	vld.idx.msk [tilespmem:v62+s15+$0x0], $0xffff;
	v43 =	vand.u32 $0x3A8, v61;
	v62 =	vor.u32 v8, v34;
	[tilespmem:v37+s23+$0x0] =	vst.idx.msk $0xffff, v58  }
0x16d: {  	v44 =	vor.u32 v38, v41;
	v38 =	vor.u32 v43, v41;
	v63 =	vand.u32 $0x3B8, v62;
	v43 =	vld.idx.msk [tilespmem:v57+s15+$0x0], $0xffff  }
0x16e: {  	s30 =	simm.s32 $0x6;
	v39 =	vor.u32 v5, v33;
	v49 =	vld.idx.msk [tilespmem:v49+s15+$0x0], $0xffff;
	v37 =	vor.u32 v63, v41;
	[tilespmem:v52+s23+$0x0] =	vst.idx.msk $0xffff, v51  }
.LBB2_7:
0x16f: {  	s1 =	sadd.s32 $0x1, s30;
	v45 =	vor.u32 v45, v22  }
0x170: {  	p0 =	slt.u32 s30, $0x3E;
	v51 =	vor.u32 v9, v23;
	v46 =	vld.idx.msk [tilespmem:v46+s15+$0x0], $0xffff;
	v52 =	vand.u32 $0x3C8, v24;
	v53 =	vmovc v20;
	v20 =	vmovc v41;
	v24 =	vmov v50;
	s0 =	smov.u32 s30;
	s30 =	sadd.s32 $0x2, s30  }
0x171: {  	v50 =	vor.u32 v3, v33;
	v41 =	vadd.s32 s1, v0;
	[tilespmem:v35+s23+$0x0] =	vst.idx.msk $0xffff, v48;
	v35 =	vor.u32 v52, v53  }
0x172: {  	v52 =	vor.u32 v11, v21;
	v48 =	vshll.u32 v41, $0x7;
	v41 =	vand.u32 $0x3F, v41;
	v42 =	vld.idx.msk [tilespmem:v42+s15+$0x0], $0xffff;
	[tilespmem:v17+s23+$0x0] =	vst.idx.msk $0xffff, v40  }
0x173: {  	v17 =	vmovc v36;
	v40 =	vor.u32 v1, v41;
	v54 =	vor.u32 v0, v48;
	v55 =	vand.u32 $0x1C00, v48  }
0x174: {  	v36 =	vand.u32 $0x388, v54;
	v54 =	vor.u32 v2, v55;
	v55 =	vor.u32 v3, v41;
	[tilespmem:v19+s23+$0x0] =	vst.idx.msk $0xffff, v43  }
0x175: {  	v57 =	vor.u32 v4, v48;
	v36 =	vor.u32 v36, v54;
	[tilespmem:v47+s23+$0x0] =	vst.idx.msk $0xffff, v49;
	v43 =	vld.idx.msk [tilespmem:v18+s15+$0x0], $0xffff  }
0x176: {  	v56 =	vand.u32 $0x398, v57;
	v47 =	vor.u32 v6, v48;
	v18 =	vmov v28;
	v49 =	vld.idx.msk [tilespmem:v50+s15+$0x0], $0xffff;
	[tilespmem:v35+s23+$0x0] =	vst.idx.msk $0xffff, v46  }
0x177: {  	v19 =	vmovc v32;
	v50 =	vor.u32 v56, v54;
	v28 =	vand.u32 $0x3A8, v47;
	v46 =	vor.u32 v8, v48;
	v47 =	vld.idx.msk [tilespmem:v52+s15+$0x0], $0xffff  }
0x178: {  	v35 =	vor.u32 v28, v54;
	v28 =	vor.u32 v10, v48;
	v32 =	vld.idx.msk [tilespmem:v40+s15+$0x0], $0xffff;
	[tilespmem:v45+s23+$0x0] =	vst.idx.msk $0xffff, v42  }
0x179: {  	v28 =	vand.u32 $0x3C8, v28;
	v40 =	vor.u32 v12, v34;
	v45 =	vor.u32 v13, v21;
	v42 =	vld.idx.msk [tilespmem:v51+s15+$0x0], $0xffff  }
0x17a: {  	v51 =	vor.u32 v28, v54;
	v28 =	vor.u32 v12, v48;
	v40 =	vand.u32 $0x3D8, v40  }
0x17b: {  	v52 =	vor.u32 v11, v23;
	v28 =	vand.u32 $0x3D8, v28;
	v40 =	vor.u32 v40, v20;
	[tilespmem:v31+s23+$0x0] =	vst.idx.msk $0xffff, v43  }
0x17c: {  	v43 =	vor.u32 v28, v54;
	[tilespmem:v44+s23+$0x0] =	vst.idx.msk $0xffff, v49;
	v44 =	vor.u32 v14, v34  }
0x17d: {  	v31 =	vor.u32 v14, v48;
	v28 =	vor.u32 v15, v41;
	v39 =	vld.idx.msk [tilespmem:v39+s15+$0x0], $0xffff;
	[tilespmem:v29+s23+$0x0] =	vst.idx.msk $0xffff, v47  }
0x17e: {  	v30 =	vand.u32 $0x3E8, v30;
	v29 =	vand.u32 $0x3E8, v31;
	v31 =	vor.u32 v16, v34;
	[tilespmem:v36+s23+$0x0] =	vst.idx.msk $0xffff, v32;
	v47 =	vld.idx.msk [tilespmem:v45+s15+$0x0], $0xffff  }
0x17f: {  	v53 =	vor.u32 v30, v53;
	v49 =	vld.idx.msk [tilespmem:v55+s15+$0x0], $0xffff;
	v55 =	vor.u32 v7, v33;
	[tilespmem:v27+s23+$0x0] =	vst.idx.msk $0xffff, v42  }
0x180: {  	v30 =	vor.u32 v16, v48;
	v32 =	vor.u32 v29, v54;
	v31 =	vand.u32 $0x3F8, v31;
	v27 =	vmovc v51;
	v52 =	vld.idx.msk [tilespmem:v52+s15+$0x0], $0xffff  }
0x181: {  	v48 =	vor.u32 v5, v41;
	v36 =	vor.u32 v31, v20;
	v51 =	vor.u32 v15, v21;
	v29 =	vmovc v40  }
0x182: {  	v56 =	vor.u32 v13, v23;
	v23 =	vmovc v41;
	v31 =	vor.u32 v26, v22;
	v26 =	vand.u32 $0x3F8, v30;
	v22 =	vmovc v54  }
0x183: {  	v45 =	vand.u32 $0x3B8, v46;
	v21 =	vadd.s32 s0, v0;
	v42 =	vor.u32 v7, v23;
	v30 =	vmovc v44;
	[tilespmem:v38+s23+$0x0] =	vst.idx.msk $0xffff, v39  }
0x184: {  	v46 =	vor.u32 v9, v33;
	v34 =	vshll.u32 v21, $0x7;
	v54 =	vand.u32 $0x3F, v21;
	v55 =	vld.idx.msk [tilespmem:v55+s15+$0x0], $0xffff;
	[tilespmem:v53+s23+$0x0] =	vst.idx.msk $0xffff, v47  }
0x185: {  	v44 =	vor.u32 v0, v34;
	v38 =	vand.u32 $0x1C00, v34;
	v53 =	vor.u32 v1, v54;
	[tilespmem:v50+s23+$0x0] =	vst.idx.msk $0xffff, v49  }
.Ltmp2:
0x186: {  	v40 =	vand.u32 $0x388, v44;
	v21 =	vmovc v33;
	v39 =	vor.u32 v5, v54;
	v41 =	vor.u32 v2, v38;
	v48 =	vld.idx.msk [tilespmem:v48+s15+$0x0], $0xffff;
	(pc) =	sbr.rel @p0 .LBB2_7-.Ltmp2, $4  }
0x187: {  	v57 =	vor.u32 v4, v34;
	v38 =	vor.u32 v6, v34;
	v47 =	vor.u32 v40, v41;
	v40 =	vld.idx.msk [tilespmem:v51+s15+$0x0], $0xffff  }
0x188: {  	v50 =	vand.u32 $0x398, v57;
	v38 =	vand.u32 $0x3A8, v38;
	v49 =	vor.u32 v8, v34;
	[tilespmem:v25+s23+$0x0] =	vst.idx.msk $0xffff, v52;
	v25 =	vmovc v43  }
0x189: {  	v33 =	vmovc v54;
	v44 =	vor.u32 v50, v41;
	v38 =	vor.u32 v38, v41;
	v51 =	vand.u32 $0x3B8, v49;
	v43 =	vld.idx.msk [tilespmem:v56+s15+$0x0], $0xffff  }
0x18a: {  	v50 =	vor.u32 v10, v34;
	v49 =	vld.idx.msk [tilespmem:v53+s15+$0x0], $0xffff;
	[tilespmem:v37+s23+$0x0] =	vst.idx.msk $0xffff, v55;
	v37 =	vor.u32 v51, v41  }
0x18b: {  	v51 =	vor.u32 v3, v33;
	_ =	sdelay $0x3  }
0x18c: {  	[tilespmem:v47+s23+$0x0] =	vst.idx.msk $0xffff, v49  }
0x18d: {  	v47 =	vld.idx.msk [tilespmem:v51+s15+$0x0], $0xffff;
	_ =	sdelay $0x4  }
0x18e: {  	[tilespmem:v44+s23+$0x0] =	vst.idx.msk $0xffff, v47  }
0x18f: {  	v39 =	vld.idx.msk [tilespmem:v39+s15+$0x0], $0xffff  }
0x190: {  	v55 =	vor.u32 v7, v33;
	_ =	sdelay $0x2  }
0x191: {  	[tilespmem:v35+s23+$0x0] =	vst.idx.msk $0xffff, v48  }
0x192: {  	v56 =	vor.u32 v45, v22;
	v42 =	vld.idx.msk [tilespmem:v42+s15+$0x0], $0xffff;
	[tilespmem:v38+s23+$0x0] =	vst.idx.msk $0xffff, v39  }
0x193: {  	v57 =	vor.u32 v9, v23;
	v39 =	vld.idx.msk [tilespmem:v55+s15+$0x0], $0xffff  }
0x194: {  	v58 =	vor.u32 v9, v33;
	_ =	sdelay $0x1  }
0x195: {  	v24 =	vand.u32 $0x3C8, v24  }
0x196: {  	v59 =	vld.idx.msk [tilespmem:v46+s15+$0x0], $0xffff;
	v24 =	vor.u32 v24, v20;
	[tilespmem:v56+s23+$0x0] =	vst.idx.msk $0xffff, v42  }
0x197: {  	v60 =	vor.u32 v11, v21;
	v61 =	vand.u32 $0x3C8, v50;
	v38 =	vld.idx.msk [tilespmem:v57+s15+$0x0], $0xffff;
	[tilespmem:v37+s23+$0x0] =	vst.idx.msk $0xffff, v39  }
0x198: {  	v62 =	vor.u32 v11, v23;
	v37 =	vor.u32 v61, v41;
	v63 =	vld.idx.msk [tilespmem:v58+s15+$0x0], $0xffff  }
0x199: {  	v48 =	vor.u32 v11, v33;
	_ =	sdelay $0x1  }
0x19a: {  	[tilespmem:v24+s23+$0x0] =	vst.idx.msk $0xffff, v59  }
0x19b: {  	v49 =	vor.u32 v12, v34;
	v24 =	vld.idx.msk [tilespmem:v60+s15+$0x0], $0xffff;
	[tilespmem:v27+s23+$0x0] =	vst.idx.msk $0xffff, v38  }
0x19c: {  	v35 =	vand.u32 $0x3D8, v49;
	v27 =	vor.u32 v13, v21;
	v38 =	vld.idx.msk [tilespmem:v62+s15+$0x0], $0xffff;
	[tilespmem:v37+s23+$0x0] =	vst.idx.msk $0xffff, v63  }
0x19d: {  	v23 =	vor.u32 v13, v23;
	v35 =	vor.u32 v35, v41;
	v37 =	vld.idx.msk [tilespmem:v48+s15+$0x0], $0xffff  }
0x19e: {  	v50 =	vor.u32 v13, v33;
	_ =	sdelay $0x1  }
0x19f: {  	[tilespmem:v29+s23+$0x0] =	vst.idx.msk $0xffff, v24;
	v24 =	vand.u32 $0x3E8, v30  }
0x1a0: {  	v29 =	vor.u32 v14, v34;
	v20 =	vor.u32 v24, v20;
	v27 =	vld.idx.msk [tilespmem:v27+s15+$0x0], $0xffff;
	[tilespmem:v25+s23+$0x0] =	vst.idx.msk $0xffff, v38  }
0x1a1: {  	v24 =	vand.u32 $0x3E8, v29;
	v21 =	vor.u32 v15, v21;
	v23 =	vld.idx.msk [tilespmem:v23+s15+$0x0], $0xffff;
	[tilespmem:v35+s23+$0x0] =	vst.idx.msk $0xffff, v37  }
0x1a2: {  	v24 =	vor.u32 v24, v41;
	v25 =	vld.idx.msk [tilespmem:v50+s15+$0x0], $0xffff  }
0x1a3: {  	v29 =	vor.u32 v15, v33  }
0x1a4: {  	[tilespmem:v19+s23+$0x0] =	vst.idx.msk $0xffff, v43  }
0x1a5: {  	v18 =	vld.idx.msk [tilespmem:v18+s15+$0x0], $0xffff;
	[tilespmem:v20+s23+$0x0] =	vst.idx.msk $0xffff, v27  }
0x1a6: {  	v19 =	vor.u32 v16, v34;
	v20 =	vld.idx.msk [tilespmem:v21+s15+$0x0], $0xffff;
	[tilespmem:v32+s23+$0x0] =	vst.idx.msk $0xffff, v23  }
0x1a7: {  	v19 =	vand.u32 $0x3F8, v19;
	v21 =	vor.u32 v26, v22;
	v22 =	vld.idx.msk [tilespmem:v28+s15+$0x0], $0xffff;
	[tilespmem:v24+s23+$0x0] =	vst.idx.msk $0xffff, v25  }
0x1a8: {  	v19 =	vor.u32 v19, v41;
	v23 =	vld.idx.msk [tilespmem:v29+s15+$0x0], $0xffff  }
0x1a9: {  	[tilespmem:v17+s23+$0x0] =	vst.idx.msk $0xffff, v40  }
0x1aa: {  	s0 =	sshll.u32 s29, $0x12;
	[tilespmem:v31+s23+$0x0] =	vst.idx.msk $0xffff, v18  }
0x1ab: {  	s0 =	sor.u32 s4, s0;
	[tilespmem:v36+s23+$0x0] =	vst.idx.msk $0xffff, v20  }
0x1ac: {  	s0 =	sshrl.u32 s0, $0x3;
	[tilespmem:v21+s23+$0x0] =	vst.idx.msk $0xffff, v22  }
0x1ad: {  	p0 =	seq.s32 s6, $0x27;
	s0 =	sadd.s32 s2, s0;
	[tilespmem:v19+s23+$0x0] =	vst.idx.msk $0xffff, v23  }
0x1ae: {  	[hbm4b:s0+s9] =	stream.strided.scatter [tilespmem:s23], [sflag:$0x8], $0x2000, s10, s9, $0x38;
	[tilespmem:$0x1A400] =	vst v63  }
0x1af: {  	s0 =	simm.s32 @!p0 $0x6  }
0x1b0: {  	s1 =	simm.s32 $0x1;
	s29 =	smul.u32 @!p0 $0x280, s6;
	_ =	swait.ge @!p0 [sflag:s0], $0x2000  }
0x1b1: {  	v17 =	vadd.s32 s1, v0;
	[sflag:s0] =	ssyncset.done @!p0 $0x0  }
0x1b2: {  	s31 =	simm.s32 $0x0;
	v20 =	vand.u32 $0x3F, v17;
	[sflag:s0] =	ssyncadd.s32 @!p0 $0xFFFFE000;
	s0 =	sadd.s32 @!p0 $0x280, s29  }
0x1b3: {  	s1 =	simm.s32 @!p0 $0x80;
	s30 =	simm.s32 @!p0 $0x6400;
	v18 =	vor.u32 v1, v20;
	s0 =	sand.u32 @!p0 $0x1FF80, s0  }
0x1b4: {  	v17 =	vshll.u32 v17, $0x7;
	[tilespmem:s30], [sflag:$0x1] =	stream.indirect.gather @!p0 [hbm4b:s5+s1], $0x40, s0, s1, $0xb8;
	[tilespmem:$0x1A400] =	vst v63  }
0x1b5: {  	v30 =	vadd.s32 s31, v0;
	v27 =	vor.u32 v8, v17;
	_ =	swait.ge [sflag:s24], $0x2000  }
0x1b6: {  	v26 =	vor.u32 v12, v17;
	v21 =	vand.u32 $0x1C00, v17;
	v19 =	vor.u32 v0, v17;
	[sflag:s24] =	ssyncset.done $0x0  }
0x1b7: {  	v31 =	vor.u32 v15, v20;
	v21 =	vor.u32 v2, v21;
	v19 =	vand.u32 $0x388, v19;
	[sflag:s24] =	ssyncadd.s32 $0xFFFFE000  }
0x1b8: {  	v63 =	vor.u32 v9, v20;
	v43 =	vor.u32 v13, v20;
	v19 =	vor.u32 v19, v21;
	v18 =	vld.idx.msk [tilespmem:v18+s18+$0x0], $0xffff  }
0x1b9: {  	v22 =	vor.u32 v4, v17;
	v27 =	vand.u32 $0x3B8, v27;
	v23 =	vor.u32 v3, v20  }
0x1ba: {  	v22 =	vand.u32 $0x398, v22;
	v24 =	vor.u32 v6, v17;
	v25 =	vor.u32 v10, v17  }
0x1bb: {  	v22 =	vor.u32 v22, v21;
	v24 =	vand.u32 $0x3A8, v24;
	v25 =	vand.u32 $0x3C8, v25  }
0x1bc: {  	v27 =	vor.u32 v27, v21;
	v24 =	vor.u32 v24, v21;
	v28 =	vor.u32 v25, v21  }
0x1bd: {  	v25 =	vand.u32 $0x3D8, v26;
	v26 =	vor.u32 v14, v17;
	v17 =	vor.u32 v16, v17;
	[tilespmem:v19+s25+$0x0] =	vst.idx.msk $0xffff, v18  }
0x1be: {  	v29 =	vor.u32 v25, v21;
	v35 =	vand.u32 $0x3F8, v17;
	v17 =	vor.u32 v7, v20;
	v19 =	vld.idx.msk [tilespmem:v23+s18+$0x0], $0xffff  }
0x1bf: {  	s1 =	simm.s32 $0x3;
	v18 =	vand.u32 $0x3E8, v26;
	v26 =	vand.u32 $0x3F, v30;
	v23 =	vor.u32 v5, v20  }
0x1c0: {  	v60 =	vadd.s32 s1, v0;
	v25 =	vor.u32 v18, v21;
	v18 =	vor.u32 v1, v26  }
0x1c1: {  	v49 =	vor.u32 v35, v21;
	v62 =	vshll.u32 v60, $0x7;
	v30 =	vshll.u32 v30, $0x7  }
0x1c2: {  	v41 =	vor.u32 v16, v62;
	v51 =	vor.u32 v0, v30;
	v53 =	vor.u32 v4, v30  }
0x1c3: {  	v52 =	vand.u32 $0x1C00, v30;
	v54 =	vor.u32 v6, v30;
	v55 =	vor.u32 v8, v30;
	[tilespmem:v22+s25+$0x0] =	vst.idx.msk $0xffff, v19  }
0x1c4: {  	v61 =	vor.u32 v3, v26;
	v32 =	vor.u32 v2, v52;
	v19 =	vand.u32 $0x388, v51;
	v23 =	vld.idx.msk [tilespmem:v23+s18+$0x0], $0xffff  }
0x1c5: {  	v40 =	vor.u32 v10, v30;
	v58 =	vor.u32 v12, v30;
	v18 =	vld.idx.msk [tilespmem:v18+s18+$0x0], $0xffff;
	v19 =	vor.u32 v19, v32  }
0x1c6: {  	v38 =	vor.u32 v14, v30;
	v30 =	vor.u32 v16, v30;
	v33 =	vand.u32 $0x398, v53  }
0x1c7: {  	v34 =	vand.u32 $0x3A8, v54;
	v59 =	vand.u32 $0x3B8, v55;
	v53 =	vor.u32 v4, v62  }
0x1c8: {  	v37 =	vand.u32 $0x3D8, v58;
	v56 =	vor.u32 v33, v32;
	v33 =	vand.u32 $0x3F, v60  }
0x1c9: {  	v38 =	vand.u32 $0x3E8, v38;
	v57 =	vor.u32 v34, v32;
	[tilespmem:v24+s25+$0x0] =	vst.idx.msk $0xffff, v23;
	v24 =	vor.u32 v1, v33  }
0x1ca: {  	s31 =	simm.s32 $0x2;
	v36 =	vor.u32 v59, v32;
	v59 =	vor.u32 v12, v62;
	[tilespmem:v19+s25+$0x0] =	vst.idx.msk $0xffff, v18;
	v17 =	vld.idx.msk [tilespmem:v17+s18+$0x0], $0xffff  }
0x1cb: {  	v47 =	vor.u32 v37, v32;
	v60 =	vor.u32 v11, v20;
	v20 =	vadd.s32 s31, v0;
	v54 =	vld.idx.msk [tilespmem:v61+s18+$0x0], $0xffff  }
0x1cc: {  	v22 =	vor.u32 v5, v26;
	v51 =	vor.u32 v0, v62;
	v23 =	vand.u32 $0x1C00, v62  }
0x1cd: {  	v38 =	vor.u32 v38, v32;
	v34 =	vor.u32 v2, v23;
	v23 =	vand.u32 $0x388, v51  }
0x1ce: {  	v52 =	vor.u32 v3, v33;
	v42 =	vshll.u32 v20, $0x7;
	v19 =	vor.u32 v23, v34;
	v24 =	vld.idx.msk [tilespmem:v24+s18+$0x0], $0xffff  }
0x1cf: {  	v21 =	vand.u32 $0x3F, v20;
	v20 =	vor.u32 v0, v42;
	v18 =	vand.u32 $0x398, v53;
	[tilespmem:v27+s25+$0x0] =	vst.idx.msk $0xffff, v17  }
0x1d0: {  	v61 =	vor.u32 v7, v26;
	v23 =	vor.u32 v6, v62;
	[tilespmem:v56+s25+$0x0] =	vst.idx.msk $0xffff, v54;
	v27 =	vld.idx.msk [tilespmem:v63+s18+$0x0], $0xffff  }
0x1d1: {  	v51 =	vor.u32 v5, v21;
	v55 =	vor.u32 v18, v34;
	v18 =	vand.u32 $0x3A8, v23;
	v22 =	vld.idx.msk [tilespmem:v22+s18+$0x0], $0xffff  }
0x1d2: {  	v46 =	vor.u32 v18, v34;
	v18 =	vor.u32 v10, v62;
	v17 =	vand.u32 $0x3D8, v59  }
0x1d3: {  	v18 =	vand.u32 $0x3C8, v18;
	v37 =	vor.u32 v17, v34;
	v17 =	vor.u32 v14, v62;
	[tilespmem:v19+s25+$0x0] =	vst.idx.msk $0xffff, v24  }
0x1d4: {  	v23 =	vor.u32 v8, v62;
	v48 =	vor.u32 v18, v34;
	v17 =	vand.u32 $0x3E8, v17;
	v24 =	vld.idx.msk [tilespmem:v52+s18+$0x0], $0xffff  }
0x1d5: {  	v19 =	vor.u32 v17, v34;
	v17 =	vand.u32 $0x3F8, v30;
	v30 =	vor.u32 v5, v33;
	[tilespmem:v28+s25+$0x0] =	vst.idx.msk $0xffff, v27  }
0x1d6: {  	v18 =	vor.u32 v15, v33;
	v62 =	vand.u32 $0x1C00, v42;
	[tilespmem:v57+s25+$0x0] =	vst.idx.msk $0xffff, v22;
	v22 =	vor.u32 v1, v21  }
0x1d7: {  	v56 =	vand.u32 $0x388, v20;
	v59 =	vor.u32 v8, v42;
	v20 =	vor.u32 v2, v62;
	v28 =	vld.idx.msk [tilespmem:v60+s18+$0x0], $0xffff  }
0x1d8: {  	v54 =	vor.u32 v11, v26;
	v63 =	vor.u32 v9, v26;
	v35 =	vor.u32 v56, v20;
	v39 =	vld.idx.msk [tilespmem:v61+s18+$0x0], $0xffff  }
0x1d9: {  	v23 =	vand.u32 $0x3B8, v23;
	v17 =	vor.u32 v17, v32;
	v57 =	vor.u32 v4, v42;
	[tilespmem:v55+s25+$0x0] =	vst.idx.msk $0xffff, v24  }
0x1da: {  	v27 =	vor.u32 v7, v33;
	v58 =	vand.u32 $0x398, v57;
	v24 =	vor.u32 v6, v42;
	v30 =	vld.idx.msk [tilespmem:v30+s18+$0x0], $0xffff  }
0x1db: {  	v60 =	vor.u32 v3, v21;
	v57 =	vor.u32 v12, v42;
	v24 =	vand.u32 $0x3A8, v24;
	v45 =	vld.idx.msk [tilespmem:v22+s18+$0x0], $0xffff  }
0x1dc: {  	v22 =	vand.u32 $0x3C8, v40;
	[tilespmem:v29+s25+$0x0] =	vst.idx.msk $0xffff, v28;
	v28 =	vor.u32 v58, v20;
	v50 =	vor.u32 v24, v20  }
0x1dd: {  	s1 =	simm.s32 $0x5;
	v29 =	vand.u32 $0x3B8, v59;
	v24 =	vor.u32 v10, v42;
	[tilespmem:v36+s25+$0x0] =	vst.idx.msk $0xffff, v39;
	v36 =	vor.u32 v9, v33  }
0x1de: {  	v52 =	vor.u32 v29, v20;
	v29 =	vor.u32 v23, v34;
	v23 =	vadd.s32 s1, v0  }
0x1df: {  	v61 =	vor.u32 v22, v32;
	v39 =	vld.idx.msk [tilespmem:v63+s18+$0x0], $0xffff;
	v53 =	vshll.u32 v23, $0x7;
	v23 =	vand.u32 $0x3F, v23  }
0x1e0: {  	v43 =	vld.idx.msk [tilespmem:v43+s18+$0x0], $0xffff;
	v22 =	vor.u32 v0, v53;
	v63 =	vor.u32 v4, v53;
	v56 =	vor.u32 v3, v23  }
0x1e1: {  	v62 =	vand.u32 $0x1C00, v53;
	v59 =	vor.u32 v6, v53;
	v44 =	vor.u32 v8, v53;
	[tilespmem:v46+s25+$0x0] =	vst.idx.msk $0xffff, v30  }
0x1e2: {  	v30 =	vor.u32 v1, v23;
	v55 =	vand.u32 $0x388, v22;
	v22 =	vor.u32 v2, v62;
	[tilespmem:v35+s25+$0x0] =	vst.idx.msk $0xffff, v45  }
0x1e3: {  	v62 =	vor.u32 v10, v53;
	v46 =	vand.u32 $0x3D8, v57;
	v57 =	vor.u32 v13, v33;
	v27 =	vld.idx.msk [tilespmem:v27+s18+$0x0], $0xffff  }
0x1e4: {  	v58 =	vand.u32 $0x398, v63;
	v55 =	vor.u32 v55, v22;
	v40 =	vld.idx.msk [tilespmem:v60+s18+$0x0], $0xffff;
	v60 =	vand.u32 $0x3A8, v59;
	[tilespmem:v61+s25+$0x0] =	vst.idx.msk $0xffff, v39  }
0x1e5: {  	v59 =	vor.u32 v14, v53;
	v39 =	vor.u32 v58, v22;
	v35 =	vor.u32 v60, v22;
	v61 =	vld.idx.msk [tilespmem:v54+s18+$0x0], $0xffff  }
0x1e6: {  	[tilespmem:v25+s25+$0x0] =	vst.idx.msk $0xffff, v43;
	v58 =	vor.u32 v13, v26;
	v25 =	vor.u32 v12, v53  }
0x1e7: {  	v60 =	vor.u32 v16, v53;
	v25 =	vand.u32 $0x3D8, v25;
	v54 =	vor.u32 v7, v21  }
0x1e8: {  	v41 =	vand.u32 $0x3F8, v41;
	v25 =	vor.u32 v25, v22;
	v63 =	vld.idx.msk [tilespmem:v30+s18+$0x0], $0xffff;
	v30 =	vand.u32 $0x3C8, v62;
	[tilespmem:v29+s25+$0x0] =	vst.idx.msk $0xffff, v27  }
0x1e9: {  	v62 =	vor.u32 v5, v23;
	v27 =	vor.u32 v30, v22;
	[tilespmem:v28+s25+$0x0] =	vst.idx.msk $0xffff, v40;
	v40 =	vld.idx.msk [tilespmem:v36+s18+$0x0], $0xffff  }
0x1ea: {  	v29 =	vor.u32 v46, v20;
	v46 =	vor.u32 v11, v33;
	[tilespmem:v47+s25+$0x0] =	vst.idx.msk $0xffff, v61;
	v47 =	vld.idx.msk [tilespmem:v51+s18+$0x0], $0xffff  }
0x1eb: {  	v30 =	vor.u32 v14, v42;
	v36 =	vand.u32 $0x3E8, v59;
	v51 =	vld.idx.msk [tilespmem:v31+s18+$0x0], $0xffff;
	v31 =	vor.u32 v16, v42  }
0x1ec: {  	v28 =	vor.u32 v15, v23;
	v32 =	vor.u32 v36, v22;
	v31 =	vand.u32 $0x3F8, v31  }
0x1ed: {  	s31 =	simm.s32 $0x4;
	v42 =	vor.u32 v7, v23;
	v43 =	vld.idx.msk [tilespmem:v58+s18+$0x0], $0xffff;
	[tilespmem:v55+s25+$0x0] =	vst.idx.msk $0xffff, v63;
	v36 =	vor.u32 v31, v20  }
0x1ee: {  	v45 =	vand.u32 $0x3B8, v44;
	v63 =	vor.u32 v15, v26;
	v61 =	vld.idx.msk [tilespmem:v56+s18+$0x0], $0xffff;
	[tilespmem:v48+s25+$0x0] =	vst.idx.msk $0xffff, v40;
	v48 =	vadd.s32 s31, v0  }
0x1ef: {  	v26 =	vand.u32 $0x3F8, v60;
	v31 =	vor.u32 v41, v34;
	v58 =	vld.idx.msk [tilespmem:v46+s18+$0x0], $0xffff;
	[tilespmem:v50+s25+$0x0] =	vst.idx.msk $0xffff, v47;
	v33 =	vand.u32 $0x3F, v48  }
0x1f0: {  	[tilespmem:v49+s25+$0x0] =	vst.idx.msk $0xffff, v51;
	v34 =	vshll.u32 v48, $0x7;
	v46 =	vor.u32 v9, v21;
	v49 =	vor.u32 v1, v33  }
0x1f1: {  	v51 =	vld.idx.msk [tilespmem:v54+s18+$0x0], $0xffff;
	v54 =	vor.u32 v0, v34;
	v59 =	vand.u32 $0x1C00, v34;
	v60 =	vor.u32 v4, v34  }
0x1f2: {  	[tilespmem:v38+s25+$0x0] =	vst.idx.msk $0xffff, v43;
	v50 =	vor.u32 v10, v34;
	v38 =	vand.u32 $0x388, v54;
	v41 =	vor.u32 v2, v59  }
0x1f3: {  	v40 =	vld.idx.msk [tilespmem:v63+s18+$0x0], $0xffff;
	[tilespmem:v39+s25+$0x0] =	vst.idx.msk $0xffff, v61;
	v47 =	vor.u32 v38, v41;
	v61 =	vor.u32 v6, v34  }
0x1f4: {  	v38 =	vand.u32 $0x398, v60;
	v48 =	vld.idx.msk [tilespmem:v62+s18+$0x0], $0xffff;
	v43 =	vand.u32 $0x3A8, v61;
	v62 =	vor.u32 v8, v34;
	[tilespmem:v37+s25+$0x0] =	vst.idx.msk $0xffff, v58  }
0x1f5: {  	v44 =	vor.u32 v38, v41;
	v38 =	vor.u32 v43, v41;
	v63 =	vand.u32 $0x3B8, v62;
	v43 =	vld.idx.msk [tilespmem:v57+s18+$0x0], $0xffff  }
0x1f6: {  	s30 =	simm.s32 $0x6;
	v39 =	vor.u32 v5, v33;
	v49 =	vld.idx.msk [tilespmem:v49+s18+$0x0], $0xffff;
	v37 =	vor.u32 v63, v41;
	[tilespmem:v52+s25+$0x0] =	vst.idx.msk $0xffff, v51  }
.LBB2_9:
0x1f7: {  	s1 =	sadd.s32 $0x1, s30;
	v45 =	vor.u32 v45, v22  }
0x1f8: {  	p1 =	slt.u32 s30, $0x3E;
	v51 =	vor.u32 v9, v23;
	v46 =	vld.idx.msk [tilespmem:v46+s18+$0x0], $0xffff;
	v52 =	vand.u32 $0x3C8, v24;
	v53 =	vmovc v20;
	v20 =	vmovc v41;
	v24 =	vmov v50;
	s0 =	smov.u32 s30;
	s30 =	sadd.s32 $0x2, s30  }
0x1f9: {  	v50 =	vor.u32 v3, v33;
	v41 =	vadd.s32 s1, v0;
	[tilespmem:v35+s25+$0x0] =	vst.idx.msk $0xffff, v48;
	v35 =	vor.u32 v52, v53  }
0x1fa: {  	v52 =	vor.u32 v11, v21;
	v48 =	vshll.u32 v41, $0x7;
	v41 =	vand.u32 $0x3F, v41;
	v42 =	vld.idx.msk [tilespmem:v42+s18+$0x0], $0xffff;
	[tilespmem:v17+s25+$0x0] =	vst.idx.msk $0xffff, v40  }
0x1fb: {  	v17 =	vmovc v36;
	v40 =	vor.u32 v1, v41;
	v54 =	vor.u32 v0, v48;
	v55 =	vand.u32 $0x1C00, v48  }
0x1fc: {  	v36 =	vand.u32 $0x388, v54;
	v54 =	vor.u32 v2, v55;
	v55 =	vor.u32 v3, v41;
	[tilespmem:v19+s25+$0x0] =	vst.idx.msk $0xffff, v43  }
0x1fd: {  	v57 =	vor.u32 v4, v48;
	v36 =	vor.u32 v36, v54;
	[tilespmem:v47+s25+$0x0] =	vst.idx.msk $0xffff, v49;
	v43 =	vld.idx.msk [tilespmem:v18+s18+$0x0], $0xffff  }
0x1fe: {  	v56 =	vand.u32 $0x398, v57;
	v47 =	vor.u32 v6, v48;
	v18 =	vmov v28;
	v49 =	vld.idx.msk [tilespmem:v50+s18+$0x0], $0xffff;
	[tilespmem:v35+s25+$0x0] =	vst.idx.msk $0xffff, v46  }
0x1ff: {  	v19 =	vmovc v32;
	v50 =	vor.u32 v56, v54;
	v28 =	vand.u32 $0x3A8, v47;
	v46 =	vor.u32 v8, v48;
	v47 =	vld.idx.msk [tilespmem:v52+s18+$0x0], $0xffff  }
0x200: {  	v35 =	vor.u32 v28, v54;
	v28 =	vor.u32 v10, v48;
	v32 =	vld.idx.msk [tilespmem:v40+s18+$0x0], $0xffff;
	[tilespmem:v45+s25+$0x0] =	vst.idx.msk $0xffff, v42  }
0x201: {  	v28 =	vand.u32 $0x3C8, v28;
	v40 =	vor.u32 v12, v34;
	v45 =	vor.u32 v13, v21;
	v42 =	vld.idx.msk [tilespmem:v51+s18+$0x0], $0xffff  }
0x202: {  	v51 =	vor.u32 v28, v54;
	v28 =	vor.u32 v12, v48;
	v40 =	vand.u32 $0x3D8, v40  }
0x203: {  	v52 =	vor.u32 v11, v23;
	v28 =	vand.u32 $0x3D8, v28;
	v40 =	vor.u32 v40, v20;
	[tilespmem:v31+s25+$0x0] =	vst.idx.msk $0xffff, v43  }
0x204: {  	v43 =	vor.u32 v28, v54;
	[tilespmem:v44+s25+$0x0] =	vst.idx.msk $0xffff, v49;
	v44 =	vor.u32 v14, v34  }
0x205: {  	v31 =	vor.u32 v14, v48;
	v28 =	vor.u32 v15, v41;
	v39 =	vld.idx.msk [tilespmem:v39+s18+$0x0], $0xffff;
	[tilespmem:v29+s25+$0x0] =	vst.idx.msk $0xffff, v47  }
0x206: {  	v30 =	vand.u32 $0x3E8, v30;
	v29 =	vand.u32 $0x3E8, v31;
	v31 =	vor.u32 v16, v34;
	[tilespmem:v36+s25+$0x0] =	vst.idx.msk $0xffff, v32;
	v47 =	vld.idx.msk [tilespmem:v45+s18+$0x0], $0xffff  }
0x207: {  	v53 =	vor.u32 v30, v53;
	v49 =	vld.idx.msk [tilespmem:v55+s18+$0x0], $0xffff;
	v55 =	vor.u32 v7, v33;
	[tilespmem:v27+s25+$0x0] =	vst.idx.msk $0xffff, v42  }
0x208: {  	v30 =	vor.u32 v16, v48;
	v32 =	vor.u32 v29, v54;
	v31 =	vand.u32 $0x3F8, v31;
	v27 =	vmovc v51;
	v52 =	vld.idx.msk [tilespmem:v52+s18+$0x0], $0xffff  }
0x209: {  	v48 =	vor.u32 v5, v41;
	v36 =	vor.u32 v31, v20;
	v51 =	vor.u32 v15, v21;
	v29 =	vmovc v40  }
0x20a: {  	v56 =	vor.u32 v13, v23;
	v23 =	vmovc v41;
	v31 =	vor.u32 v26, v22;
	v26 =	vand.u32 $0x3F8, v30;
	v22 =	vmovc v54  }
0x20b: {  	v45 =	vand.u32 $0x3B8, v46;
	v21 =	vadd.s32 s0, v0;
	v42 =	vor.u32 v7, v23;
	v30 =	vmovc v44;
	[tilespmem:v38+s25+$0x0] =	vst.idx.msk $0xffff, v39  }
0x20c: {  	v46 =	vor.u32 v9, v33;
	v34 =	vshll.u32 v21, $0x7;
	v54 =	vand.u32 $0x3F, v21;
	v55 =	vld.idx.msk [tilespmem:v55+s18+$0x0], $0xffff;
	[tilespmem:v53+s25+$0x0] =	vst.idx.msk $0xffff, v47  }
0x20d: {  	v44 =	vor.u32 v0, v34;
	v38 =	vand.u32 $0x1C00, v34;
	v53 =	vor.u32 v1, v54;
	[tilespmem:v50+s25+$0x0] =	vst.idx.msk $0xffff, v49  }
.Ltmp3:
0x20e: {  	v40 =	vand.u32 $0x388, v44;
	v21 =	vmovc v33;
	v39 =	vor.u32 v5, v54;
	v41 =	vor.u32 v2, v38;
	v48 =	vld.idx.msk [tilespmem:v48+s18+$0x0], $0xffff;
	(pc) =	sbr.rel @p1 .LBB2_9-.Ltmp3, $4  }
0x20f: {  	v57 =	vor.u32 v4, v34;
	v38 =	vor.u32 v6, v34;
	v47 =	vor.u32 v40, v41;
	v40 =	vld.idx.msk [tilespmem:v51+s18+$0x0], $0xffff  }
0x210: {  	v50 =	vand.u32 $0x398, v57;
	v38 =	vand.u32 $0x3A8, v38;
	v49 =	vor.u32 v8, v34;
	[tilespmem:v25+s25+$0x0] =	vst.idx.msk $0xffff, v52;
	v25 =	vmovc v43  }
0x211: {  	v33 =	vmovc v54;
	v44 =	vor.u32 v50, v41;
	v38 =	vor.u32 v38, v41;
	v51 =	vand.u32 $0x3B8, v49;
	v43 =	vld.idx.msk [tilespmem:v56+s18+$0x0], $0xffff  }
0x212: {  	v50 =	vor.u32 v10, v34;
	v49 =	vld.idx.msk [tilespmem:v53+s18+$0x0], $0xffff;
	[tilespmem:v37+s25+$0x0] =	vst.idx.msk $0xffff, v55;
	v37 =	vor.u32 v51, v41  }
0x213: {  	v51 =	vor.u32 v3, v33;
	_ =	sdelay $0x3  }
0x214: {  	[tilespmem:v47+s25+$0x0] =	vst.idx.msk $0xffff, v49  }
0x215: {  	v47 =	vld.idx.msk [tilespmem:v51+s18+$0x0], $0xffff;
	_ =	sdelay $0x4  }
0x216: {  	[tilespmem:v44+s25+$0x0] =	vst.idx.msk $0xffff, v47  }
0x217: {  	v39 =	vld.idx.msk [tilespmem:v39+s18+$0x0], $0xffff  }
0x218: {  	v55 =	vor.u32 v7, v33;
	_ =	sdelay $0x2  }
0x219: {  	[tilespmem:v35+s25+$0x0] =	vst.idx.msk $0xffff, v48  }
0x21a: {  	v56 =	vor.u32 v45, v22;
	v42 =	vld.idx.msk [tilespmem:v42+s18+$0x0], $0xffff;
	[tilespmem:v38+s25+$0x0] =	vst.idx.msk $0xffff, v39  }
0x21b: {  	v57 =	vor.u32 v9, v23;
	v39 =	vld.idx.msk [tilespmem:v55+s18+$0x0], $0xffff  }
0x21c: {  	v58 =	vor.u32 v9, v33;
	_ =	sdelay $0x1  }
0x21d: {  	v24 =	vand.u32 $0x3C8, v24  }
0x21e: {  	v59 =	vld.idx.msk [tilespmem:v46+s18+$0x0], $0xffff;
	v24 =	vor.u32 v24, v20;
	[tilespmem:v56+s25+$0x0] =	vst.idx.msk $0xffff, v42  }
0x21f: {  	v60 =	vor.u32 v11, v21;
	v61 =	vand.u32 $0x3C8, v50;
	v38 =	vld.idx.msk [tilespmem:v57+s18+$0x0], $0xffff;
	[tilespmem:v37+s25+$0x0] =	vst.idx.msk $0xffff, v39  }
0x220: {  	v62 =	vor.u32 v11, v23;
	v37 =	vor.u32 v61, v41;
	v63 =	vld.idx.msk [tilespmem:v58+s18+$0x0], $0xffff  }
0x221: {  	v48 =	vor.u32 v11, v33;
	_ =	sdelay $0x1  }
0x222: {  	[tilespmem:v24+s25+$0x0] =	vst.idx.msk $0xffff, v59  }
0x223: {  	v49 =	vor.u32 v12, v34;
	v24 =	vld.idx.msk [tilespmem:v60+s18+$0x0], $0xffff;
	[tilespmem:v27+s25+$0x0] =	vst.idx.msk $0xffff, v38  }
0x224: {  	v35 =	vand.u32 $0x3D8, v49;
	v27 =	vor.u32 v13, v21;
	v38 =	vld.idx.msk [tilespmem:v62+s18+$0x0], $0xffff;
	[tilespmem:v37+s25+$0x0] =	vst.idx.msk $0xffff, v63  }
0x225: {  	v23 =	vor.u32 v13, v23;
	v35 =	vor.u32 v35, v41;
	v37 =	vld.idx.msk [tilespmem:v48+s18+$0x0], $0xffff  }
0x226: {  	v50 =	vor.u32 v13, v33;
	_ =	sdelay $0x1  }
0x227: {  	[tilespmem:v29+s25+$0x0] =	vst.idx.msk $0xffff, v24;
	v24 =	vand.u32 $0x3E8, v30  }
0x228: {  	v29 =	vor.u32 v14, v34;
	v20 =	vor.u32 v24, v20;
	v27 =	vld.idx.msk [tilespmem:v27+s18+$0x0], $0xffff;
	[tilespmem:v25+s25+$0x0] =	vst.idx.msk $0xffff, v38  }
0x229: {  	v24 =	vand.u32 $0x3E8, v29;
	v21 =	vor.u32 v15, v21;
	v23 =	vld.idx.msk [tilespmem:v23+s18+$0x0], $0xffff;
	[tilespmem:v35+s25+$0x0] =	vst.idx.msk $0xffff, v37  }
0x22a: {  	v24 =	vor.u32 v24, v41;
	v25 =	vld.idx.msk [tilespmem:v50+s18+$0x0], $0xffff  }
0x22b: {  	v29 =	vor.u32 v15, v33  }
0x22c: {  	[tilespmem:v19+s25+$0x0] =	vst.idx.msk $0xffff, v43  }
0x22d: {  	v18 =	vld.idx.msk [tilespmem:v18+s18+$0x0], $0xffff;
	[tilespmem:v20+s25+$0x0] =	vst.idx.msk $0xffff, v27  }
0x22e: {  	v19 =	vor.u32 v16, v34;
	v20 =	vld.idx.msk [tilespmem:v21+s18+$0x0], $0xffff;
	[tilespmem:v32+s25+$0x0] =	vst.idx.msk $0xffff, v23  }
0x22f: {  	v19 =	vand.u32 $0x3F8, v19;
	v21 =	vor.u32 v26, v22;
	v22 =	vld.idx.msk [tilespmem:v28+s18+$0x0], $0xffff;
	[tilespmem:v24+s25+$0x0] =	vst.idx.msk $0xffff, v25  }
0x230: {  	v19 =	vor.u32 v19, v41;
	v23 =	vld.idx.msk [tilespmem:v29+s18+$0x0], $0xffff  }
0x231: {  	[tilespmem:v17+s25+$0x0] =	vst.idx.msk $0xffff, v40  }
0x232: {  	s0 =	sshll.u32 s11, $0x12;
	[tilespmem:v31+s25+$0x0] =	vst.idx.msk $0xffff, v18  }
0x233: {  	s0 =	sor.u32 s4, s0;
	[tilespmem:v36+s25+$0x0] =	vst.idx.msk $0xffff, v20  }
0x234: {  	s0 =	sshrl.u32 s0, $0x3;
	[tilespmem:v21+s25+$0x0] =	vst.idx.msk $0xffff, v22  }
0x235: {  	s0 =	sadd.s32 s2, s0;
	[tilespmem:v19+s25+$0x0] =	vst.idx.msk $0xffff, v23  }
0x236: {  	[hbm4b:s0+s9] =	stream.strided.scatter [tilespmem:s25], [sflag:$0x9], $0x2000, s10, s9, $0x38;
	[tilespmem:$0x1A400] =	vst v63  }
0x237: {  	s0 =	simm.s32 @!p0 $0x7  }
0x238: {  	s1 =	simm.s32 $0x1;
	_ =	swait.ge @!p0 [sflag:s0], $0x2000  }
0x239: {  	v17 =	vadd.s32 s1, v0;
	[sflag:s0] =	ssyncset.done @!p0 $0x0  }
0x23a: {  	v20 =	vand.u32 $0x3F, v17;
	[sflag:s0] =	ssyncadd.s32 @!p0 $0xFFFFE000;
	s0 =	sadd.s32 @!p0 $0x300, s29  }
0x23b: {  	s11 =	simm.s32 @!p0 $0x8400;
	s1 =	simm.s32 @!p0 $0x80;
	v18 =	vor.u32 v1, v20;
	s0 =	sand.u32 @!p0 $0x1FF80, s0  }
0x23c: {  	v17 =	vshll.u32 v17, $0x7;
	[tilespmem:s11], [sflag:$0x2] =	stream.indirect.gather @!p0 [hbm4b:s5+s1], $0x40, s0, s1, $0xb8;
	[tilespmem:$0x1A400] =	vst v63  }
0x23d: {  	v27 =	vor.u32 v8, v17;
	v26 =	vor.u32 v12, v17;
	v31 =	vor.u32 v15, v20;
	_ =	swait.ge [sflag:s26], $0x2000  }
0x23e: {  	v63 =	vor.u32 v9, v20;
	v21 =	vand.u32 $0x1C00, v17;
	v19 =	vor.u32 v0, v17;
	[sflag:s26] =	ssyncset.done $0x0  }
0x23f: {  	v43 =	vor.u32 v13, v20;
	v21 =	vor.u32 v2, v21;
	v19 =	vand.u32 $0x388, v19;
	[sflag:s26] =	ssyncadd.s32 $0xFFFFE000  }
0x240: {  	v22 =	vor.u32 v4, v17;
	v27 =	vand.u32 $0x3B8, v27;
	v19 =	vor.u32 v19, v21;
	v18 =	vld.idx.msk [tilespmem:v18+s21+$0x0], $0xffff  }
0x241: {  	v22 =	vand.u32 $0x398, v22;
	v24 =	vor.u32 v6, v17;
	v23 =	vor.u32 v3, v20  }
0x242: {  	v25 =	vor.u32 v10, v17;
	v22 =	vor.u32 v22, v21;
	v24 =	vand.u32 $0x3A8, v24  }
0x243: {  	v25 =	vand.u32 $0x3C8, v25;
	v27 =	vor.u32 v27, v21;
	v24 =	vor.u32 v24, v21  }
0x244: {  	v28 =	vor.u32 v25, v21;
	v25 =	vand.u32 $0x3D8, v26;
	v26 =	vor.u32 v14, v17  }
0x245: {  	v29 =	vor.u32 v25, v21;
	v17 =	vor.u32 v16, v17;
	s1 =	simm.s32 $0x0;
	[tilespmem:v19+s28+$0x0] =	vst.idx.msk $0xffff, v18  }
0x246: {  	v35 =	vand.u32 $0x3F8, v17;
	v17 =	vor.u32 v7, v20;
	v30 =	vadd.s32 s1, v0;
	v19 =	vld.idx.msk [tilespmem:v23+s21+$0x0], $0xffff  }
0x247: {  	s11 =	simm.s32 $0x3;
	v18 =	vand.u32 $0x3E8, v26;
	v26 =	vand.u32 $0x3F, v30;
	v23 =	vor.u32 v5, v20  }
0x248: {  	v60 =	vadd.s32 s11, v0;
	v25 =	vor.u32 v18, v21;
	v18 =	vor.u32 v1, v26  }
0x249: {  	v49 =	vor.u32 v35, v21;
	v62 =	vshll.u32 v60, $0x7;
	v30 =	vshll.u32 v30, $0x7  }
0x24a: {  	v41 =	vor.u32 v16, v62;
	v51 =	vor.u32 v0, v30;
	v53 =	vor.u32 v4, v30  }
0x24b: {  	v52 =	vand.u32 $0x1C00, v30;
	v54 =	vor.u32 v6, v30;
	v55 =	vor.u32 v8, v30;
	[tilespmem:v22+s28+$0x0] =	vst.idx.msk $0xffff, v19  }
0x24c: {  	v61 =	vor.u32 v3, v26;
	v32 =	vor.u32 v2, v52;
	v19 =	vand.u32 $0x388, v51;
	v23 =	vld.idx.msk [tilespmem:v23+s21+$0x0], $0xffff  }
0x24d: {  	v40 =	vor.u32 v10, v30;
	v58 =	vor.u32 v12, v30;
	v18 =	vld.idx.msk [tilespmem:v18+s21+$0x0], $0xffff;
	v19 =	vor.u32 v19, v32  }
0x24e: {  	v38 =	vor.u32 v14, v30;
	v30 =	vor.u32 v16, v30;
	v33 =	vand.u32 $0x398, v53  }
0x24f: {  	v34 =	vand.u32 $0x3A8, v54;
	v59 =	vand.u32 $0x3B8, v55;
	v53 =	vor.u32 v4, v62  }
0x250: {  	v37 =	vand.u32 $0x3D8, v58;
	v56 =	vor.u32 v33, v32;
	v33 =	vand.u32 $0x3F, v60  }
0x251: {  	v38 =	vand.u32 $0x3E8, v38;
	v57 =	vor.u32 v34, v32;
	[tilespmem:v24+s28+$0x0] =	vst.idx.msk $0xffff, v23;
	v24 =	vor.u32 v1, v33  }
0x252: {  	s29 =	simm.s32 $0x2;
	v36 =	vor.u32 v59, v32;
	v59 =	vor.u32 v12, v62;
	[tilespmem:v19+s28+$0x0] =	vst.idx.msk $0xffff, v18;
	v17 =	vld.idx.msk [tilespmem:v17+s21+$0x0], $0xffff  }
0x253: {  	v47 =	vor.u32 v37, v32;
	v60 =	vor.u32 v11, v20;
	v20 =	vadd.s32 s29, v0;
	v54 =	vld.idx.msk [tilespmem:v61+s21+$0x0], $0xffff  }
0x254: {  	v22 =	vor.u32 v5, v26;
	v51 =	vor.u32 v0, v62;
	v23 =	vand.u32 $0x1C00, v62  }
0x255: {  	v38 =	vor.u32 v38, v32;
	v34 =	vor.u32 v2, v23;
	v23 =	vand.u32 $0x388, v51  }
0x256: {  	v52 =	vor.u32 v3, v33;
	v42 =	vshll.u32 v20, $0x7;
	v19 =	vor.u32 v23, v34;
	v24 =	vld.idx.msk [tilespmem:v24+s21+$0x0], $0xffff  }
0x257: {  	v21 =	vand.u32 $0x3F, v20;
	v20 =	vor.u32 v0, v42;
	v18 =	vand.u32 $0x398, v53;
	[tilespmem:v27+s28+$0x0] =	vst.idx.msk $0xffff, v17  }
0x258: {  	v61 =	vor.u32 v7, v26;
	v23 =	vor.u32 v6, v62;
	[tilespmem:v56+s28+$0x0] =	vst.idx.msk $0xffff, v54;
	v27 =	vld.idx.msk [tilespmem:v63+s21+$0x0], $0xffff  }
0x259: {  	v51 =	vor.u32 v5, v21;
	v55 =	vor.u32 v18, v34;
	v18 =	vand.u32 $0x3A8, v23;
	v22 =	vld.idx.msk [tilespmem:v22+s21+$0x0], $0xffff  }
0x25a: {  	v46 =	vor.u32 v18, v34;
	v18 =	vor.u32 v10, v62;
	v17 =	vand.u32 $0x3D8, v59  }
0x25b: {  	v18 =	vand.u32 $0x3C8, v18;
	v37 =	vor.u32 v17, v34;
	v17 =	vor.u32 v14, v62;
	[tilespmem:v19+s28+$0x0] =	vst.idx.msk $0xffff, v24  }
0x25c: {  	v23 =	vor.u32 v8, v62;
	v48 =	vor.u32 v18, v34;
	v17 =	vand.u32 $0x3E8, v17;
	v24 =	vld.idx.msk [tilespmem:v52+s21+$0x0], $0xffff  }
0x25d: {  	v19 =	vor.u32 v17, v34;
	v17 =	vand.u32 $0x3F8, v30;
	v30 =	vor.u32 v5, v33;
	[tilespmem:v28+s28+$0x0] =	vst.idx.msk $0xffff, v27  }
0x25e: {  	v18 =	vor.u32 v15, v33;
	v62 =	vand.u32 $0x1C00, v42;
	[tilespmem:v57+s28+$0x0] =	vst.idx.msk $0xffff, v22;
	v22 =	vor.u32 v1, v21  }
0x25f: {  	v56 =	vand.u32 $0x388, v20;
	v59 =	vor.u32 v8, v42;
	v20 =	vor.u32 v2, v62;
	v28 =	vld.idx.msk [tilespmem:v60+s21+$0x0], $0xffff  }
0x260: {  	v54 =	vor.u32 v11, v26;
	v63 =	vor.u32 v9, v26;
	v35 =	vor.u32 v56, v20;
	v39 =	vld.idx.msk [tilespmem:v61+s21+$0x0], $0xffff  }
0x261: {  	v23 =	vand.u32 $0x3B8, v23;
	v17 =	vor.u32 v17, v32;
	v57 =	vor.u32 v4, v42;
	[tilespmem:v55+s28+$0x0] =	vst.idx.msk $0xffff, v24  }
0x262: {  	v27 =	vor.u32 v7, v33;
	v58 =	vand.u32 $0x398, v57;
	v24 =	vor.u32 v6, v42;
	v30 =	vld.idx.msk [tilespmem:v30+s21+$0x0], $0xffff  }
0x263: {  	v60 =	vor.u32 v3, v21;
	v57 =	vor.u32 v12, v42;
	v24 =	vand.u32 $0x3A8, v24;
	v45 =	vld.idx.msk [tilespmem:v22+s21+$0x0], $0xffff  }
0x264: {  	v22 =	vand.u32 $0x3C8, v40;
	[tilespmem:v29+s28+$0x0] =	vst.idx.msk $0xffff, v28;
	v28 =	vor.u32 v58, v20;
	v50 =	vor.u32 v24, v20  }
0x265: {  	s30 =	simm.s32 $0x5;
	v29 =	vand.u32 $0x3B8, v59;
	v24 =	vor.u32 v10, v42;
	[tilespmem:v36+s28+$0x0] =	vst.idx.msk $0xffff, v39;
	v36 =	vor.u32 v9, v33  }
0x266: {  	v52 =	vor.u32 v29, v20;
	v29 =	vor.u32 v23, v34;
	v23 =	vadd.s32 s30, v0  }
0x267: {  	v61 =	vor.u32 v22, v32;
	v39 =	vld.idx.msk [tilespmem:v63+s21+$0x0], $0xffff;
	v53 =	vshll.u32 v23, $0x7;
	v23 =	vand.u32 $0x3F, v23  }
0x268: {  	v43 =	vld.idx.msk [tilespmem:v43+s21+$0x0], $0xffff;
	v22 =	vor.u32 v0, v53;
	v63 =	vor.u32 v4, v53;
	v56 =	vor.u32 v3, v23  }
0x269: {  	v62 =	vand.u32 $0x1C00, v53;
	v59 =	vor.u32 v6, v53;
	v44 =	vor.u32 v8, v53;
	[tilespmem:v46+s28+$0x0] =	vst.idx.msk $0xffff, v30  }
0x26a: {  	v30 =	vor.u32 v1, v23;
	v55 =	vand.u32 $0x388, v22;
	v22 =	vor.u32 v2, v62;
	[tilespmem:v35+s28+$0x0] =	vst.idx.msk $0xffff, v45  }
0x26b: {  	v62 =	vor.u32 v10, v53;
	v46 =	vand.u32 $0x3D8, v57;
	v57 =	vor.u32 v13, v33;
	v27 =	vld.idx.msk [tilespmem:v27+s21+$0x0], $0xffff  }
0x26c: {  	v58 =	vand.u32 $0x398, v63;
	v55 =	vor.u32 v55, v22;
	v40 =	vld.idx.msk [tilespmem:v60+s21+$0x0], $0xffff;
	v60 =	vand.u32 $0x3A8, v59;
	[tilespmem:v61+s28+$0x0] =	vst.idx.msk $0xffff, v39  }
0x26d: {  	v59 =	vor.u32 v14, v53;
	v39 =	vor.u32 v58, v22;
	v35 =	vor.u32 v60, v22;
	v61 =	vld.idx.msk [tilespmem:v54+s21+$0x0], $0xffff  }
0x26e: {  	[tilespmem:v25+s28+$0x0] =	vst.idx.msk $0xffff, v43;
	v58 =	vor.u32 v13, v26;
	v25 =	vor.u32 v12, v53  }
0x26f: {  	v60 =	vor.u32 v16, v53;
	v25 =	vand.u32 $0x3D8, v25;
	v54 =	vor.u32 v7, v21  }
0x270: {  	v41 =	vand.u32 $0x3F8, v41;
	v25 =	vor.u32 v25, v22;
	v63 =	vld.idx.msk [tilespmem:v30+s21+$0x0], $0xffff;
	v30 =	vand.u32 $0x3C8, v62;
	[tilespmem:v29+s28+$0x0] =	vst.idx.msk $0xffff, v27  }
0x271: {  	v62 =	vor.u32 v5, v23;
	v27 =	vor.u32 v30, v22;
	[tilespmem:v28+s28+$0x0] =	vst.idx.msk $0xffff, v40;
	v40 =	vld.idx.msk [tilespmem:v36+s21+$0x0], $0xffff  }
0x272: {  	v29 =	vor.u32 v46, v20;
	v46 =	vor.u32 v11, v33;
	[tilespmem:v47+s28+$0x0] =	vst.idx.msk $0xffff, v61;
	v47 =	vld.idx.msk [tilespmem:v51+s21+$0x0], $0xffff  }
0x273: {  	v30 =	vor.u32 v14, v42;
	v36 =	vand.u32 $0x3E8, v59;
	v51 =	vld.idx.msk [tilespmem:v31+s21+$0x0], $0xffff;
	v31 =	vor.u32 v16, v42  }
0x274: {  	v28 =	vor.u32 v15, v23;
	v32 =	vor.u32 v36, v22;
	v31 =	vand.u32 $0x3F8, v31  }
0x275: {  	s31 =	simm.s32 $0x4;
	v42 =	vor.u32 v7, v23;
	v43 =	vld.idx.msk [tilespmem:v58+s21+$0x0], $0xffff;
	[tilespmem:v55+s28+$0x0] =	vst.idx.msk $0xffff, v63;
	v36 =	vor.u32 v31, v20  }
0x276: {  	v45 =	vand.u32 $0x3B8, v44;
	v63 =	vor.u32 v15, v26;
	v61 =	vld.idx.msk [tilespmem:v56+s21+$0x0], $0xffff;
	[tilespmem:v48+s28+$0x0] =	vst.idx.msk $0xffff, v40;
	v48 =	vadd.s32 s31, v0  }
0x277: {  	v26 =	vand.u32 $0x3F8, v60;
	v31 =	vor.u32 v41, v34;
	v58 =	vld.idx.msk [tilespmem:v46+s21+$0x0], $0xffff;
	[tilespmem:v50+s28+$0x0] =	vst.idx.msk $0xffff, v47;
	v33 =	vand.u32 $0x3F, v48  }
0x278: {  	[tilespmem:v49+s28+$0x0] =	vst.idx.msk $0xffff, v51;
	v34 =	vshll.u32 v48, $0x7;
	v46 =	vor.u32 v9, v21;
	v49 =	vor.u32 v1, v33  }
0x279: {  	v51 =	vld.idx.msk [tilespmem:v54+s21+$0x0], $0xffff;
	v54 =	vor.u32 v0, v34;
	v59 =	vand.u32 $0x1C00, v34;
	v60 =	vor.u32 v4, v34  }
0x27a: {  	[tilespmem:v38+s28+$0x0] =	vst.idx.msk $0xffff, v43;
	v50 =	vor.u32 v10, v34;
	v38 =	vand.u32 $0x388, v54;
	v41 =	vor.u32 v2, v59  }
0x27b: {  	v40 =	vld.idx.msk [tilespmem:v63+s21+$0x0], $0xffff;
	[tilespmem:v39+s28+$0x0] =	vst.idx.msk $0xffff, v61;
	v47 =	vor.u32 v38, v41;
	v61 =	vor.u32 v6, v34  }
0x27c: {  	v38 =	vand.u32 $0x398, v60;
	v48 =	vld.idx.msk [tilespmem:v62+s21+$0x0], $0xffff;
	v43 =	vand.u32 $0x3A8, v61;
	v62 =	vor.u32 v8, v34;
	[tilespmem:v37+s28+$0x0] =	vst.idx.msk $0xffff, v58  }
0x27d: {  	v44 =	vor.u32 v38, v41;
	v38 =	vor.u32 v43, v41;
	v63 =	vand.u32 $0x3B8, v62;
	v43 =	vld.idx.msk [tilespmem:v57+s21+$0x0], $0xffff  }
0x27e: {  	s11 =	simm.s32 $0x6;
	v39 =	vor.u32 v5, v33;
	v49 =	vld.idx.msk [tilespmem:v49+s21+$0x0], $0xffff;
	v37 =	vor.u32 v63, v41;
	[tilespmem:v52+s28+$0x0] =	vst.idx.msk $0xffff, v51  }
.LBB2_11:
0x27f: {  	s1 =	sadd.s32 $0x1, s11;
	v45 =	vor.u32 v45, v22  }
0x280: {  	p0 =	slt.u32 s11, $0x3E;
	v51 =	vor.u32 v9, v23;
	v46 =	vld.idx.msk [tilespmem:v46+s21+$0x0], $0xffff;
	v52 =	vand.u32 $0x3C8, v24;
	v53 =	vmovc v20;
	v20 =	vmovc v41;
	v24 =	vmov v50;
	s0 =	smov.u32 s11;
	s11 =	sadd.s32 $0x2, s11  }
0x281: {  	v50 =	vor.u32 v3, v33;
	v41 =	vadd.s32 s1, v0;
	[tilespmem:v35+s28+$0x0] =	vst.idx.msk $0xffff, v48;
	v35 =	vor.u32 v52, v53  }
0x282: {  	v52 =	vor.u32 v11, v21;
	v48 =	vshll.u32 v41, $0x7;
	v41 =	vand.u32 $0x3F, v41;
	v42 =	vld.idx.msk [tilespmem:v42+s21+$0x0], $0xffff;
	[tilespmem:v17+s28+$0x0] =	vst.idx.msk $0xffff, v40  }
0x283: {  	v17 =	vmovc v36;
	v40 =	vor.u32 v1, v41;
	v54 =	vor.u32 v0, v48;
	v55 =	vand.u32 $0x1C00, v48  }
0x284: {  	v36 =	vand.u32 $0x388, v54;
	v54 =	vor.u32 v2, v55;
	v55 =	vor.u32 v3, v41;
	[tilespmem:v19+s28+$0x0] =	vst.idx.msk $0xffff, v43  }
0x285: {  	v57 =	vor.u32 v4, v48;
	v36 =	vor.u32 v36, v54;
	[tilespmem:v47+s28+$0x0] =	vst.idx.msk $0xffff, v49;
	v43 =	vld.idx.msk [tilespmem:v18+s21+$0x0], $0xffff  }
0x286: {  	v56 =	vand.u32 $0x398, v57;
	v47 =	vor.u32 v6, v48;
	v18 =	vmov v28;
	v49 =	vld.idx.msk [tilespmem:v50+s21+$0x0], $0xffff;
	[tilespmem:v35+s28+$0x0] =	vst.idx.msk $0xffff, v46  }
0x287: {  	v19 =	vmovc v32;
	v50 =	vor.u32 v56, v54;
	v28 =	vand.u32 $0x3A8, v47;
	v46 =	vor.u32 v8, v48;
	v47 =	vld.idx.msk [tilespmem:v52+s21+$0x0], $0xffff  }
0x288: {  	v35 =	vor.u32 v28, v54;
	v28 =	vor.u32 v10, v48;
	v32 =	vld.idx.msk [tilespmem:v40+s21+$0x0], $0xffff;
	[tilespmem:v45+s28+$0x0] =	vst.idx.msk $0xffff, v42  }
0x289: {  	v28 =	vand.u32 $0x3C8, v28;
	v40 =	vor.u32 v12, v34;
	v45 =	vor.u32 v13, v21;
	v42 =	vld.idx.msk [tilespmem:v51+s21+$0x0], $0xffff  }
0x28a: {  	v51 =	vor.u32 v28, v54;
	v28 =	vor.u32 v12, v48;
	v40 =	vand.u32 $0x3D8, v40  }
0x28b: {  	v52 =	vor.u32 v11, v23;
	v28 =	vand.u32 $0x3D8, v28;
	v40 =	vor.u32 v40, v20;
	[tilespmem:v31+s28+$0x0] =	vst.idx.msk $0xffff, v43  }
0x28c: {  	v43 =	vor.u32 v28, v54;
	[tilespmem:v44+s28+$0x0] =	vst.idx.msk $0xffff, v49;
	v44 =	vor.u32 v14, v34  }
0x28d: {  	v31 =	vor.u32 v14, v48;
	v28 =	vor.u32 v15, v41;
	v39 =	vld.idx.msk [tilespmem:v39+s21+$0x0], $0xffff;
	[tilespmem:v29+s28+$0x0] =	vst.idx.msk $0xffff, v47  }
0x28e: {  	v30 =	vand.u32 $0x3E8, v30;
	v29 =	vand.u32 $0x3E8, v31;
	v31 =	vor.u32 v16, v34;
	[tilespmem:v36+s28+$0x0] =	vst.idx.msk $0xffff, v32;
	v47 =	vld.idx.msk [tilespmem:v45+s21+$0x0], $0xffff  }
0x28f: {  	v53 =	vor.u32 v30, v53;
	v49 =	vld.idx.msk [tilespmem:v55+s21+$0x0], $0xffff;
	v55 =	vor.u32 v7, v33;
	[tilespmem:v27+s28+$0x0] =	vst.idx.msk $0xffff, v42  }
0x290: {  	v30 =	vor.u32 v16, v48;
	v32 =	vor.u32 v29, v54;
	v31 =	vand.u32 $0x3F8, v31;
	v27 =	vmovc v51;
	v52 =	vld.idx.msk [tilespmem:v52+s21+$0x0], $0xffff  }
0x291: {  	v48 =	vor.u32 v5, v41;
	v36 =	vor.u32 v31, v20;
	v51 =	vor.u32 v15, v21;
	v29 =	vmovc v40  }
0x292: {  	v56 =	vor.u32 v13, v23;
	v23 =	vmovc v41;
	v31 =	vor.u32 v26, v22;
	v26 =	vand.u32 $0x3F8, v30;
	v22 =	vmovc v54  }
0x293: {  	v45 =	vand.u32 $0x3B8, v46;
	v21 =	vadd.s32 s0, v0;
	v42 =	vor.u32 v7, v23;
	v30 =	vmovc v44;
	[tilespmem:v38+s28+$0x0] =	vst.idx.msk $0xffff, v39  }
0x294: {  	v46 =	vor.u32 v9, v33;
	v34 =	vshll.u32 v21, $0x7;
	v54 =	vand.u32 $0x3F, v21;
	v55 =	vld.idx.msk [tilespmem:v55+s21+$0x0], $0xffff;
	[tilespmem:v53+s28+$0x0] =	vst.idx.msk $0xffff, v47  }
0x295: {  	v44 =	vor.u32 v0, v34;
	v38 =	vand.u32 $0x1C00, v34;
	v53 =	vor.u32 v1, v54;
	[tilespmem:v50+s28+$0x0] =	vst.idx.msk $0xffff, v49  }
.Ltmp4:
0x296: {  	v40 =	vand.u32 $0x388, v44;
	v21 =	vmovc v33;
	v39 =	vor.u32 v5, v54;
	v41 =	vor.u32 v2, v38;
	v48 =	vld.idx.msk [tilespmem:v48+s21+$0x0], $0xffff;
	(pc) =	sbr.rel @p0 .LBB2_11-.Ltmp4, $4  }
0x297: {  	v57 =	vor.u32 v4, v34;
	v38 =	vor.u32 v6, v34;
	v47 =	vor.u32 v40, v41;
	v40 =	vld.idx.msk [tilespmem:v51+s21+$0x0], $0xffff  }
0x298: {  	v50 =	vand.u32 $0x398, v57;
	v38 =	vand.u32 $0x3A8, v38;
	v49 =	vor.u32 v8, v34;
	[tilespmem:v25+s28+$0x0] =	vst.idx.msk $0xffff, v52;
	v25 =	vmovc v43  }
0x299: {  	v33 =	vmovc v54;
	v44 =	vor.u32 v50, v41;
	v38 =	vor.u32 v38, v41;
	v51 =	vand.u32 $0x3B8, v49;
	v43 =	vld.idx.msk [tilespmem:v56+s21+$0x0], $0xffff  }
0x29a: {  	v50 =	vor.u32 v10, v34;
	v49 =	vld.idx.msk [tilespmem:v53+s21+$0x0], $0xffff;
	[tilespmem:v37+s28+$0x0] =	vst.idx.msk $0xffff, v55;
	v37 =	vor.u32 v51, v41  }
0x29b: {  	v51 =	vor.u32 v3, v33;
	_ =	sdelay $0x3  }
0x29c: {  	[tilespmem:v47+s28+$0x0] =	vst.idx.msk $0xffff, v49  }
0x29d: {  	v47 =	vld.idx.msk [tilespmem:v51+s21+$0x0], $0xffff;
	_ =	sdelay $0x4  }
0x29e: {  	[tilespmem:v44+s28+$0x0] =	vst.idx.msk $0xffff, v47  }
0x29f: {  	v39 =	vld.idx.msk [tilespmem:v39+s21+$0x0], $0xffff  }
0x2a0: {  	v56 =	vor.u32 v7, v33;
	_ =	sdelay $0x2  }
0x2a1: {  	[tilespmem:v35+s28+$0x0] =	vst.idx.msk $0xffff, v48  }
0x2a2: {  	v57 =	vor.u32 v45, v22;
	v42 =	vld.idx.msk [tilespmem:v42+s21+$0x0], $0xffff;
	[tilespmem:v38+s28+$0x0] =	vst.idx.msk $0xffff, v39  }
0x2a3: {  	v58 =	vor.u32 v9, v23;
	v39 =	vld.idx.msk [tilespmem:v56+s21+$0x0], $0xffff  }
0x2a4: {  	v59 =	vor.u32 v9, v33;
	_ =	sdelay $0x1  }
0x2a5: {  	v24 =	vand.u32 $0x3C8, v24  }
0x2a6: {  	v60 =	vld.idx.msk [tilespmem:v46+s21+$0x0], $0xffff;
	v24 =	vor.u32 v24, v20;
	[tilespmem:v57+s28+$0x0] =	vst.idx.msk $0xffff, v42  }
0x2a7: {  	v61 =	vor.u32 v11, v21;
	v62 =	vand.u32 $0x3C8, v50;
	v38 =	vld.idx.msk [tilespmem:v58+s21+$0x0], $0xffff;
	[tilespmem:v37+s28+$0x0] =	vst.idx.msk $0xffff, v39  }
0x2a8: {  	v63 =	vor.u32 v11, v23;
	v37 =	vor.u32 v62, v41;
	v48 =	vld.idx.msk [tilespmem:v59+s21+$0x0], $0xffff  }
0x2a9: {  	v49 =	vor.u32 v11, v33;
	_ =	sdelay $0x1  }
0x2aa: {  	[tilespmem:v24+s28+$0x0] =	vst.idx.msk $0xffff, v60  }
0x2ab: {  	v50 =	vor.u32 v12, v34;
	v24 =	vld.idx.msk [tilespmem:v61+s21+$0x0], $0xffff;
	[tilespmem:v27+s28+$0x0] =	vst.idx.msk $0xffff, v38  }
0x2ac: {  	v35 =	vand.u32 $0x3D8, v50;
	v51 =	vor.u32 v13, v21;
	v38 =	vld.idx.msk [tilespmem:v63+s21+$0x0], $0xffff;
	[tilespmem:v37+s28+$0x0] =	vst.idx.msk $0xffff, v48  }
0x2ad: {  	v52 =	vor.u32 v13, v23;
	v35 =	vor.u32 v35, v41;
	v37 =	vld.idx.msk [tilespmem:v49+s21+$0x0], $0xffff  }
0x2ae: {  	v53 =	vor.u32 v13, v33;
	_ =	sdelay $0x1  }
0x2af: {  	v54 =	vand.u32 $0x3E8, v30;
	[tilespmem:v29+s28+$0x0] =	vst.idx.msk $0xffff, v24  }
0x2b0: {  	v55 =	vor.u32 v14, v34;
	v56 =	vor.u32 v54, v20;
	v27 =	vld.idx.msk [tilespmem:v51+s21+$0x0], $0xffff;
	[tilespmem:v25+s28+$0x0] =	vst.idx.msk $0xffff, v38  }
0x2b1: {  	v57 =	vor.u32 v15, v21;
	v58 =	vand.u32 $0x3E8, v55;
	v23 =	vld.idx.msk [tilespmem:v52+s21+$0x0], $0xffff;
	[tilespmem:v35+s28+$0x0] =	vst.idx.msk $0xffff, v37  }
0x2b2: {  	v24 =	vor.u32 v58, v41;
	v59 =	vld.idx.msk [tilespmem:v53+s21+$0x0], $0xffff  }
0x2b3: {  	v60 =	vor.u32 v15, v33  }
0x2b4: {  	[tilespmem:v19+s28+$0x0] =	vst.idx.msk $0xffff, v43  }
0x2b5: {  	v18 =	vld.idx.msk [tilespmem:v18+s21+$0x0], $0xffff;
	[tilespmem:v56+s28+$0x0] =	vst.idx.msk $0xffff, v27  }
0x2b6: {  	v19 =	vor.u32 v16, v34;
	v20 =	vld.idx.msk [tilespmem:v57+s21+$0x0], $0xffff;
	[tilespmem:v32+s28+$0x0] =	vst.idx.msk $0xffff, v23  }
0x2b7: {  	v19 =	vand.u32 $0x3F8, v19;
	v61 =	vor.u32 v26, v22;
	v62 =	vld.idx.msk [tilespmem:v28+s21+$0x0], $0xffff;
	[tilespmem:v24+s28+$0x0] =	vst.idx.msk $0xffff, v59  }
0x2b8: {  	s6 =	sadd.s32 $0x1, s6;
	v19 =	vor.u32 v19, v41;
	v63 =	vld.idx.msk [tilespmem:v60+s21+$0x0], $0xffff  }
0x2b9: {  	[tilespmem:v17+s28+$0x0] =	vst.idx.msk $0xffff, v40;
	p0 =	sne.s32 s6, $0x28  }
.Ltmp5:
0x2ba: {  	s0 =	sshll.u32 s8, $0x12;
	[tilespmem:v31+s28+$0x0] =	vst.idx.msk $0xffff, v18;
	(pc) =	sbr.rel @p0 .LBB2_2-.Ltmp5, $4  }
0x2bb: {  	s0 =	sor.u32 s4, s0;
	[tilespmem:v36+s28+$0x0] =	vst.idx.msk $0xffff, v20  }
0x2bc: {  	s0 =	sshrl.u32 s0, $0x3;
	[tilespmem:v61+s28+$0x0] =	vst.idx.msk $0xffff, v62  }
0x2bd: {  	s0 =	sadd.s32 s2, s0;
	[tilespmem:v19+s28+$0x0] =	vst.idx.msk $0xffff, v63  }
0x2be: {  	[hbm4b:s0+s9] =	stream.strided.scatter [tilespmem:s28], [sflag:$0xA], $0x2000, s10, s9, $0x38;
	[tilespmem:$0x1A400] =	vst v63  }
0x2bf: {  	s0 =	simm.s32 $0x6  }
0x2c0: {  	_ =	swait.ge [sflag:s0], $0x2000  }
0x2c1: {  	[sflag:s0] =	ssyncset.done $0x0  }
0x2c2: {  	s11 =	simm.s32 $0x7;
	[sflag:s0] =	ssyncadd.s32 $0xFFFFE000  }
0x2c3: {  	_ =	swait.ge [sflag:s11], $0x2000  }
0x2c4: {  	[sflag:s11] =	ssyncset.done $0x0  }
0x2c5: {  	s29 =	simm.s32 $0x8;
	[sflag:s11] =	ssyncadd.s32 $0xFFFFE000  }
0x2c6: {  	_ =	swait.ge [sflag:s29], $0x2000  }
0x2c7: {  	[sflag:s29] =	ssyncset.done $0x0  }
0x2c8: {  	s30 =	simm.s32 $0x9;
	[sflag:s29] =	ssyncadd.s32 $0xFFFFE000  }
0x2c9: {  	_ =	swait.ge [sflag:s30], $0x2000  }
0x2ca: {  	[sflag:s30] =	ssyncset.done $0x0  }
0x2cb: {  	s1 =	simm.s32 $0xA;
	[sflag:s30] =	ssyncadd.s32 $0xFFFFE000  }
0x2cc: {  	_ =	swait.ge [sflag:s1], $0x2000  }
0x2cd: {  	s3 =	sadd.s32 $0x1, s3;
	s31 =	rddreg [dreg:$0x5]  }
0x2ce: {  	p0 =	sne.s32 s3, s31  }
.Ltmp6:
0x2cf: {  	_ = 	snop;
	(pc) =	sbr.rel @p0 .LBB2_1-.Ltmp6, $3  }
0x2d0: {  	_ =	sdelay $0x1  }
0x2d1: {  	[sflag:s1] =	ssyncset.done $0x0  }
0x2d2: {  	[sflag:s1] =	ssyncadd.s32 $0xFFFFE000  }
0x2d3: {  	_ =	sfence.sel $0x180000  }
0x2d4: {  	[bflag:$0x0] =	sbarrier.arrive $0xFFFF  }
0x2d5: {  	_ =	strace $0x90000047  }
0x2d6: {  	s0 =	stileid.u32;
	[bflag:$0x2] =	sbarrier.arrive $0xFFFF  }
0x2d7: {  	p0 =	sne.s32 s0, $0x0;
	s0 =	rddreg [dreg:$0x3]  }
0x2d8: {  	s0 =	sadd.s32 @!p0 $0x100000, s0  }
0x2d9: {  	[sflag:s0] =	ssyncadd.tile.s32 @!p0 $0x1;
	_ =	shalt  }
.Lfunc_end2:
_tile_overlayer_lowered:
.L_overlay_start_2:
0x2da: {  	(tag) =	ssettag $0x2  }
0x2db: {  	s0 =	rddreg [dreg:$0x0];
	s2 =	stileid.u32  }
0x2dc: {  	s1 =	rddreg [dreg:$0x1];
	p0 =	sne.s32 s2, $0x0  }
0x2dd: {  	s3 =	rddreg [dreg:$0x2];
	[bflag:$0x3] =	sbarrier.arrive $0xFFFF;
	s2 =	simm.s32 @!p0 $0x1C0B  }
0x2de: {  	[timem:s3], [sflag:s2] =	dma.local @!p0 [hbm:s0], s1  }
0x2df: {  	s0 =	simm.s32 @!p0 $0xB  }
0x2e0: {  	_ =	swait.ge @!p0 [sflag:s0], s1  }
0x2e1: {  	s1 =	ssub.s32 @!p0 $0x0, s1;
	[sflag:s0] =	ssyncset.done @!p0 $0x0  }
0x2e2: {  	[sflag:s0] =	ssyncadd.s32 @!p0 s1  }
0x2e3: {  	[bflag:$0x3] =	sbarrier.arrive $0xFFFF  }
0x2e4: {  	_ =	shalt  }

</sc_bundles>
